<compile_context>
chip_gen: v7x
topology: tpu7x:2x2x1
jax: 0.10.2.dev20260603
libtpu: 0.0.44.dev20260713+nightly
codegen_flags: <defaults>
</compile_context>

<pallas_src>
import functools

import jax
import jax.numpy as jnp
from jax import lax
from jax.experimental import pallas as pl
from jax.experimental.pallas import tpu as pltpu
from jax.experimental.pallas import tpu_sc as plsc

N = 10000
E = 320000
D = 128
NPAD = 10240
NC = 2
NS = 16
NW = NC * NS
CHUNK = 128
CPT_CORE = (104, 56)
CPT_MAX = max(CPT_CORE)
TOTCH = NS * (CPT_CORE[0] + CPT_CORE[1])
EPAD = TOTCH * CHUNK
RPT = NPAD // NS
ALPHA = 0.2
BR = 1024
GRID = NPAD // BR

@functools.cache
def _sc_kernels():
    mesh = plsc.VectorSubcoreMesh(core_axis_name="c", subcore_axis_name="s",
                                  num_cores=NC, num_subcores=NS)

    @functools.partial(
        pl.kernel,
        out_type=jax.ShapeDtypeStruct((NC, NPAD, D), jnp.float32),
        mesh=mesh,
        scratch_types=[
            pltpu.VMEM((CPT_MAX, CHUNK), jnp.int32),
            pltpu.VMEM((CPT_MAX, CHUNK), jnp.int32),
            pltpu.VMEM((CHUNK, D), jnp.float32),
            pltpu.VMEM_SHARED((NPAD, D), jnp.float32),
            pltpu.SemaphoreType.DMA,
        ],
    )
    def sc_pass(u_hbm, src_hbm, dst_hbm, zeros_hbm, out_hbm, srcb, dstb,
                rows, wsh, sem):
        c = lax.axis_index("c")
        s = lax.axis_index("s")
        base = s * RPT
        pltpu.sync_copy(zeros_hbm.at[pl.ds(base, RPT)],
                        wsh.at[pl.ds(base, RPT)])
        plsc.subcore_barrier()

        def run(cpt, chunk0):
            pltpu.sync_copy(src_hbm.at[pl.ds(chunk0, cpt)],
                            srcb.at[pl.ds(0, cpt)])
            pltpu.sync_copy(dst_hbm.at[pl.ds(chunk0, cpt)],
                            dstb.at[pl.ds(0, cpt)])

            def body(j, carry):
                pltpu.async_copy(u_hbm.at[srcb.at[j]], rows, sem).wait()
                pltpu.sync_copy(rows, wsh.at[dstb.at[j]], add=True)
                return carry

            lax.fori_loop(0, cpt, body, 0)

        @pl.when(c == 0)
        def _():
            run(CPT_CORE[0], s * CPT_CORE[0])

        @pl.when(c == 1)
        def _():
            run(CPT_CORE[1], NS * CPT_CORE[0] + s * CPT_CORE[1])

        plsc.subcore_barrier()
        pltpu.sync_copy(wsh.at[pl.ds(base, RPT)],
                        out_hbm.at[c, pl.ds(base, RPT)])

    return sc_pass


def _ln(h):
    mu = jnp.mean(h, axis=-1, keepdims=True)
    var = jnp.mean((h - mu) * (h - mu), axis=-1, keepdims=True)
    return (h - mu) * lax.rsqrt(var + 1e-5)


def _dot(a, b):
    return jnp.dot(a, b, preferred_element_type=jnp.float32)


def _prep_body(d0, d1, x, u1_ref, dinv_ref):
    deg = d0[:, 0:1] + d1[:, 0:1] + 1.0
    dinv = lax.rsqrt(deg)
    dinv_ref[...] = dinv
    u1_ref[...] = x[...] * dinv


def _heads_accum(ah_or_none, ax, Wh, bh, Wx, bx, gf, gfb, gu, gub):
    gfh, gfx = gf[0:1, :], gf[1:2, :]
    guh, gux = gu[0:1, :], gu[1:2, :]
    acc = jnp.zeros_like(ax)
    for hd in range(4):
        if ah_or_none is None:
            hh = bh[hd:hd + 1, :]
            fh = jnp.sum(hh * gfh)
            uh = jnp.sum(hh * guh)
        else:
            hh = _dot(ah_or_none, Wh[hd]) + bh[hd:hd + 1, :]
            fh = jnp.sum(hh * gfh, axis=-1, keepdims=True)
            uh = jnp.sum(hh * guh, axis=-1, keepdims=True)
        xx = _dot(ax, Wx[hd]) + bx[hd:hd + 1, :]
        f = ALPHA * jnp.tanh(fh + jnp.sum(xx * gfx, axis=-1, keepdims=True)
                             + gfb[0, 0])
        u = ALPHA * jnp.tanh(uh + jnp.sum(xx * gux, axis=-1, keepdims=True)
                             + gub[0, 0])
        acc = acc + (1.0 + f) * hh + (1.0 + u) * xx
    return acc * 0.25


def _ffn(h, f1w, f1b, f2w, f2b):
    return _dot(jax.nn.relu(_dot(h, f1w) + f1b), f2w) + f2b


def _layer0_body(w0, w1, u1, dinv, Wx, bx, bh, gf, gfb, gu, gub,
                 f1w, f1b, f2w, f2b, ax_ref, h1_ref, u2_ref):
    dv = dinv[...]
    ax = dv * (w0[...] + w1[...] + u1[...])
    ax_ref[...] = ax
    mh = _heads_accum(None, ax, None, bh, Wx, bx, gf, gfb, gu, gub)
    h = _ln(mh)
    h1 = _ln(_ffn(h, f1w[...], f1b[...], f2w[...], f2b[...]) + h)
    h1_ref[...] = h1
    u2_ref[...] = dv * h1


def _layer1_full_body(w0, w1, u2, ax_in, h1_in, dinv, Wh, bh, Wx, bx,
                      gf, gfb, gu, gub, f1w, f1b, f2w, f2b,
                      c1w, c1b, c2w, c2b, out_ref):
    dv = dinv[...]
    ah = dv * (w0[...] + w1[...] + u2[...])
    ax = ax_in[...]
    h_prev = h1_in[...]
    mh = _heads_accum(ah, ax, Wh, bh, Wx, bx, gf, gfb, gu, gub)
    h = _ln(mh + h_prev)
    h = _ln(_ffn(h, f1w[...], f1b[...], f2w[...], f2b[...]) + h)
    out_ref[...] = _dot(jax.nn.relu(_dot(h, c1w[...]) + c1b[...]),
                        c2w[...]) + c2b[...]


def _row_spec(width):
    return pl.BlockSpec((BR, width), lambda i: (i, 0))


def _full_spec(shape):
    nd = len(shape)
    return pl.BlockSpec(shape, lambda i, _nd=nd: (0,) * _nd)


_F32 = jnp.float32


def _prep_call(d0, d1, x):
    return pl.pallas_call(
        _prep_body,
        grid=(GRID,),
        in_specs=[_row_spec(D), _row_spec(D), _row_spec(D)],
        out_specs=[_row_spec(D), _row_spec(1)],
        out_shape=[jax.ShapeDtypeStruct((NPAD, D), _F32),
                   jax.ShapeDtypeStruct((NPAD, 1), _F32)],
    )(d0, d1, x)


def _layer0_call(w0, w1, u1, dinv, Wx, bx, bh, gf, gfb, gu, gub,
                 f1w, f1b, f2w, f2b):
    return pl.pallas_call(
        _layer0_body,
        grid=(GRID,),
        in_specs=[_row_spec(D), _row_spec(D), _row_spec(D), _row_spec(1),
                  _full_spec((4, D, D)), _full_spec((4, D)), _full_spec((4, D)),
                  _full_spec((2, D)), _full_spec((1, 1)),
                  _full_spec((2, D)), _full_spec((1, 1)),
                  _full_spec((D, D)), _full_spec((1, D)),
                  _full_spec((D, D)), _full_spec((1, D))],
        out_specs=[_row_spec(D), _row_spec(D), _row_spec(D)],
        out_shape=[jax.ShapeDtypeStruct((NPAD, D), _F32)] * 3,
    )(w0, w1, u1, dinv, Wx, bx, bh, gf, gfb, gu, gub, f1w, f1b, f2w, f2b)


def _layer1_call(w0, w1, u2, ax, h1, dinv, Wh, bh, Wx, bx, gf, gfb, gu, gub,
                 f1w, f1b, f2w, f2b, c1w, c1b, c2w, c2b):
    return pl.pallas_call(
        _layer1_full_body,
        grid=(GRID,),
        in_specs=[_row_spec(D), _row_spec(D), _row_spec(D), _row_spec(D),
                  _row_spec(D), _row_spec(1),
                  _full_spec((4, D, D)), _full_spec((4, D)),
                  _full_spec((4, D, D)), _full_spec((4, D)),
                  _full_spec((2, D)), _full_spec((1, 1)),
                  _full_spec((2, D)), _full_spec((1, 1)),
                  _full_spec((D, D)), _full_spec((1, D)),
                  _full_spec((D, D)), _full_spec((1, D)),
                  _full_spec((D, D)), _full_spec((1, D)),
                  _full_spec((D, D)), _full_spec((1, D))],
        out_specs=[_row_spec(D)],
        out_shape=[jax.ShapeDtypeStruct((NPAD, D), _F32)],
    )(w0, w1, u2, ax, h1, dinv, Wh, bh, Wx, bx, gf, gfb, gu, gub,
      f1w, f1b, f2w, f2b, c1w, c1b, c2w, c2b)


def kernel(x, edge_index, conv_h_W, conv_h_b, conv_x_W, conv_x_b,
           gate_f_W, gate_f_b, gate_u_W, gate_u_b,
           ff1_W, ff1_b, ff2_W, ff2_b, clf1_W, clf1_b, clf2_W, clf2_b):
    pad = jnp.full((EPAD - E,), N, dtype=jnp.int32)
    src3 = jnp.concatenate([edge_index[0], pad]).reshape(TOTCH, CHUNK)
    dst3 = jnp.concatenate([edge_index[1], pad]).reshape(TOTCH, CHUNK)
    zeros = jnp.zeros((NPAD, D), _F32)
    ones_full = jnp.ones((NPAD, D), _F32)
    x_pad = jnp.concatenate([x, jnp.zeros((NPAD - N, D), _F32)])
    gf = gate_f_W[:, 0].reshape(2, D)
    gu = gate_u_W[:, 0].reshape(2, D)
    gfb = gate_f_b.reshape(1, 1)
    gub = gate_u_b.reshape(1, 1)
    f1b = ff1_b.reshape(2, 1, D)
    f2b = ff2_b.reshape(2, 1, D)
    c1b = clf1_b.reshape(1, D)
    c2b = clf2_b.reshape(1, D)

    sc_pass = _sc_kernels()

    degp = sc_pass(ones_full, src3, dst3, zeros)

    u1, dinv = _prep_call(degp[0], degp[1], x_pad)

    w1p = sc_pass(u1, src3, dst3, zeros)

    ax, h1, u2 = _layer0_call(
        w1p[0], w1p[1], u1, dinv,
        conv_x_W[0], conv_x_b[0], conv_h_b[0],
        gf, gfb, gu, gub, ff1_W[0], f1b[0], ff2_W[0], f2b[0])

    w2p = sc_pass(u2, src3, dst3, zeros)

    (outp,) = _layer1_call(
        w2p[0], w2p[1], u2, ax, h1, dinv,
        conv_h_W[1], conv_h_b[1], conv_x_W[1], conv_x_b[1],
        gf, gfb, gu, gub, ff1_W[1], f1b[1], ff2_W[1], f2b[1],
        clf1_W, c1b, clf2_W, c2b)
    return outp[:N]

# --- scband reference (transcript-rebuilt; emitter-appended) ---
"""Pipeline reference for scband-model-68324339744905 (READ-ONLY COPY).

The authoritative reference and input builder live on the scoring server;
editing this copy changes nothing except your own understanding.
"""

import jax, jax.numpy as jnp
import numpy as np

N_NODES = 10000
N_EDGES = 320000
D_IN = 128
D_HID = 128
D_OUT = 128
N_LAYERS = 2
N_HEADS = 4
ALPHA = 0.2


def setup_inputs(seed: int = 0):
    key = jax.random.key(seed)
    ks = jax.random.split(key, 20)
    def p(k, shape):
        return jax.random.normal(k, shape, dtype=jnp.float32) * 0.05
    x = jax.random.normal(ks[0], (N_NODES, D_IN), dtype=jnp.float32)
    edge_index = jax.random.randint(ks[1], (2, N_EDGES), 0, N_NODES, dtype=jnp.int32)
    return {
        'x': x,
        'edge_index': edge_index,
        'conv_h_W': p(ks[2], (N_LAYERS, N_HEADS, D_HID, D_HID)),
        'conv_h_b': p(ks[3], (N_LAYERS, N_HEADS, D_HID)),
        'conv_x_W': p(ks[4], (N_LAYERS, N_HEADS, D_IN, D_HID)),
        'conv_x_b': p(ks[5], (N_LAYERS, N_HEADS, D_HID)),
        'gate_f_W': p(ks[6], (2 * D_HID, 1)),
        'gate_f_b': p(ks[7], (1,)),
        'gate_u_W': p(ks[8], (2 * D_HID, 1)),
        'gate_u_b': p(ks[9], (1,)),
        'ff1_W': p(ks[10], (N_LAYERS, D_HID, D_HID)),
        'ff1_b': p(ks[11], (N_LAYERS, D_HID)),
        'ff2_W': p(ks[12], (N_LAYERS, D_HID, D_HID)),
        'ff2_b': p(ks[13], (N_LAYERS, D_HID)),
        'clf1_W': p(ks[14], (D_HID, D_HID)),
        'clf1_b': p(ks[15], (D_HID,)),
        'clf2_W': p(ks[16], (D_HID, D_OUT)),
        'clf2_b': p(ks[17], (D_OUT,)),
    }


def _gcn_norm(edge_index, n):
    # PyG GCNConv default: add self-loops, symmetric normalization
    loop = jnp.arange(n, dtype=edge_index.dtype)
    src = jnp.concatenate([edge_index[0], loop])
    dst = jnp.concatenate([edge_index[1], loop])
    ones = jnp.ones(src.shape[0], dtype=jnp.float32)
    deg = jax.ops.segment_sum(ones, dst, num_segments=n)
    dinv = jnp.where(deg > 0, 1.0 / jnp.sqrt(deg), 0.0)
    norm = dinv[src] * dinv[dst]
    return src, dst, norm


def _gcn_conv(x, src, dst, norm, W, b, n):
    xw = x @ W
    msg = xw[src] * norm[:, None]
    return jax.ops.segment_sum(msg, dst, num_segments=n) + b


def _layer_norm(h, eps=1e-5):
    mu = jnp.mean(h, axis=-1, keepdims=True)
    var = jnp.var(h, axis=-1, keepdims=True)
    return (h - mu) / jnp.sqrt(var + eps)


def _gate(h, x, gfW, gfb, guW, gub):
    g = jnp.concatenate([h, x], axis=1)
    f = ALPHA * jnp.tanh(g @ gfW + gfb)
    u = ALPHA * jnp.tanh(g @ guW + gub)
    return (1.0 + f) * h + (1.0 + u) * x


def reference(x, edge_index, conv_h_W, conv_h_b, conv_x_W, conv_x_b,
              gate_f_W, gate_f_b, gate_u_W, gate_u_b,
              ff1_W, ff1_b, ff2_W, ff2_b, clf1_W, clf1_b, clf2_W, clf2_b):
    n = x.shape[0]
    src, dst, norm = _gcn_norm(edge_index, n)
    h = jnp.zeros((n, D_HID), dtype=x.dtype)  # h0 repeated
    for l in range(N_LAYERS):
        # dropout is identity in eval mode
        heads = []
        for hd in range(N_HEADS):
            hh = _gcn_conv(h, src, dst, norm, conv_h_W[l, hd], conv_h_b[l, hd], n)
            xx = _gcn_conv(x, src, dst, norm, conv_x_W[l, hd], conv_x_b[l, hd], n)
            heads.append(_gate(hh, xx, gate_f_W, gate_f_b, gate_u_W, gate_u_b))
        mh = jnp.mean(jnp.stack(heads, axis=1), axis=1)
        h = _layer_norm(mh + h)
        ff = jax.nn.relu(h @ ff1_W[l] + ff1_b[l]) @ ff2_W[l] + ff2_b[l]
        h = _layer_norm(ff + h)
    out = jax.nn.relu(h @ clf1_W + clf1_b) @ clf2_W + clf2_b
    return out

if __name__ == "__main__":
    import jax
    _d = setup_inputs()
    print(jax.jit(kernel)(*tuple(_d.values())))

</pallas_src>

<mosaic_0001>
#map = affine_map<(d0, d1) -> (0, 0)>
#map1 = affine_map<(d0, d1) -> (0, 0, 0)>
module attributes {stable_mosaic.version = 14 : i64} {
  func.func @sc_pass(%arg0: i32, %arg1: i32, %arg2: memref<10240x128xf32, #tpu.memory_space<hbm>>, %arg3: memref<2560x128xi32, #tpu.memory_space<hbm>>, %arg4: memref<2560x128xi32, #tpu.memory_space<hbm>>, %arg5: memref<10240x128xf32, #tpu.memory_space<hbm>>, %arg6: memref<2x10240x128xf32, #tpu.memory_space<hbm>>, %arg7: memref<104x128xi32, #tpu.memory_space<vmem>>, %arg8: memref<104x128xi32, #tpu.memory_space<vmem>>, %arg9: memref<128x128xf32, #tpu.memory_space<vmem>>, %arg10: memref<10240x128xf32, #tpu.memory_space<vmem_shared>>, %arg11: memref<!tpu.dma_semaphore, #tpu.memory_space<semaphore_mem>>) attributes {dimension_semantics = [#tpu.dimension_semantics<core_parallel>, #tpu.dimension_semantics<subcore_parallel>], iteration_bounds = array<i64: 2, 16>, scalar_prefetch = 0 : i64, scratch_operands = 5 : i64, tpu.core_type = #tpu.core_type<sc_vector_subcore>, window_params = [{transform_indices = #map}, {transform_indices = #map}, {transform_indices = #map}, {transform_indices = #map}, {transform_indices = #map1}]} {
    %mul3A = arith.constant 640 : i32
    %mul3A_0 = arith.muli %arg1, %mul3A : i32
    "tpu.region"() ({
      %run_scoped3A = tpu.sem_alloc : memref<!tpu.dma_semaphore, #tpu.memory_space<semaphore_mem>>
      %dma_start3A = arith.constant 0 : i32
      %dma_start3A_9 = tpu.memref_slice %arg10[%mul3A_0, %dma_start3A] : memref<10240x128xf32, #tpu.memory_space<vmem_shared>> -> memref<640x128xf32, #tpu.memory_space<vmem_shared>>
      %dma_start3A_10 = arith.constant 0 : i32
      %dma_start3A_11 = tpu.memref_slice %arg5[%mul3A_0, %dma_start3A_10] : memref<10240x128xf32, #tpu.memory_space<hbm>> -> memref<640x128xf32, #tpu.memory_space<hbm>>
      tpu.enqueue_dma source(%dma_start3A_11 : memref<640x128xf32, #tpu.memory_space<hbm>>) target(%dma_start3A_9 : memref<640x128xf32, #tpu.memory_space<vmem_shared>>) target_semaphore(%run_scoped3A : memref<!tpu.dma_semaphore, #tpu.memory_space<semaphore_mem>>)
      %dma_wait3A = arith.constant 0 : i32
      %dma_wait3A_12 = tpu.memref_slice %arg10[%mul3A_0, %dma_wait3A] : memref<10240x128xf32, #tpu.memory_space<vmem_shared>> -> memref<640x128xf32, #tpu.memory_space<vmem_shared>>
      %dma_wait3A_13 = arith.constant 0 : i32
      %dma_wait3A_14 = tpu.memref_slice %arg5[%mul3A_0, %dma_wait3A_13] : memref<10240x128xf32, #tpu.memory_space<hbm>> -> memref<640x128xf32, #tpu.memory_space<hbm>>
      tpu.wait_dma2 semaphore(%run_scoped3A : memref<!tpu.dma_semaphore, #tpu.memory_space<semaphore_mem>>) src(%dma_wait3A_14 : memref<640x128xf32, #tpu.memory_space<hbm>>) dst(%dma_wait3A_12 : memref<640x128xf32, #tpu.memory_space<vmem_shared>>)
      tpu.yield
    }) : () -> ()
    %barrier3A = arith.constant 0 : index
    tpu.barrier barrier_id(%barrier3A)
    %eq3A = arith.constant 0 : i32
    %eq3A_1 = arith.cmpi eq, %arg0, %eq3A : i32
    %convert_element_type3A = arith.extui %eq3A_1 : i1 to i32
    %cond3A = arith.constant 0 : i32
    %cond3A_2 = arith.cmpi ne, %convert_element_type3A, %cond3A : i32
    scf.if %cond3A_2 {
      %mul3A_9 = arith.constant 104 : i32
      %mul3A_10 = arith.muli %arg1, %mul3A_9 : i32
      "tpu.region"() ({
        %run_scoped3A = tpu.sem_alloc : memref<!tpu.dma_semaphore, #tpu.memory_space<semaphore_mem>>
        %dma_start3A = arith.constant 0 : i32
        %dma_start3A_16 = arith.constant 0 : i32
        %dma_start3A_17 = tpu.memref_slice %arg7[%dma_start3A, %dma_start3A_16] : memref<104x128xi32, #tpu.memory_space<vmem>> -> memref<104x128xi32, #tpu.memory_space<vmem>>
        %dma_start3A_18 = arith.constant 0 : i32
        %dma_start3A_19 = tpu.memref_slice %arg3[%mul3A_10, %dma_start3A_18] : memref<2560x128xi32, #tpu.memory_space<hbm>> -> memref<104x128xi32, #tpu.memory_space<hbm>>
        %dma_start3A_20 = arith.constant 0 : i32
        %dma_start3A_21 = arith.constant 0 : i32
        %dma_start3A_22 = tpu.memref_slice %arg7[%dma_start3A_20, %dma_start3A_21] : memref<104x128xi32, #tpu.memory_space<vmem>> -> memref<104x128xi32, #tpu.memory_space<vmem>>
        %dma_start3A_23 = arith.constant 0 : i32
        %dma_start3A_24 = tpu.memref_slice %arg3[%mul3A_10, %dma_start3A_23] : memref<2560x128xi32, #tpu.memory_space<hbm>> -> memref<104x128xi32, #tpu.memory_space<hbm>>
        tpu.enqueue_dma source(%dma_start3A_24 : memref<104x128xi32, #tpu.memory_space<hbm>>) target(%dma_start3A_22 : memref<104x128xi32, #tpu.memory_space<vmem>>) target_semaphore(%run_scoped3A : memref<!tpu.dma_semaphore, #tpu.memory_space<semaphore_mem>>)
        %dma_wait3A = arith.constant 0 : i32
        %dma_wait3A_25 = arith.constant 0 : i32
        %dma_wait3A_26 = tpu.memref_slice %arg7[%dma_wait3A, %dma_wait3A_25] : memref<104x128xi32, #tpu.memory_space<vmem>> -> memref<104x128xi32, #tpu.memory_space<vmem>>
        %dma_wait3A_27 = arith.constant 0 : i32
        %dma_wait3A_28 = tpu.memref_slice %arg3[%mul3A_10, %dma_wait3A_27] : memref<2560x128xi32, #tpu.memory_space<hbm>> -> memref<104x128xi32, #tpu.memory_space<hbm>>
        %dma_wait3A_29 = arith.constant 0 : i32
        %dma_wait3A_30 = arith.constant 0 : i32
        %dma_wait3A_31 = tpu.memref_slice %arg7[%dma_wait3A_29, %dma_wait3A_30] : memref<104x128xi32, #tpu.memory_space<vmem>> -> memref<104x128xi32, #tpu.memory_space<vmem>>
        %dma_wait3A_32 = arith.constant 0 : i32
        %dma_wait3A_33 = tpu.memref_slice %arg3[%mul3A_10, %dma_wait3A_32] : memref<2560x128xi32, #tpu.memory_space<hbm>> -> memref<104x128xi32, #tpu.memory_space<hbm>>
        tpu.wait_dma2 semaphore(%run_scoped3A : memref<!tpu.dma_semaphore, #tpu.memory_space<semaphore_mem>>) src(%dma_wait3A_33 : memref<104x128xi32, #tpu.memory_space<hbm>>) dst(%dma_wait3A_31 : memref<104x128xi32, #tpu.memory_space<vmem>>)
        tpu.yield
      }) : () -> ()
      "tpu.region"() ({
        %run_scoped3A = tpu.sem_alloc : memref<!tpu.dma_semaphore, #tpu.memory_space<semaphore_mem>>
        %dma_start3A = arith.constant 0 : i32
        %dma_start3A_16 = arith.constant 0 : i32
        %dma_start3A_17 = tpu.memref_slice %arg8[%dma_start3A, %dma_start3A_16] : memref<104x128xi32, #tpu.memory_space<vmem>> -> memref<104x128xi32, #tpu.memory_space<vmem>>
        %dma_start3A_18 = arith.constant 0 : i32
        %dma_start3A_19 = tpu.memref_slice %arg4[%mul3A_10, %dma_start3A_18] : memref<2560x128xi32, #tpu.memory_space<hbm>> -> memref<104x128xi32, #tpu.memory_space<hbm>>
        %dma_start3A_20 = arith.constant 0 : i32
        %dma_start3A_21 = arith.constant 0 : i32
        %dma_start3A_22 = tpu.memref_slice %arg8[%dma_start3A_20, %dma_start3A_21] : memref<104x128xi32, #tpu.memory_space<vmem>> -> memref<104x128xi32, #tpu.memory_space<vmem>>
        %dma_start3A_23 = arith.constant 0 : i32
        %dma_start3A_24 = tpu.memref_slice %arg4[%mul3A_10, %dma_start3A_23] : memref<2560x128xi32, #tpu.memory_space<hbm>> -> memref<104x128xi32, #tpu.memory_space<hbm>>
        tpu.enqueue_dma source(%dma_start3A_24 : memref<104x128xi32, #tpu.memory_space<hbm>>) target(%dma_start3A_22 : memref<104x128xi32, #tpu.memory_space<vmem>>) target_semaphore(%run_scoped3A : memref<!tpu.dma_semaphore, #tpu.memory_space<semaphore_mem>>)
        %dma_wait3A = arith.constant 0 : i32
        %dma_wait3A_25 = arith.constant 0 : i32
        %dma_wait3A_26 = tpu.memref_slice %arg8[%dma_wait3A, %dma_wait3A_25] : memref<104x128xi32, #tpu.memory_space<vmem>> -> memref<104x128xi32, #tpu.memory_space<vmem>>
        %dma_wait3A_27 = arith.constant 0 : i32
        %dma_wait3A_28 = tpu.memref_slice %arg4[%mul3A_10, %dma_wait3A_27] : memref<2560x128xi32, #tpu.memory_space<hbm>> -> memref<104x128xi32, #tpu.memory_space<hbm>>
        %dma_wait3A_29 = arith.constant 0 : i32
        %dma_wait3A_30 = arith.constant 0 : i32
        %dma_wait3A_31 = tpu.memref_slice %arg8[%dma_wait3A_29, %dma_wait3A_30] : memref<104x128xi32, #tpu.memory_space<vmem>> -> memref<104x128xi32, #tpu.memory_space<vmem>>
        %dma_wait3A_32 = arith.constant 0 : i32
        %dma_wait3A_33 = tpu.memref_slice %arg4[%mul3A_10, %dma_wait3A_32] : memref<2560x128xi32, #tpu.memory_space<hbm>> -> memref<104x128xi32, #tpu.memory_space<hbm>>
        tpu.wait_dma2 semaphore(%run_scoped3A : memref<!tpu.dma_semaphore, #tpu.memory_space<semaphore_mem>>) src(%dma_wait3A_33 : memref<104x128xi32, #tpu.memory_space<hbm>>) dst(%dma_wait3A_31 : memref<104x128xi32, #tpu.memory_space<vmem>>)
        tpu.yield
      }) : () -> ()
      %scan3A = arith.constant 0 : i32
      %scan3A_11 = arith.constant 0 : i32
      %scan3A_12 = arith.constant 104 : i32
      %scan3A_13 = arith.addi %scan3A_11, %scan3A_12 : i32
      %scan3A_14 = arith.constant 1 : i32
      scf.for %scan3A_16 = %scan3A_11 to %scan3A_13 step %scan3A_14  : i32 {
        %dma_start3A = arith.constant 0 : i32
        %dma_start3A_17 = tpu.memref_slice %arg7[%scan3A_16, %dma_start3A] : memref<104x128xi32, #tpu.memory_space<vmem>> -> memref<1x128xi32, #tpu.memory_space<vmem>>
        %dma_start3A_18 = tpu.memref_squeeze %dma_start3A_17 : memref<1x128xi32, #tpu.memory_space<vmem>> -> memref<128xi32, #tpu.memory_space<vmem>>
        %dma_start3A_19 = arith.constant 0 : i32
        %dma_start3A_20 = arith.constant 0 : i32
        %dma_start3A_21 = tpu.memref_slice %arg2[%dma_start3A_19, %dma_start3A_20] : memref<10240x128xf32, #tpu.memory_space<hbm>> -> memref<10240x128xf32, #tpu.memory_space<hbm>>
        tpu.enqueue_indirect_dma source(%dma_start3A_21 : memref<10240x128xf32, #tpu.memory_space<hbm>>) target(%arg9 : memref<128x128xf32, #tpu.memory_space<vmem>>) offsets(%dma_start3A_18 : memref<128xi32, #tpu.memory_space<vmem>>) semaphore(%arg11 : memref<!tpu.dma_semaphore, #tpu.memory_space<semaphore_mem>>)
        %dma_wait3A = arith.constant 0 : i32
        %dma_wait3A_22 = tpu.memref_slice %arg7[%scan3A_16, %dma_wait3A] : memref<104x128xi32, #tpu.memory_space<vmem>> -> memref<1x128xi32, #tpu.memory_space<vmem>>
        %dma_wait3A_23 = tpu.memref_squeeze %dma_wait3A_22 : memref<1x128xi32, #tpu.memory_space<vmem>> -> memref<128xi32, #tpu.memory_space<vmem>>
        %dma_wait3A_24 = arith.constant 0 : i32
        %dma_wait3A_25 = arith.constant 0 : i32
        %dma_wait3A_26 = tpu.memref_slice %arg2[%dma_wait3A_24, %dma_wait3A_25] : memref<10240x128xf32, #tpu.memory_space<hbm>> -> memref<10240x128xf32, #tpu.memory_space<hbm>>
        tpu.wait_indirect_dma semaphore(%arg11 : memref<!tpu.dma_semaphore, #tpu.memory_space<semaphore_mem>>) src(%dma_wait3A_26 : memref<10240x128xf32, #tpu.memory_space<hbm>>) dst(%arg9 : memref<128x128xf32, #tpu.memory_space<vmem>>)
        "tpu.region"() ({
          %run_scoped3A = tpu.sem_alloc : memref<!tpu.dma_semaphore, #tpu.memory_space<semaphore_mem>>
          %dma_start3A_27 = arith.constant 0 : i32
          %dma_start3A_28 = tpu.memref_slice %arg8[%scan3A_16, %dma_start3A_27] : memref<104x128xi32, #tpu.memory_space<vmem>> -> memref<1x128xi32, #tpu.memory_space<vmem>>
          %dma_start3A_29 = tpu.memref_squeeze %dma_start3A_28 : memref<1x128xi32, #tpu.memory_space<vmem>> -> memref<128xi32, #tpu.memory_space<vmem>>
          %dma_start3A_30 = arith.constant 0 : i32
          %dma_start3A_31 = arith.constant 0 : i32
          %dma_start3A_32 = tpu.memref_slice %arg10[%dma_start3A_30, %dma_start3A_31] : memref<10240x128xf32, #tpu.memory_space<vmem_shared>> -> memref<10240x128xf32, #tpu.memory_space<vmem_shared>>
          tpu.enqueue_indirect_dma source(%arg9 : memref<128x128xf32, #tpu.memory_space<vmem>>) target(%dma_start3A_32 : memref<10240x128xf32, #tpu.memory_space<vmem_shared>>) offsets(%dma_start3A_29 : memref<128xi32, #tpu.memory_space<vmem>>) semaphore(%run_scoped3A : memref<!tpu.dma_semaphore, #tpu.memory_space<semaphore_mem>>) {add = true}
          %dma_wait3A_33 = arith.constant 0 : i32
          %dma_wait3A_34 = tpu.memref_slice %arg8[%scan3A_16, %dma_wait3A_33] : memref<104x128xi32, #tpu.memory_space<vmem>> -> memref<1x128xi32, #tpu.memory_space<vmem>>
          %dma_wait3A_35 = tpu.memref_squeeze %dma_wait3A_34 : memref<1x128xi32, #tpu.memory_space<vmem>> -> memref<128xi32, #tpu.memory_space<vmem>>
          %dma_wait3A_36 = arith.constant 0 : i32
          %dma_wait3A_37 = arith.constant 0 : i32
          %dma_wait3A_38 = tpu.memref_slice %arg10[%dma_wait3A_36, %dma_wait3A_37] : memref<10240x128xf32, #tpu.memory_space<vmem_shared>> -> memref<10240x128xf32, #tpu.memory_space<vmem_shared>>
          tpu.wait_indirect_dma semaphore(%run_scoped3A : memref<!tpu.dma_semaphore, #tpu.memory_space<semaphore_mem>>) src(%arg9 : memref<128x128xf32, #tpu.memory_space<vmem>>) dst(%dma_wait3A_38 : memref<10240x128xf32, #tpu.memory_space<vmem_shared>>)
          tpu.yield
        }) : () -> ()
      }
      %scan3A_15 = arith.constant 104 : i32
    } else {
    }
    %eq3A_3 = arith.constant 1 : i32
    %eq3A_4 = arith.cmpi eq, %arg0, %eq3A_3 : i32
    %convert_element_type3A_5 = arith.extui %eq3A_4 : i1 to i32
    %cond3A_6 = arith.constant 0 : i32
    %cond3A_7 = arith.cmpi ne, %convert_element_type3A_5, %cond3A_6 : i32
    scf.if %cond3A_7 {
      %mul3A_9 = arith.constant 56 : i32
      %mul3A_10 = arith.muli %arg1, %mul3A_9 : i32
      %add3A = arith.constant 1664 : i32
      %add3A_11 = arith.addi %add3A, %mul3A_10 : i32
      "tpu.region"() ({
        %run_scoped3A = tpu.sem_alloc : memref<!tpu.dma_semaphore, #tpu.memory_space<semaphore_mem>>
        %dma_start3A = arith.constant 0 : i32
        %dma_start3A_17 = arith.constant 0 : i32
        %dma_start3A_18 = tpu.memref_slice %arg7[%dma_start3A, %dma_start3A_17] : memref<104x128xi32, #tpu.memory_space<vmem>> -> memref<56x128xi32, #tpu.memory_space<vmem>>
        %dma_start3A_19 = arith.constant 0 : i32
        %dma_start3A_20 = tpu.memref_slice %arg3[%add3A_11, %dma_start3A_19] : memref<2560x128xi32, #tpu.memory_space<hbm>> -> memref<56x128xi32, #tpu.memory_space<hbm>>
        %dma_start3A_21 = arith.constant 0 : i32
        %dma_start3A_22 = arith.constant 0 : i32
        %dma_start3A_23 = tpu.memref_slice %arg7[%dma_start3A_21, %dma_start3A_22] : memref<104x128xi32, #tpu.memory_space<vmem>> -> memref<56x128xi32, #tpu.memory_space<vmem>>
        %dma_start3A_24 = arith.constant 0 : i32
        %dma_start3A_25 = tpu.memref_slice %arg3[%add3A_11, %dma_start3A_24] : memref<2560x128xi32, #tpu.memory_space<hbm>> -> memref<56x128xi32, #tpu.memory_space<hbm>>
        tpu.enqueue_dma source(%dma_start3A_25 : memref<56x128xi32, #tpu.memory_space<hbm>>) target(%dma_start3A_23 : memref<56x128xi32, #tpu.memory_space<vmem>>) target_semaphore(%run_scoped3A : memref<!tpu.dma_semaphore, #tpu.memory_space<semaphore_mem>>)
        %dma_wait3A = arith.constant 0 : i32
        %dma_wait3A_26 = arith.constant 0 : i32
        %dma_wait3A_27 = tpu.memref_slice %arg7[%dma_wait3A, %dma_wait3A_26] : memref<104x128xi32, #tpu.memory_space<vmem>> -> memref<56x128xi32, #tpu.memory_space<vmem>>
        %dma_wait3A_28 = arith.constant 0 : i32
        %dma_wait3A_29 = tpu.memref_slice %arg3[%add3A_11, %dma_wait3A_28] : memref<2560x128xi32, #tpu.memory_space<hbm>> -> memref<56x128xi32, #tpu.memory_space<hbm>>
        %dma_wait3A_30 = arith.constant 0 : i32
        %dma_wait3A_31 = arith.constant 0 : i32
        %dma_wait3A_32 = tpu.memref_slice %arg7[%dma_wait3A_30, %dma_wait3A_31] : memref<104x128xi32, #tpu.memory_space<vmem>> -> memref<56x128xi32, #tpu.memory_space<vmem>>
        %dma_wait3A_33 = arith.constant 0 : i32
        %dma_wait3A_34 = tpu.memref_slice %arg3[%add3A_11, %dma_wait3A_33] : memref<2560x128xi32, #tpu.memory_space<hbm>> -> memref<56x128xi32, #tpu.memory_space<hbm>>
        tpu.wait_dma2 semaphore(%run_scoped3A : memref<!tpu.dma_semaphore, #tpu.memory_space<semaphore_mem>>) src(%dma_wait3A_34 : memref<56x128xi32, #tpu.memory_space<hbm>>) dst(%dma_wait3A_32 : memref<56x128xi32, #tpu.memory_space<vmem>>)
        tpu.yield
      }) : () -> ()
      "tpu.region"() ({
        %run_scoped3A = tpu.sem_alloc : memref<!tpu.dma_semaphore, #tpu.memory_space<semaphore_mem>>
        %dma_start3A = arith.constant 0 : i32
        %dma_start3A_17 = arith.constant 0 : i32
        %dma_start3A_18 = tpu.memref_slice %arg8[%dma_start3A, %dma_start3A_17] : memref<104x128xi32, #tpu.memory_space<vmem>> -> memref<56x128xi32, #tpu.memory_space<vmem>>
        %dma_start3A_19 = arith.constant 0 : i32
        %dma_start3A_20 = tpu.memref_slice %arg4[%add3A_11, %dma_start3A_19] : memref<2560x128xi32, #tpu.memory_space<hbm>> -> memref<56x128xi32, #tpu.memory_space<hbm>>
        %dma_start3A_21 = arith.constant 0 : i32
        %dma_start3A_22 = arith.constant 0 : i32
        %dma_start3A_23 = tpu.memref_slice %arg8[%dma_start3A_21, %dma_start3A_22] : memref<104x128xi32, #tpu.memory_space<vmem>> -> memref<56x128xi32, #tpu.memory_space<vmem>>
        %dma_start3A_24 = arith.constant 0 : i32
        %dma_start3A_25 = tpu.memref_slice %arg4[%add3A_11, %dma_start3A_24] : memref<2560x128xi32, #tpu.memory_space<hbm>> -> memref<56x128xi32, #tpu.memory_space<hbm>>
        tpu.enqueue_dma source(%dma_start3A_25 : memref<56x128xi32, #tpu.memory_space<hbm>>) target(%dma_start3A_23 : memref<56x128xi32, #tpu.memory_space<vmem>>) target_semaphore(%run_scoped3A : memref<!tpu.dma_semaphore, #tpu.memory_space<semaphore_mem>>)
        %dma_wait3A = arith.constant 0 : i32
        %dma_wait3A_26 = arith.constant 0 : i32
        %dma_wait3A_27 = tpu.memref_slice %arg8[%dma_wait3A, %dma_wait3A_26] : memref<104x128xi32, #tpu.memory_space<vmem>> -> memref<56x128xi32, #tpu.memory_space<vmem>>
        %dma_wait3A_28 = arith.constant 0 : i32
        %dma_wait3A_29 = tpu.memref_slice %arg4[%add3A_11, %dma_wait3A_28] : memref<2560x128xi32, #tpu.memory_space<hbm>> -> memref<56x128xi32, #tpu.memory_space<hbm>>
        %dma_wait3A_30 = arith.constant 0 : i32
        %dma_wait3A_31 = arith.constant 0 : i32
        %dma_wait3A_32 = tpu.memref_slice %arg8[%dma_wait3A_30, %dma_wait3A_31] : memref<104x128xi32, #tpu.memory_space<vmem>> -> memref<56x128xi32, #tpu.memory_space<vmem>>
        %dma_wait3A_33 = arith.constant 0 : i32
        %dma_wait3A_34 = tpu.memref_slice %arg4[%add3A_11, %dma_wait3A_33] : memref<2560x128xi32, #tpu.memory_space<hbm>> -> memref<56x128xi32, #tpu.memory_space<hbm>>
        tpu.wait_dma2 semaphore(%run_scoped3A : memref<!tpu.dma_semaphore, #tpu.memory_space<semaphore_mem>>) src(%dma_wait3A_34 : memref<56x128xi32, #tpu.memory_space<hbm>>) dst(%dma_wait3A_32 : memref<56x128xi32, #tpu.memory_space<vmem>>)
        tpu.yield
      }) : () -> ()
      %scan3A = arith.constant 0 : i32
      %scan3A_12 = arith.constant 0 : i32
      %scan3A_13 = arith.constant 56 : i32
      %scan3A_14 = arith.addi %scan3A_12, %scan3A_13 : i32
      %scan3A_15 = arith.constant 1 : i32
      scf.for %scan3A_17 = %scan3A_12 to %scan3A_14 step %scan3A_15  : i32 {
        %dma_start3A = arith.constant 0 : i32
        %dma_start3A_18 = tpu.memref_slice %arg7[%scan3A_17, %dma_start3A] : memref<104x128xi32, #tpu.memory_space<vmem>> -> memref<1x128xi32, #tpu.memory_space<vmem>>
        %dma_start3A_19 = tpu.memref_squeeze %dma_start3A_18 : memref<1x128xi32, #tpu.memory_space<vmem>> -> memref<128xi32, #tpu.memory_space<vmem>>
        %dma_start3A_20 = arith.constant 0 : i32
        %dma_start3A_21 = arith.constant 0 : i32
        %dma_start3A_22 = tpu.memref_slice %arg2[%dma_start3A_20, %dma_start3A_21] : memref<10240x128xf32, #tpu.memory_space<hbm>> -> memref<10240x128xf32, #tpu.memory_space<hbm>>
        tpu.enqueue_indirect_dma source(%dma_start3A_22 : memref<10240x128xf32, #tpu.memory_space<hbm>>) target(%arg9 : memref<128x128xf32, #tpu.memory_space<vmem>>) offsets(%dma_start3A_19 : memref<128xi32, #tpu.memory_space<vmem>>) semaphore(%arg11 : memref<!tpu.dma_semaphore, #tpu.memory_space<semaphore_mem>>)
        %dma_wait3A = arith.constant 0 : i32
        %dma_wait3A_23 = tpu.memref_slice %arg7[%scan3A_17, %dma_wait3A] : memref<104x128xi32, #tpu.memory_space<vmem>> -> memref<1x128xi32, #tpu.memory_space<vmem>>
        %dma_wait3A_24 = tpu.memref_squeeze %dma_wait3A_23 : memref<1x128xi32, #tpu.memory_space<vmem>> -> memref<128xi32, #tpu.memory_space<vmem>>
        %dma_wait3A_25 = arith.constant 0 : i32
        %dma_wait3A_26 = arith.constant 0 : i32
        %dma_wait3A_27 = tpu.memref_slice %arg2[%dma_wait3A_25, %dma_wait3A_26] : memref<10240x128xf32, #tpu.memory_space<hbm>> -> memref<10240x128xf32, #tpu.memory_space<hbm>>
        tpu.wait_indirect_dma semaphore(%arg11 : memref<!tpu.dma_semaphore, #tpu.memory_space<semaphore_mem>>) src(%dma_wait3A_27 : memref<10240x128xf32, #tpu.memory_space<hbm>>) dst(%arg9 : memref<128x128xf32, #tpu.memory_space<vmem>>)
        "tpu.region"() ({
          %run_scoped3A = tpu.sem_alloc : memref<!tpu.dma_semaphore, #tpu.memory_space<semaphore_mem>>
          %dma_start3A_28 = arith.constant 0 : i32
          %dma_start3A_29 = tpu.memref_slice %arg8[%scan3A_17, %dma_start3A_28] : memref<104x128xi32, #tpu.memory_space<vmem>> -> memref<1x128xi32, #tpu.memory_space<vmem>>
          %dma_start3A_30 = tpu.memref_squeeze %dma_start3A_29 : memref<1x128xi32, #tpu.memory_space<vmem>> -> memref<128xi32, #tpu.memory_space<vmem>>
          %dma_start3A_31 = arith.constant 0 : i32
          %dma_start3A_32 = arith.constant 0 : i32
          %dma_start3A_33 = tpu.memref_slice %arg10[%dma_start3A_31, %dma_start3A_32] : memref<10240x128xf32, #tpu.memory_space<vmem_shared>> -> memref<10240x128xf32, #tpu.memory_space<vmem_shared>>
          tpu.enqueue_indirect_dma source(%arg9 : memref<128x128xf32, #tpu.memory_space<vmem>>) target(%dma_start3A_33 : memref<10240x128xf32, #tpu.memory_space<vmem_shared>>) offsets(%dma_start3A_30 : memref<128xi32, #tpu.memory_space<vmem>>) semaphore(%run_scoped3A : memref<!tpu.dma_semaphore, #tpu.memory_space<semaphore_mem>>) {add = true}
          %dma_wait3A_34 = arith.constant 0 : i32
          %dma_wait3A_35 = tpu.memref_slice %arg8[%scan3A_17, %dma_wait3A_34] : memref<104x128xi32, #tpu.memory_space<vmem>> -> memref<1x128xi32, #tpu.memory_space<vmem>>
          %dma_wait3A_36 = tpu.memref_squeeze %dma_wait3A_35 : memref<1x128xi32, #tpu.memory_space<vmem>> -> memref<128xi32, #tpu.memory_space<vmem>>
          %dma_wait3A_37 = arith.constant 0 : i32
          %dma_wait3A_38 = arith.constant 0 : i32
          %dma_wait3A_39 = tpu.memref_slice %arg10[%dma_wait3A_37, %dma_wait3A_38] : memref<10240x128xf32, #tpu.memory_space<vmem_shared>> -> memref<10240x128xf32, #tpu.memory_space<vmem_shared>>
          tpu.wait_indirect_dma semaphore(%run_scoped3A : memref<!tpu.dma_semaphore, #tpu.memory_space<semaphore_mem>>) src(%arg9 : memref<128x128xf32, #tpu.memory_space<vmem>>) dst(%dma_wait3A_39 : memref<10240x128xf32, #tpu.memory_space<vmem_shared>>)
          tpu.yield
        }) : () -> ()
      }
      %scan3A_16 = arith.constant 56 : i32
    } else {
    }
    %barrier3A_8 = arith.constant 0 : index
    tpu.barrier barrier_id(%barrier3A_8)
    "tpu.region"() ({
      %run_scoped3A = tpu.sem_alloc : memref<!tpu.dma_semaphore, #tpu.memory_space<semaphore_mem>>
      %dma_start3A = arith.constant 0 : i32
      %dma_start3A_9 = tpu.memref_slice %arg6[%arg0, %mul3A_0, %dma_start3A] : memref<2x10240x128xf32, #tpu.memory_space<hbm>> -> memref<1x640x128xf32, #tpu.memory_space<hbm>>
      %dma_start3A_10 = tpu.memref_squeeze %dma_start3A_9 : memref<1x640x128xf32, #tpu.memory_space<hbm>> -> memref<640x128xf32, #tpu.memory_space<hbm>>
      %dma_start3A_11 = arith.constant 0 : i32
      %dma_start3A_12 = tpu.memref_slice %arg10[%mul3A_0, %dma_start3A_11] : memref<10240x128xf32, #tpu.memory_space<vmem_shared>> -> memref<640x128xf32, #tpu.memory_space<vmem_shared>>
      tpu.enqueue_dma source(%dma_start3A_12 : memref<640x128xf32, #tpu.memory_space<vmem_shared>>) target(%dma_start3A_10 : memref<640x128xf32, #tpu.memory_space<hbm>>) target_semaphore(%run_scoped3A : memref<!tpu.dma_semaphore, #tpu.memory_space<semaphore_mem>>)
      %dma_wait3A = arith.constant 0 : i32
      %dma_wait3A_13 = tpu.memref_slice %arg6[%arg0, %mul3A_0, %dma_wait3A] : memref<2x10240x128xf32, #tpu.memory_space<hbm>> -> memref<1x640x128xf32, #tpu.memory_space<hbm>>
      %dma_wait3A_14 = tpu.memref_squeeze %dma_wait3A_13 : memref<1x640x128xf32, #tpu.memory_space<hbm>> -> memref<640x128xf32, #tpu.memory_space<hbm>>
      %dma_wait3A_15 = arith.constant 0 : i32
      %dma_wait3A_16 = tpu.memref_slice %arg10[%mul3A_0, %dma_wait3A_15] : memref<10240x128xf32, #tpu.memory_space<vmem_shared>> -> memref<640x128xf32, #tpu.memory_space<vmem_shared>>
      tpu.wait_dma2 semaphore(%run_scoped3A : memref<!tpu.dma_semaphore, #tpu.memory_space<semaphore_mem>>) src(%dma_wait3A_16 : memref<640x128xf32, #tpu.memory_space<vmem_shared>>) dst(%dma_wait3A_14 : memref<640x128xf32, #tpu.memory_space<hbm>>)
      tpu.yield
    }) : () -> ()
    return
  }
}

#map = affine_map<(d0, d1) -> (0, 0)>
#map1 = affine_map<(d0, d1) -> (0, 0, 0)>
module attributes {stable_mosaic.version = 14 : i64} {
  func.func @sc_pass(%arg0: i32, %arg1: i32, %arg2: memref<10240x128xf32, #tpu.memory_space<hbm>>, %arg3: memref<2560x128xi32, #tpu.memory_space<hbm>>, %arg4: memref<2560x128xi32, #tpu.memory_space<hbm>>, %arg5: memref<10240x128xf32, #tpu.memory_space<hbm>>, %arg6: memref<2x10240x128xf32, #tpu.memory_space<hbm>>, %arg7: memref<104x128xi32, #tpu.memory_space<vmem>>, %arg8: memref<104x128xi32, #tpu.memory_space<vmem>>, %arg9: memref<128x128xf32, #tpu.memory_space<vmem>>, %arg10: memref<10240x128xf32, #tpu.memory_space<vmem_shared>>, %arg11: memref<!tpu.dma_semaphore, #tpu.memory_space<semaphore_mem>>) attributes {dimension_semantics = [#tpu.dimension_semantics<core_parallel>, #tpu.dimension_semantics<subcore_parallel>], iteration_bounds = array<i64: 2, 16>, scalar_prefetch = 0 : i64, scratch_operands = 5 : i64, tpu.core_type = #tpu.core_type<sc_vector_subcore>, window_params = [{transform_indices = #map}, {transform_indices = #map}, {transform_indices = #map}, {transform_indices = #map}, {transform_indices = #map1}]} {
    %mul3A = arith.constant 640 : i32
    %mul3A_0 = arith.muli %arg1, %mul3A : i32
    "tpu.region"() ({
      %run_scoped3A = tpu.sem_alloc : memref<!tpu.dma_semaphore, #tpu.memory_space<semaphore_mem>>
      %dma_start3A = arith.constant 0 : i32
      %dma_start3A_9 = tpu.memref_slice %arg10[%mul3A_0, %dma_start3A] : memref<10240x128xf32, #tpu.memory_space<vmem_shared>> -> memref<640x128xf32, #tpu.memory_space<vmem_shared>>
      %dma_start3A_10 = arith.constant 0 : i32
      %dma_start3A_11 = tpu.memref_slice %arg5[%mul3A_0, %dma_start3A_10] : memref<10240x128xf32, #tpu.memory_space<hbm>> -> memref<640x128xf32, #tpu.memory_space<hbm>>
      tpu.enqueue_dma source(%dma_start3A_11 : memref<640x128xf32, #tpu.memory_space<hbm>>) target(%dma_start3A_9 : memref<640x128xf32, #tpu.memory_space<vmem_shared>>) target_semaphore(%run_scoped3A : memref<!tpu.dma_semaphore, #tpu.memory_space<semaphore_mem>>)
      %dma_wait3A = arith.constant 0 : i32
      %dma_wait3A_12 = tpu.memref_slice %arg10[%mul3A_0, %dma_wait3A] : memref<10240x128xf32, #tpu.memory_space<vmem_shared>> -> memref<640x128xf32, #tpu.memory_space<vmem_shared>>
      %dma_wait3A_13 = arith.constant 0 : i32
      %dma_wait3A_14 = tpu.memref_slice %arg5[%mul3A_0, %dma_wait3A_13] : memref<10240x128xf32, #tpu.memory_space<hbm>> -> memref<640x128xf32, #tpu.memory_space<hbm>>
      tpu.wait_dma2 semaphore(%run_scoped3A : memref<!tpu.dma_semaphore, #tpu.memory_space<semaphore_mem>>) src(%dma_wait3A_14 : memref<640x128xf32, #tpu.memory_space<hbm>>) dst(%dma_wait3A_12 : memref<640x128xf32, #tpu.memory_space<vmem_shared>>)
      tpu.yield
    }) : () -> ()
    %barrier3A = arith.constant 0 : index
    tpu.barrier barrier_id(%barrier3A)
    %eq3A = arith.constant 0 : i32
    %eq3A_1 = arith.cmpi eq, %arg0, %eq3A : i32
    %convert_element_type3A = arith.extui %eq3A_1 : i1 to i32
    %cond3A = arith.constant 0 : i32
    %cond3A_2 = arith.cmpi ne, %convert_element_type3A, %cond3A : i32
    scf.if %cond3A_2 {
      %mul3A_9 = arith.constant 104 : i32
      %mul3A_10 = arith.muli %arg1, %mul3A_9 : i32
      "tpu.region"() ({
        %run_scoped3A = tpu.sem_alloc : memref<!tpu.dma_semaphore, #tpu.memory_space<semaphore_mem>>
        %dma_start3A = arith.constant 0 : i32
        %dma_start3A_16 = arith.constant 0 : i32
        %dma_start3A_17 = tpu.memref_slice %arg7[%dma_start3A, %dma_start3A_16] : memref<104x128xi32, #tpu.memory_space<vmem>> -> memref<104x128xi32, #tpu.memory_space<vmem>>
        %dma_start3A_18 = arith.constant 0 : i32
        %dma_start3A_19 = tpu.memref_slice %arg3[%mul3A_10, %dma_start3A_18] : memref<2560x128xi32, #tpu.memory_space<hbm>> -> memref<104x128xi32, #tpu.memory_space<hbm>>
        %dma_start3A_20 = arith.constant 0 : i32
        %dma_start3A_21 = arith.constant 0 : i32
        %dma_start3A_22 = tpu.memref_slice %arg7[%dma_start3A_20, %dma_start3A_21] : memref<104x128xi32, #tpu.memory_space<vmem>> -> memref<104x128xi32, #tpu.memory_space<vmem>>
        %dma_start3A_23 = arith.constant 0 : i32
        %dma_start3A_24 = tpu.memref_slice %arg3[%mul3A_10, %dma_start3A_23] : memref<2560x128xi32, #tpu.memory_space<hbm>> -> memref<104x128xi32, #tpu.memory_space<hbm>>
        tpu.enqueue_dma source(%dma_start3A_24 : memref<104x128xi32, #tpu.memory_space<hbm>>) target(%dma_start3A_22 : memref<104x128xi32, #tpu.memory_space<vmem>>) target_semaphore(%run_scoped3A : memref<!tpu.dma_semaphore, #tpu.memory_space<semaphore_mem>>)
        %dma_wait3A = arith.constant 0 : i32
        %dma_wait3A_25 = arith.constant 0 : i32
        %dma_wait3A_26 = tpu.memref_slice %arg7[%dma_wait3A, %dma_wait3A_25] : memref<104x128xi32, #tpu.memory_space<vmem>> -> memref<104x128xi32, #tpu.memory_space<vmem>>
        %dma_wait3A_27 = arith.constant 0 : i32
        %dma_wait3A_28 = tpu.memref_slice %arg3[%mul3A_10, %dma_wait3A_27] : memref<2560x128xi32, #tpu.memory_space<hbm>> -> memref<104x128xi32, #tpu.memory_space<hbm>>
        %dma_wait3A_29 = arith.constant 0 : i32
        %dma_wait3A_30 = arith.constant 0 : i32
        %dma_wait3A_31 = tpu.memref_slice %arg7[%dma_wait3A_29, %dma_wait3A_30] : memref<104x128xi32, #tpu.memory_space<vmem>> -> memref<104x128xi32, #tpu.memory_space<vmem>>
        %dma_wait3A_32 = arith.constant 0 : i32
        %dma_wait3A_33 = tpu.memref_slice %arg3[%mul3A_10, %dma_wait3A_32] : memref<2560x128xi32, #tpu.memory_space<hbm>> -> memref<104x128xi32, #tpu.memory_space<hbm>>
        tpu.wait_dma2 semaphore(%run_scoped3A : memref<!tpu.dma_semaphore, #tpu.memory_space<semaphore_mem>>) src(%dma_wait3A_33 : memref<104x128xi32, #tpu.memory_space<hbm>>) dst(%dma_wait3A_31 : memref<104x128xi32, #tpu.memory_space<vmem>>)
        tpu.yield
      }) : () -> ()
      "tpu.region"() ({
        %run_scoped3A = tpu.sem_alloc : memref<!tpu.dma_semaphore, #tpu.memory_space<semaphore_mem>>
        %dma_start3A = arith.constant 0 : i32
        %dma_start3A_16 = arith.constant 0 : i32
        %dma_start3A_17 = tpu.memref_slice %arg8[%dma_start3A, %dma_start3A_16] : memref<104x128xi32, #tpu.memory_space<vmem>> -> memref<104x128xi32, #tpu.memory_space<vmem>>
        %dma_start3A_18 = arith.constant 0 : i32
        %dma_start3A_19 = tpu.memref_slice %arg4[%mul3A_10, %dma_start3A_18] : memref<2560x128xi32, #tpu.memory_space<hbm>> -> memref<104x128xi32, #tpu.memory_space<hbm>>
        %dma_start3A_20 = arith.constant 0 : i32
        %dma_start3A_21 = arith.constant 0 : i32
        %dma_start3A_22 = tpu.memref_slice %arg8[%dma_start3A_20, %dma_start3A_21] : memref<104x128xi32, #tpu.memory_space<vmem>> -> memref<104x128xi32, #tpu.memory_space<vmem>>
        %dma_start3A_23 = arith.constant 0 : i32
        %dma_start3A_24 = tpu.memref_slice %arg4[%mul3A_10, %dma_start3A_23] : memref<2560x128xi32, #tpu.memory_space<hbm>> -> memref<104x128xi32, #tpu.memory_space<hbm>>
        tpu.enqueue_dma source(%dma_start3A_24 : memref<104x128xi32, #tpu.memory_space<hbm>>) target(%dma_start3A_22 : memref<104x128xi32, #tpu.memory_space<vmem>>) target_semaphore(%run_scoped3A : memref<!tpu.dma_semaphore, #tpu.memory_space<semaphore_mem>>)
        %dma_wait3A = arith.constant 0 : i32
        %dma_wait3A_25 = arith.constant 0 : i32
        %dma_wait3A_26 = tpu.memref_slice %arg8[%dma_wait3A, %dma_wait3A_25] : memref<104x128xi32, #tpu.memory_space<vmem>> -> memref<104x128xi32, #tpu.memory_space<vmem>>
        %dma_wait3A_27 = arith.constant 0 : i32
        %dma_wait3A_28 = tpu.memref_slice %arg4[%mul3A_10, %dma_wait3A_27] : memref<2560x128xi32, #tpu.memory_space<hbm>> -> memref<104x128xi32, #tpu.memory_space<hbm>>
        %dma_wait3A_29 = arith.constant 0 : i32
        %dma_wait3A_30 = arith.constant 0 : i32
        %dma_wait3A_31 = tpu.memref_slice %arg8[%dma_wait3A_29, %dma_wait3A_30] : memref<104x128xi32, #tpu.memory_space<vmem>> -> memref<104x128xi32, #tpu.memory_space<vmem>>
        %dma_wait3A_32 = arith.constant 0 : i32
        %dma_wait3A_33 = tpu.memref_slice %arg4[%mul3A_10, %dma_wait3A_32] : memref<2560x128xi32, #tpu.memory_space<hbm>> -> memref<104x128xi32, #tpu.memory_space<hbm>>
        tpu.wait_dma2 semaphore(%run_scoped3A : memref<!tpu.dma_semaphore, #tpu.memory_space<semaphore_mem>>) src(%dma_wait3A_33 : memref<104x128xi32, #tpu.memory_space<hbm>>) dst(%dma_wait3A_31 : memref<104x128xi32, #tpu.memory_space<vmem>>)
        tpu.yield
      }) : () -> ()
      %scan3A = arith.constant 0 : i32
      %scan3A_11 = arith.constant 0 : i32
      %scan3A_12 = arith.constant 104 : i32
      %scan3A_13 = arith.addi %scan3A_11, %scan3A_12 : i32
      %scan3A_14 = arith.constant 1 : i32
      scf.for %scan3A_16 = %scan3A_11 to %scan3A_13 step %scan3A_14  : i32 {
        %dma_start3A = arith.constant 0 : i32
        %dma_start3A_17 = tpu.memref_slice %arg7[%scan3A_16, %dma_start3A] : memref<104x128xi32, #tpu.memory_space<vmem>> -> memref<1x128xi32, #tpu.memory_space<vmem>>
        %dma_start3A_18 = tpu.memref_squeeze %dma_start3A_17 : memref<1x128xi32, #tpu.memory_space<vmem>> -> memref<128xi32, #tpu.memory_space<vmem>>
        %dma_start3A_19 = arith.constant 0 : i32
        %dma_start3A_20 = arith.constant 0 : i32
        %dma_start3A_21 = tpu.memref_slice %arg2[%dma_start3A_19, %dma_start3A_20] : memref<10240x128xf32, #tpu.memory_space<hbm>> -> memref<10240x128xf32, #tpu.memory_space<hbm>>
        tpu.enqueue_indirect_dma source(%dma_start3A_21 : memref<10240x128xf32, #tpu.memory_space<hbm>>) target(%arg9 : memref<128x128xf32, #tpu.memory_space<vmem>>) offsets(%dma_start3A_18 : memref<128xi32, #tpu.memory_space<vmem>>) semaphore(%arg11 : memref<!tpu.dma_semaphore, #tpu.memory_space<semaphore_mem>>)
        %dma_wait3A = arith.constant 0 : i32
        %dma_wait3A_22 = tpu.memref_slice %arg7[%scan3A_16, %dma_wait3A] : memref<104x128xi32, #tpu.memory_space<vmem>> -> memref<1x128xi32, #tpu.memory_space<vmem>>
        %dma_wait3A_23 = tpu.memref_squeeze %dma_wait3A_22 : memref<1x128xi32, #tpu.memory_space<vmem>> -> memref<128xi32, #tpu.memory_space<vmem>>
        %dma_wait3A_24 = arith.constant 0 : i32
        %dma_wait3A_25 = arith.constant 0 : i32
        %dma_wait3A_26 = tpu.memref_slice %arg2[%dma_wait3A_24, %dma_wait3A_25] : memref<10240x128xf32, #tpu.memory_space<hbm>> -> memref<10240x128xf32, #tpu.memory_space<hbm>>
        tpu.wait_indirect_dma semaphore(%arg11 : memref<!tpu.dma_semaphore, #tpu.memory_space<semaphore_mem>>) src(%dma_wait3A_26 : memref<10240x128xf32, #tpu.memory_space<hbm>>) dst(%arg9 : memref<128x128xf32, #tpu.memory_space<vmem>>)
        "tpu.region"() ({
          %run_scoped3A = tpu.sem_alloc : memref<!tpu.dma_semaphore, #tpu.memory_space<semaphore_mem>>
          %dma_start3A_27 = arith.constant 0 : i32
          %dma_start3A_28 = tpu.memref_slice %arg8[%scan3A_16, %dma_start3A_27] : memref<104x128xi32, #tpu.memory_space<vmem>> -> memref<1x128xi32, #tpu.memory_space<vmem>>
          %dma_start3A_29 = tpu.memref_squeeze %dma_start3A_28 : memref<1x128xi32, #tpu.memory_space<vmem>> -> memref<128xi32, #tpu.memory_space<vmem>>
          %dma_start3A_30 = arith.constant 0 : i32
          %dma_start3A_31 = arith.constant 0 : i32
          %dma_start3A_32 = tpu.memref_slice %arg10[%dma_start3A_30, %dma_start3A_31] : memref<10240x128xf32, #tpu.memory_space<vmem_shared>> -> memref<10240x128xf32, #tpu.memory_space<vmem_shared>>
          tpu.enqueue_indirect_dma source(%arg9 : memref<128x128xf32, #tpu.memory_space<vmem>>) target(%dma_start3A_32 : memref<10240x128xf32, #tpu.memory_space<vmem_shared>>) offsets(%dma_start3A_29 : memref<128xi32, #tpu.memory_space<vmem>>) semaphore(%run_scoped3A : memref<!tpu.dma_semaphore, #tpu.memory_space<semaphore_mem>>) {add = true}
          %dma_wait3A_33 = arith.constant 0 : i32
          %dma_wait3A_34 = tpu.memref_slice %arg8[%scan3A_16, %dma_wait3A_33] : memref<104x128xi32, #tpu.memory_space<vmem>> -> memref<1x128xi32, #tpu.memory_space<vmem>>
          %dma_wait3A_35 = tpu.memref_squeeze %dma_wait3A_34 : memref<1x128xi32, #tpu.memory_space<vmem>> -> memref<128xi32, #tpu.memory_space<vmem>>
          %dma_wait3A_36 = arith.constant 0 : i32
          %dma_wait3A_37 = arith.constant 0 : i32
          %dma_wait3A_38 = tpu.memref_slice %arg10[%dma_wait3A_36, %dma_wait3A_37] : memref<10240x128xf32, #tpu.memory_space<vmem_shared>> -> memref<10240x128xf32, #tpu.memory_space<vmem_shared>>
          tpu.wait_indirect_dma semaphore(%run_scoped3A : memref<!tpu.dma_semaphore, #tpu.memory_space<semaphore_mem>>) src(%arg9 : memref<128x128xf32, #tpu.memory_space<vmem>>) dst(%dma_wait3A_38 : memref<10240x128xf32, #tpu.memory_space<vmem_shared>>)
          tpu.yield
        }) : () -> ()
      }
      %scan3A_15 = arith.constant 104 : i32
    } else {
    }
    %eq3A_3 = arith.constant 1 : i32
    %eq3A_4 = arith.cmpi eq, %arg0, %eq3A_3 : i32
    %convert_element_type3A_5 = arith.extui %eq3A_4 : i1 to i32
    %cond3A_6 = arith.constant 0 : i32
    %cond3A_7 = arith.cmpi ne, %convert_element_type3A_5, %cond3A_6 : i32
    scf.if %cond3A_7 {
      %mul3A_9 = arith.constant 56 : i32
      %mul3A_10 = arith.muli %arg1, %mul3A_9 : i32
      %add3A = arith.constant 1664 : i32
      %add3A_11 = arith.addi %add3A, %mul3A_10 : i32
      "tpu.region"() ({
        %run_scoped3A = tpu.sem_alloc : memref<!tpu.dma_semaphore, #tpu.memory_space<semaphore_mem>>
        %dma_start3A = arith.constant 0 : i32
        %dma_start3A_17 = arith.constant 0 : i32
        %dma_start3A_18 = tpu.memref_slice %arg7[%dma_start3A, %dma_start3A_17] : memref<104x128xi32, #tpu.memory_space<vmem>> -> memref<56x128xi32, #tpu.memory_space<vmem>>
        %dma_start3A_19 = arith.constant 0 : i32
        %dma_start3A_20 = tpu.memref_slice %arg3[%add3A_11, %dma_start3A_19] : memref<2560x128xi32, #tpu.memory_space<hbm>> -> memref<56x128xi32, #tpu.memory_space<hbm>>
        %dma_start3A_21 = arith.constant 0 : i32
        %dma_start3A_22 = arith.constant 0 : i32
        %dma_start3A_23 = tpu.memref_slice %arg7[%dma_start3A_21, %dma_start3A_22] : memref<104x128xi32, #tpu.memory_space<vmem>> -> memref<56x128xi32, #tpu.memory_space<vmem>>
        %dma_start3A_24 = arith.constant 0 : i32
        %dma_start3A_25 = tpu.memref_slice %arg3[%add3A_11, %dma_start3A_24] : memref<2560x128xi32, #tpu.memory_space<hbm>> -> memref<56x128xi32, #tpu.memory_space<hbm>>
        tpu.enqueue_dma source(%dma_start3A_25 : memref<56x128xi32, #tpu.memory_space<hbm>>) target(%dma_start3A_23 : memref<56x128xi32, #tpu.memory_space<vmem>>) target_semaphore(%run_scoped3A : memref<!tpu.dma_semaphore, #tpu.memory_space<semaphore_mem>>)
        %dma_wait3A = arith.constant 0 : i32
        %dma_wait3A_26 = arith.constant 0 : i32
        %dma_wait3A_27 = tpu.memref_slice %arg7[%dma_wait3A, %dma_wait3A_26] : memref<104x128xi32, #tpu.memory_space<vmem>> -> memref<56x128xi32, #tpu.memory_space<vmem>>
        %dma_wait3A_28 = arith.constant 0 : i32
        %dma_wait3A_29 = tpu.memref_slice %arg3[%add3A_11, %dma_wait3A_28] : memref<2560x128xi32, #tpu.memory_space<hbm>> -> memref<56x128xi32, #tpu.memory_space<hbm>>
        %dma_wait3A_30 = arith.constant 0 : i32
        %dma_wait3A_31 = arith.constant 0 : i32
        %dma_wait3A_32 = tpu.memref_slice %arg7[%dma_wait3A_30, %dma_wait3A_31] : memref<104x128xi32, #tpu.memory_space<vmem>> -> memref<56x128xi32, #tpu.memory_space<vmem>>
        %dma_wait3A_33 = arith.constant 0 : i32
        %dma_wait3A_34 = tpu.memref_slice %arg3[%add3A_11, %dma_wait3A_33] : memref<2560x128xi32, #tpu.memory_space<hbm>> -> memref<56x128xi32, #tpu.memory_space<hbm>>
        tpu.wait_dma2 semaphore(%run_scoped3A : memref<!tpu.dma_semaphore, #tpu.memory_space<semaphore_mem>>) src(%dma_wait3A_34 : memref<56x128xi32, #tpu.memory_space<hbm>>) dst(%dma_wait3A_32 : memref<56x128xi32, #tpu.memory_space<vmem>>)
        tpu.yield
      }) : () -> ()
      "tpu.region"() ({
        %run_scoped3A = tpu.sem_alloc : memref<!tpu.dma_semaphore, #tpu.memory_space<semaphore_mem>>
        %dma_start3A = arith.constant 0 : i32
        %dma_start3A_17 = arith.constant 0 : i32
        %dma_start3A_18 = tpu.memref_slice %arg8[%dma_start3A, %dma_start3A_17] : memref<104x128xi32, #tpu.memory_space<vmem>> -> memref<56x128xi32, #tpu.memory_space<vmem>>
        %dma_start3A_19 = arith.constant 0 : i32
        %dma_start3A_20 = tpu.memref_slice %arg4[%add3A_11, %dma_start3A_19] : memref<2560x128xi32, #tpu.memory_space<hbm>> -> memref<56x128xi32, #tpu.memory_space<hbm>>
        %dma_start3A_21 = arith.constant 0 : i32
        %dma_start3A_22 = arith.constant 0 : i32
        %dma_start3A_23 = tpu.memref_slice %arg8[%dma_start3A_21, %dma_start3A_22] : memref<104x128xi32, #tpu.memory_space<vmem>> -> memref<56x128xi32, #tpu.memory_space<vmem>>
        %dma_start3A_24 = arith.constant 0 : i32
        %dma_start3A_25 = tpu.memref_slice %arg4[%add3A_11, %dma_start3A_24] : memref<2560x128xi32, #tpu.memory_space<hbm>> -> memref<56x128xi32, #tpu.memory_space<hbm>>
        tpu.enqueue_dma source(%dma_start3A_25 : memref<56x128xi32, #tpu.memory_space<hbm>>) target(%dma_start3A_23 : memref<56x128xi32, #tpu.memory_space<vmem>>) target_semaphore(%run_scoped3A : memref<!tpu.dma_semaphore, #tpu.memory_space<semaphore_mem>>)
        %dma_wait3A = arith.constant 0 : i32
        %dma_wait3A_26 = arith.constant 0 : i32
        %dma_wait3A_27 = tpu.memref_slice %arg8[%dma_wait3A, %dma_wait3A_26] : memref<104x128xi32, #tpu.memory_space<vmem>> -> memref<56x128xi32, #tpu.memory_space<vmem>>
        %dma_wait3A_28 = arith.constant 0 : i32
        %dma_wait3A_29 = tpu.memref_slice %arg4[%add3A_11, %dma_wait3A_28] : memref<2560x128xi32, #tpu.memory_space<hbm>> -> memref<56x128xi32, #tpu.memory_space<hbm>>
        %dma_wait3A_30 = arith.constant 0 : i32
        %dma_wait3A_31 = arith.constant 0 : i32
        %dma_wait3A_32 = tpu.memref_slice %arg8[%dma_wait3A_30, %dma_wait3A_31] : memref<104x128xi32, #tpu.memory_space<vmem>> -> memref<56x128xi32, #tpu.memory_space<vmem>>
        %dma_wait3A_33 = arith.constant 0 : i32
        %dma_wait3A_34 = tpu.memref_slice %arg4[%add3A_11, %dma_wait3A_33] : memref<2560x128xi32, #tpu.memory_space<hbm>> -> memref<56x128xi32, #tpu.memory_space<hbm>>
        tpu.wait_dma2 semaphore(%run_scoped3A : memref<!tpu.dma_semaphore, #tpu.memory_space<semaphore_mem>>) src(%dma_wait3A_34 : memref<56x128xi32, #tpu.memory_space<hbm>>) dst(%dma_wait3A_32 : memref<56x128xi32, #tpu.memory_space<vmem>>)
        tpu.yield
      }) : () -> ()
      %scan3A = arith.constant 0 : i32
      %scan3A_12 = arith.constant 0 : i32
      %scan3A_13 = arith.constant 56 : i32
      %scan3A_14 = arith.addi %scan3A_12, %scan3A_13 : i32
      %scan3A_15 = arith.constant 1 : i32
      scf.for %scan3A_17 = %scan3A_12 to %scan3A_14 step %scan3A_15  : i32 {
        %dma_start3A = arith.constant 0 : i32
        %dma_start3A_18 = tpu.memref_slice %arg7[%scan3A_17, %dma_start3A] : memref<104x128xi32, #tpu.memory_space<vmem>> -> memref<1x128xi32, #tpu.memory_space<vmem>>
        %dma_start3A_19 = tpu.memref_squeeze %dma_start3A_18 : memref<1x128xi32, #tpu.memory_space<vmem>> -> memref<128xi32, #tpu.memory_space<vmem>>
        %dma_start3A_20 = arith.constant 0 : i32
        %dma_start3A_21 = arith.constant 0 : i32
        %dma_start3A_22 = tpu.memref_slice %arg2[%dma_start3A_20, %dma_start3A_21] : memref<10240x128xf32, #tpu.memory_space<hbm>> -> memref<10240x128xf32, #tpu.memory_space<hbm>>
        tpu.enqueue_indirect_dma source(%dma_start3A_22 : memref<10240x128xf32, #tpu.memory_space<hbm>>) target(%arg9 : memref<128x128xf32, #tpu.memory_space<vmem>>) offsets(%dma_start3A_19 : memref<128xi32, #tpu.memory_space<vmem>>) semaphore(%arg11 : memref<!tpu.dma_semaphore, #tpu.memory_space<semaphore_mem>>)
        %dma_wait3A = arith.constant 0 : i32
        %dma_wait3A_23 = tpu.memref_slice %arg7[%scan3A_17, %dma_wait3A] : memref<104x128xi32, #tpu.memory_space<vmem>> -> memref<1x128xi32, #tpu.memory_space<vmem>>
        %dma_wait3A_24 = tpu.memref_squeeze %dma_wait3A_23 : memref<1x128xi32, #tpu.memory_space<vmem>> -> memref<128xi32, #tpu.memory_space<vmem>>
        %dma_wait3A_25 = arith.constant 0 : i32
        %dma_wait3A_26 = arith.constant 0 : i32
        %dma_wait3A_27 = tpu.memref_slice %arg2[%dma_wait3A_25, %dma_wait3A_26] : memref<10240x128xf32, #tpu.memory_space<hbm>> -> memref<10240x128xf32, #tpu.memory_space<hbm>>
        tpu.wait_indirect_dma semaphore(%arg11 : memref<!tpu.dma_semaphore, #tpu.memory_space<semaphore_mem>>) src(%dma_wait3A_27 : memref<10240x128xf32, #tpu.memory_space<hbm>>) dst(%arg9 : memref<128x128xf32, #tpu.memory_space<vmem>>)
        "tpu.region"() ({
          %run_scoped3A = tpu.sem_alloc : memref<!tpu.dma_semaphore, #tpu.memory_space<semaphore_mem>>
          %dma_start3A_28 = arith.constant 0 : i32
          %dma_start3A_29 = tpu.memref_slice %arg8[%scan3A_17, %dma_start3A_28] : memref<104x128xi32, #tpu.memory_space<vmem>> -> memref<1x128xi32, #tpu.memory_space<vmem>>
          %dma_start3A_30 = tpu.memref_squeeze %dma_start3A_29 : memref<1x128xi32, #tpu.memory_space<vmem>> -> memref<128xi32, #tpu.memory_space<vmem>>
          %dma_start3A_31 = arith.constant 0 : i32
          %dma_start3A_32 = arith.constant 0 : i32
          %dma_start3A_33 = tpu.memref_slice %arg10[%dma_start3A_31, %dma_start3A_32] : memref<10240x128xf32, #tpu.memory_space<vmem_shared>> -> memref<10240x128xf32, #tpu.memory_space<vmem_shared>>
          tpu.enqueue_indirect_dma source(%arg9 : memref<128x128xf32, #tpu.memory_space<vmem>>) target(%dma_start3A_33 : memref<10240x128xf32, #tpu.memory_space<vmem_shared>>) offsets(%dma_start3A_30 : memref<128xi32, #tpu.memory_space<vmem>>) semaphore(%run_scoped3A : memref<!tpu.dma_semaphore, #tpu.memory_space<semaphore_mem>>) {add = true}
          %dma_wait3A_34 = arith.constant 0 : i32
          %dma_wait3A_35 = tpu.memref_slice %arg8[%scan3A_17, %dma_wait3A_34] : memref<104x128xi32, #tpu.memory_space<vmem>> -> memref<1x128xi32, #tpu.memory_space<vmem>>
          %dma_wait3A_36 = tpu.memref_squeeze %dma_wait3A_35 : memref<1x128xi32, #tpu.memory_space<vmem>> -> memref<128xi32, #tpu.memory_space<vmem>>
          %dma_wait3A_37 = arith.constant 0 : i32
          %dma_wait3A_38 = arith.constant 0 : i32
          %dma_wait3A_39 = tpu.memref_slice %arg10[%dma_wait3A_37, %dma_wait3A_38] : memref<10240x128xf32, #tpu.memory_space<vmem_shared>> -> memref<10240x128xf32, #tpu.memory_space<vmem_shared>>
          tpu.wait_indirect_dma semaphore(%run_scoped3A : memref<!tpu.dma_semaphore, #tpu.memory_space<semaphore_mem>>) src(%arg9 : memref<128x128xf32, #tpu.memory_space<vmem>>) dst(%dma_wait3A_39 : memref<10240x128xf32, #tpu.memory_space<vmem_shared>>)
          tpu.yield
        }) : () -> ()
      }
      %scan3A_16 = arith.constant 56 : i32
    } else {
    }
    %barrier3A_8 = arith.constant 0 : index
    tpu.barrier barrier_id(%barrier3A_8)
    "tpu.region"() ({
      %run_scoped3A = tpu.sem_alloc : memref<!tpu.dma_semaphore, #tpu.memory_space<semaphore_mem>>
      %dma_start3A = arith.constant 0 : i32
      %dma_start3A_9 = tpu.memref_slice %arg6[%arg0, %mul3A_0, %dma_start3A] : memref<2x10240x128xf32, #tpu.memory_space<hbm>> -> memref<1x640x128xf32, #tpu.memory_space<hbm>>
      %dma_start3A_10 = tpu.memref_squeeze %dma_start3A_9 : memref<1x640x128xf32, #tpu.memory_space<hbm>> -> memref<640x128xf32, #tpu.memory_space<hbm>>
      %dma_start3A_11 = arith.constant 0 : i32
      %dma_start3A_12 = tpu.memref_slice %arg10[%mul3A_0, %dma_start3A_11] : memref<10240x128xf32, #tpu.memory_space<vmem_shared>> -> memref<640x128xf32, #tpu.memory_space<vmem_shared>>
      tpu.enqueue_dma source(%dma_start3A_12 : memref<640x128xf32, #tpu.memory_space<vmem_shared>>) target(%dma_start3A_10 : memref<640x128xf32, #tpu.memory_space<hbm>>) target_semaphore(%run_scoped3A : memref<!tpu.dma_semaphore, #tpu.memory_space<semaphore_mem>>)
      %dma_wait3A = arith.constant 0 : i32
      %dma_wait3A_13 = tpu.memref_slice %arg6[%arg0, %mul3A_0, %dma_wait3A] : memref<2x10240x128xf32, #tpu.memory_space<hbm>> -> memref<1x640x128xf32, #tpu.memory_space<hbm>>
      %dma_wait3A_14 = tpu.memref_squeeze %dma_wait3A_13 : memref<1x640x128xf32, #tpu.memory_space<hbm>> -> memref<640x128xf32, #tpu.memory_space<hbm>>
      %dma_wait3A_15 = arith.constant 0 : i32
      %dma_wait3A_16 = tpu.memref_slice %arg10[%mul3A_0, %dma_wait3A_15] : memref<10240x128xf32, #tpu.memory_space<vmem_shared>> -> memref<640x128xf32, #tpu.memory_space<vmem_shared>>
      tpu.wait_dma2 semaphore(%run_scoped3A : memref<!tpu.dma_semaphore, #tpu.memory_space<semaphore_mem>>) src(%dma_wait3A_16 : memref<640x128xf32, #tpu.memory_space<vmem_shared>>) dst(%dma_wait3A_14 : memref<640x128xf32, #tpu.memory_space<hbm>>)
      tpu.yield
    }) : () -> ()
    return
  }
}

#map = affine_map<(d0, d1) -> (0, 0)>
#map1 = affine_map<(d0, d1) -> (0, 0, 0)>
module attributes {stable_mosaic.version = 14 : i64} {
  func.func @sc_pass(%arg0: i32, %arg1: i32, %arg2: memref<10240x128xf32, #tpu.memory_space<hbm>>, %arg3: memref<2560x128xi32, #tpu.memory_space<hbm>>, %arg4: memref<2560x128xi32, #tpu.memory_space<hbm>>, %arg5: memref<10240x128xf32, #tpu.memory_space<hbm>>, %arg6: memref<2x10240x128xf32, #tpu.memory_space<hbm>>, %arg7: memref<104x128xi32, #tpu.memory_space<vmem>>, %arg8: memref<104x128xi32, #tpu.memory_space<vmem>>, %arg9: memref<128x128xf32, #tpu.memory_space<vmem>>, %arg10: memref<10240x128xf32, #tpu.memory_space<vmem_shared>>, %arg11: memref<!tpu.dma_semaphore, #tpu.memory_space<semaphore_mem>>) attributes {dimension_semantics = [#tpu.dimension_semantics<core_parallel>, #tpu.dimension_semantics<subcore_parallel>], iteration_bounds = array<i64: 2, 16>, scalar_prefetch = 0 : i64, scratch_operands = 5 : i64, tpu.core_type = #tpu.core_type<sc_vector_subcore>, window_params = [{transform_indices = #map}, {transform_indices = #map}, {transform_indices = #map}, {transform_indices = #map}, {transform_indices = #map1}]} {
    %mul3A = arith.constant 640 : i32
    %mul3A_0 = arith.muli %arg1, %mul3A : i32
    "tpu.region"() ({
      %run_scoped3A = tpu.sem_alloc : memref<!tpu.dma_semaphore, #tpu.memory_space<semaphore_mem>>
      %dma_start3A = arith.constant 0 : i32
      %dma_start3A_9 = tpu.memref_slice %arg10[%mul3A_0, %dma_start3A] : memref<10240x128xf32, #tpu.memory_space<vmem_shared>> -> memref<640x128xf32, #tpu.memory_space<vmem_shared>>
      %dma_start3A_10 = arith.constant 0 : i32
      %dma_start3A_11 = tpu.memref_slice %arg5[%mul3A_0, %dma_start3A_10] : memref<10240x128xf32, #tpu.memory_space<hbm>> -> memref<640x128xf32, #tpu.memory_space<hbm>>
      tpu.enqueue_dma source(%dma_start3A_11 : memref<640x128xf32, #tpu.memory_space<hbm>>) target(%dma_start3A_9 : memref<640x128xf32, #tpu.memory_space<vmem_shared>>) target_semaphore(%run_scoped3A : memref<!tpu.dma_semaphore, #tpu.memory_space<semaphore_mem>>)
      %dma_wait3A = arith.constant 0 : i32
      %dma_wait3A_12 = tpu.memref_slice %arg10[%mul3A_0, %dma_wait3A] : memref<10240x128xf32, #tpu.memory_space<vmem_shared>> -> memref<640x128xf32, #tpu.memory_space<vmem_shared>>
      %dma_wait3A_13 = arith.constant 0 : i32
      %dma_wait3A_14 = tpu.memref_slice %arg5[%mul3A_0, %dma_wait3A_13] : memref<10240x128xf32, #tpu.memory_space<hbm>> -> memref<640x128xf32, #tpu.memory_space<hbm>>
      tpu.wait_dma2 semaphore(%run_scoped3A : memref<!tpu.dma_semaphore, #tpu.memory_space<semaphore_mem>>) src(%dma_wait3A_14 : memref<640x128xf32, #tpu.memory_space<hbm>>) dst(%dma_wait3A_12 : memref<640x128xf32, #tpu.memory_space<vmem_shared>>)
      tpu.yield
    }) : () -> ()
    %barrier3A = arith.constant 0 : index
    tpu.barrier barrier_id(%barrier3A)
    %eq3A = arith.constant 0 : i32
    %eq3A_1 = arith.cmpi eq, %arg0, %eq3A : i32
    %convert_element_type3A = arith.extui %eq3A_1 : i1 to i32
    %cond3A = arith.constant 0 : i32
    %cond3A_2 = arith.cmpi ne, %convert_element_type3A, %cond3A : i32
    scf.if %cond3A_2 {
      %mul3A_9 = arith.constant 104 : i32
      %mul3A_10 = arith.muli %arg1, %mul3A_9 : i32
      "tpu.region"() ({
        %run_scoped3A = tpu.sem_alloc : memref<!tpu.dma_semaphore, #tpu.memory_space<semaphore_mem>>
        %dma_start3A = arith.constant 0 : i32
        %dma_start3A_16 = arith.constant 0 : i32
        %dma_start3A_17 = tpu.memref_slice %arg7[%dma_start3A, %dma_start3A_16] : memref<104x128xi32, #tpu.memory_space<vmem>> -> memref<104x128xi32, #tpu.memory_space<vmem>>
        %dma_start3A_18 = arith.constant 0 : i32
        %dma_start3A_19 = tpu.memref_slice %arg3[%mul3A_10, %dma_start3A_18] : memref<2560x128xi32, #tpu.memory_space<hbm>> -> memref<104x128xi32, #tpu.memory_space<hbm>>
        %dma_start3A_20 = arith.constant 0 : i32
        %dma_start3A_21 = arith.constant 0 : i32
        %dma_start3A_22 = tpu.memref_slice %arg7[%dma_start3A_20, %dma_start3A_21] : memref<104x128xi32, #tpu.memory_space<vmem>> -> memref<104x128xi32, #tpu.memory_space<vmem>>
        %dma_start3A_23 = arith.constant 0 : i32
        %dma_start3A_24 = tpu.memref_slice %arg3[%mul3A_10, %dma_start3A_23] : memref<2560x128xi32, #tpu.memory_space<hbm>> -> memref<104x128xi32, #tpu.memory_space<hbm>>
        tpu.enqueue_dma source(%dma_start3A_24 : memref<104x128xi32, #tpu.memory_space<hbm>>) target(%dma_start3A_22 : memref<104x128xi32, #tpu.memory_space<vmem>>) target_semaphore(%run_scoped3A : memref<!tpu.dma_semaphore, #tpu.memory_space<semaphore_mem>>)
        %dma_wait3A = arith.constant 0 : i32
        %dma_wait3A_25 = arith.constant 0 : i32
        %dma_wait3A_26 = tpu.memref_slice %arg7[%dma_wait3A, %dma_wait3A_25] : memref<104x128xi32, #tpu.memory_space<vmem>> -> memref<104x128xi32, #tpu.memory_space<vmem>>
        %dma_wait3A_27 = arith.constant 0 : i32
        %dma_wait3A_28 = tpu.memref_slice %arg3[%mul3A_10, %dma_wait3A_27] : memref<2560x128xi32, #tpu.memory_space<hbm>> -> memref<104x128xi32, #tpu.memory_space<hbm>>
        %dma_wait3A_29 = arith.constant 0 : i32
        %dma_wait3A_30 = arith.constant 0 : i32
        %dma_wait3A_31 = tpu.memref_slice %arg7[%dma_wait3A_29, %dma_wait3A_30] : memref<104x128xi32, #tpu.memory_space<vmem>> -> memref<104x128xi32, #tpu.memory_space<vmem>>
        %dma_wait3A_32 = arith.constant 0 : i32
        %dma_wait3A_33 = tpu.memref_slice %arg3[%mul3A_10, %dma_wait3A_32] : memref<2560x128xi32, #tpu.memory_space<hbm>> -> memref<104x128xi32, #tpu.memory_space<hbm>>
        tpu.wait_dma2 semaphore(%run_scoped3A : memref<!tpu.dma_semaphore, #tpu.memory_space<semaphore_mem>>) src(%dma_wait3A_33 : memref<104x128xi32, #tpu.memory_space<hbm>>) dst(%dma_wait3A_31 : memref<104x128xi32, #tpu.memory_space<vmem>>)
        tpu.yield
      }) : () -> ()
      "tpu.region"() ({
        %run_scoped3A = tpu.sem_alloc : memref<!tpu.dma_semaphore, #tpu.memory_space<semaphore_mem>>
        %dma_start3A = arith.constant 0 : i32
        %dma_start3A_16 = arith.constant 0 : i32
        %dma_start3A_17 = tpu.memref_slice %arg8[%dma_start3A, %dma_start3A_16] : memref<104x128xi32, #tpu.memory_space<vmem>> -> memref<104x128xi32, #tpu.memory_space<vmem>>
        %dma_start3A_18 = arith.constant 0 : i32
        %dma_start3A_19 = tpu.memref_slice %arg4[%mul3A_10, %dma_start3A_18] : memref<2560x128xi32, #tpu.memory_space<hbm>> -> memref<104x128xi32, #tpu.memory_space<hbm>>
        %dma_start3A_20 = arith.constant 0 : i32
        %dma_start3A_21 = arith.constant 0 : i32
        %dma_start3A_22 = tpu.memref_slice %arg8[%dma_start3A_20, %dma_start3A_21] : memref<104x128xi32, #tpu.memory_space<vmem>> -> memref<104x128xi32, #tpu.memory_space<vmem>>
        %dma_start3A_23 = arith.constant 0 : i32
        %dma_start3A_24 = tpu.memref_slice %arg4[%mul3A_10, %dma_start3A_23] : memref<2560x128xi32, #tpu.memory_space<hbm>> -> memref<104x128xi32, #tpu.memory_space<hbm>>
        tpu.enqueue_dma source(%dma_start3A_24 : memref<104x128xi32, #tpu.memory_space<hbm>>) target(%dma_start3A_22 : memref<104x128xi32, #tpu.memory_space<vmem>>) target_semaphore(%run_scoped3A : memref<!tpu.dma_semaphore, #tpu.memory_space<semaphore_mem>>)
        %dma_wait3A = arith.constant 0 : i32
        %dma_wait3A_25 = arith.constant 0 : i32
        %dma_wait3A_26 = tpu.memref_slice %arg8[%dma_wait3A, %dma_wait3A_25] : memref<104x128xi32, #tpu.memory_space<vmem>> -> memref<104x128xi32, #tpu.memory_space<vmem>>
        %dma_wait3A_27 = arith.constant 0 : i32
        %dma_wait3A_28 = tpu.memref_slice %arg4[%mul3A_10, %dma_wait3A_27] : memref<2560x128xi32, #tpu.memory_space<hbm>> -> memref<104x128xi32, #tpu.memory_space<hbm>>
        %dma_wait3A_29 = arith.constant 0 : i32
        %dma_wait3A_30 = arith.constant 0 : i32
        %dma_wait3A_31 = tpu.memref_slice %arg8[%dma_wait3A_29, %dma_wait3A_30] : memref<104x128xi32, #tpu.memory_space<vmem>> -> memref<104x128xi32, #tpu.memory_space<vmem>>
        %dma_wait3A_32 = arith.constant 0 : i32
        %dma_wait3A_33 = tpu.memref_slice %arg4[%mul3A_10, %dma_wait3A_32] : memref<2560x128xi32, #tpu.memory_space<hbm>> -> memref<104x128xi32, #tpu.memory_space<hbm>>
        tpu.wait_dma2 semaphore(%run_scoped3A : memref<!tpu.dma_semaphore, #tpu.memory_space<semaphore_mem>>) src(%dma_wait3A_33 : memref<104x128xi32, #tpu.memory_space<hbm>>) dst(%dma_wait3A_31 : memref<104x128xi32, #tpu.memory_space<vmem>>)
        tpu.yield
      }) : () -> ()
      %scan3A = arith.constant 0 : i32
      %scan3A_11 = arith.constant 0 : i32
      %scan3A_12 = arith.constant 104 : i32
      %scan3A_13 = arith.addi %scan3A_11, %scan3A_12 : i32
      %scan3A_14 = arith.constant 1 : i32
      scf.for %scan3A_16 = %scan3A_11 to %scan3A_13 step %scan3A_14  : i32 {
        %dma_start3A = arith.constant 0 : i32
        %dma_start3A_17 = tpu.memref_slice %arg7[%scan3A_16, %dma_start3A] : memref<104x128xi32, #tpu.memory_space<vmem>> -> memref<1x128xi32, #tpu.memory_space<vmem>>
        %dma_start3A_18 = tpu.memref_squeeze %dma_start3A_17 : memref<1x128xi32, #tpu.memory_space<vmem>> -> memref<128xi32, #tpu.memory_space<vmem>>
        %dma_start3A_19 = arith.constant 0 : i32
        %dma_start3A_20 = arith.constant 0 : i32
        %dma_start3A_21 = tpu.memref_slice %arg2[%dma_start3A_19, %dma_start3A_20] : memref<10240x128xf32, #tpu.memory_space<hbm>> -> memref<10240x128xf32, #tpu.memory_space<hbm>>
        tpu.enqueue_indirect_dma source(%dma_start3A_21 : memref<10240x128xf32, #tpu.memory_space<hbm>>) target(%arg9 : memref<128x128xf32, #tpu.memory_space<vmem>>) offsets(%dma_start3A_18 : memref<128xi32, #tpu.memory_space<vmem>>) semaphore(%arg11 : memref<!tpu.dma_semaphore, #tpu.memory_space<semaphore_mem>>)
        %dma_wait3A = arith.constant 0 : i32
        %dma_wait3A_22 = tpu.memref_slice %arg7[%scan3A_16, %dma_wait3A] : memref<104x128xi32, #tpu.memory_space<vmem>> -> memref<1x128xi32, #tpu.memory_space<vmem>>
        %dma_wait3A_23 = tpu.memref_squeeze %dma_wait3A_22 : memref<1x128xi32, #tpu.memory_space<vmem>> -> memref<128xi32, #tpu.memory_space<vmem>>
        %dma_wait3A_24 = arith.constant 0 : i32
        %dma_wait3A_25 = arith.constant 0 : i32
        %dma_wait3A_26 = tpu.memref_slice %arg2[%dma_wait3A_24, %dma_wait3A_25] : memref<10240x128xf32, #tpu.memory_space<hbm>> -> memref<10240x128xf32, #tpu.memory_space<hbm>>
        tpu.wait_indirect_dma semaphore(%arg11 : memref<!tpu.dma_semaphore, #tpu.memory_space<semaphore_mem>>) src(%dma_wait3A_26 : memref<10240x128xf32, #tpu.memory_space<hbm>>) dst(%arg9 : memref<128x128xf32, #tpu.memory_space<vmem>>)
        "tpu.region"() ({
          %run_scoped3A = tpu.sem_alloc : memref<!tpu.dma_semaphore, #tpu.memory_space<semaphore_mem>>
          %dma_start3A_27 = arith.constant 0 : i32
          %dma_start3A_28 = tpu.memref_slice %arg8[%scan3A_16, %dma_start3A_27] : memref<104x128xi32, #tpu.memory_space<vmem>> -> memref<1x128xi32, #tpu.memory_space<vmem>>
          %dma_start3A_29 = tpu.memref_squeeze %dma_start3A_28 : memref<1x128xi32, #tpu.memory_space<vmem>> -> memref<128xi32, #tpu.memory_space<vmem>>
          %dma_start3A_30 = arith.constant 0 : i32
          %dma_start3A_31 = arith.constant 0 : i32
          %dma_start3A_32 = tpu.memref_slice %arg10[%dma_start3A_30, %dma_start3A_31] : memref<10240x128xf32, #tpu.memory_space<vmem_shared>> -> memref<10240x128xf32, #tpu.memory_space<vmem_shared>>
          tpu.enqueue_indirect_dma source(%arg9 : memref<128x128xf32, #tpu.memory_space<vmem>>) target(%dma_start3A_32 : memref<10240x128xf32, #tpu.memory_space<vmem_shared>>) offsets(%dma_start3A_29 : memref<128xi32, #tpu.memory_space<vmem>>) semaphore(%run_scoped3A : memref<!tpu.dma_semaphore, #tpu.memory_space<semaphore_mem>>) {add = true}
          %dma_wait3A_33 = arith.constant 0 : i32
          %dma_wait3A_34 = tpu.memref_slice %arg8[%scan3A_16, %dma_wait3A_33] : memref<104x128xi32, #tpu.memory_space<vmem>> -> memref<1x128xi32, #tpu.memory_space<vmem>>
          %dma_wait3A_35 = tpu.memref_squeeze %dma_wait3A_34 : memref<1x128xi32, #tpu.memory_space<vmem>> -> memref<128xi32, #tpu.memory_space<vmem>>
          %dma_wait3A_36 = arith.constant 0 : i32
          %dma_wait3A_37 = arith.constant 0 : i32
          %dma_wait3A_38 = tpu.memref_slice %arg10[%dma_wait3A_36, %dma_wait3A_37] : memref<10240x128xf32, #tpu.memory_space<vmem_shared>> -> memref<10240x128xf32, #tpu.memory_space<vmem_shared>>
          tpu.wait_indirect_dma semaphore(%run_scoped3A : memref<!tpu.dma_semaphore, #tpu.memory_space<semaphore_mem>>) src(%arg9 : memref<128x128xf32, #tpu.memory_space<vmem>>) dst(%dma_wait3A_38 : memref<10240x128xf32, #tpu.memory_space<vmem_shared>>)
          tpu.yield
        }) : () -> ()
      }
      %scan3A_15 = arith.constant 104 : i32
    } else {
    }
    %eq3A_3 = arith.constant 1 : i32
    %eq3A_4 = arith.cmpi eq, %arg0, %eq3A_3 : i32
    %convert_element_type3A_5 = arith.extui %eq3A_4 : i1 to i32
    %cond3A_6 = arith.constant 0 : i32
    %cond3A_7 = arith.cmpi ne, %convert_element_type3A_5, %cond3A_6 : i32
    scf.if %cond3A_7 {
      %mul3A_9 = arith.constant 56 : i32
      %mul3A_10 = arith.muli %arg1, %mul3A_9 : i32
      %add3A = arith.constant 1664 : i32
      %add3A_11 = arith.addi %add3A, %mul3A_10 : i32
      "tpu.region"() ({
        %run_scoped3A = tpu.sem_alloc : memref<!tpu.dma_semaphore, #tpu.memory_space<semaphore_mem>>
        %dma_start3A = arith.constant 0 : i32
        %dma_start3A_17 = arith.constant 0 : i32
        %dma_start3A_18 = tpu.memref_slice %arg7[%dma_start3A, %dma_start3A_17] : memref<104x128xi32, #tpu.memory_space<vmem>> -> memref<56x128xi32, #tpu.memory_space<vmem>>
        %dma_start3A_19 = arith.constant 0 : i32
        %dma_start3A_20 = tpu.memref_slice %arg3[%add3A_11, %dma_start3A_19] : memref<2560x128xi32, #tpu.memory_space<hbm>> -> memref<56x128xi32, #tpu.memory_space<hbm>>
        %dma_start3A_21 = arith.constant 0 : i32
        %dma_start3A_22 = arith.constant 0 : i32
        %dma_start3A_23 = tpu.memref_slice %arg7[%dma_start3A_21, %dma_start3A_22] : memref<104x128xi32, #tpu.memory_space<vmem>> -> memref<56x128xi32, #tpu.memory_space<vmem>>
        %dma_start3A_24 = arith.constant 0 : i32
        %dma_start3A_25 = tpu.memref_slice %arg3[%add3A_11, %dma_start3A_24] : memref<2560x128xi32, #tpu.memory_space<hbm>> -> memref<56x128xi32, #tpu.memory_space<hbm>>
        tpu.enqueue_dma source(%dma_start3A_25 : memref<56x128xi32, #tpu.memory_space<hbm>>) target(%dma_start3A_23 : memref<56x128xi32, #tpu.memory_space<vmem>>) target_semaphore(%run_scoped3A : memref<!tpu.dma_semaphore, #tpu.memory_space<semaphore_mem>>)
        %dma_wait3A = arith.constant 0 : i32
        %dma_wait3A_26 = arith.constant 0 : i32
        %dma_wait3A_27 = tpu.memref_slice %arg7[%dma_wait3A, %dma_wait3A_26] : memref<104x128xi32, #tpu.memory_space<vmem>> -> memref<56x128xi32, #tpu.memory_space<vmem>>
        %dma_wait3A_28 = arith.constant 0 : i32
        %dma_wait3A_29 = tpu.memref_slice %arg3[%add3A_11, %dma_wait3A_28] : memref<2560x128xi32, #tpu.memory_space<hbm>> -> memref<56x128xi32, #tpu.memory_space<hbm>>
        %dma_wait3A_30 = arith.constant 0 : i32
        %dma_wait3A_31 = arith.constant 0 : i32
        %dma_wait3A_32 = tpu.memref_slice %arg7[%dma_wait3A_30, %dma_wait3A_31] : memref<104x128xi32, #tpu.memory_space<vmem>> -> memref<56x128xi32, #tpu.memory_space<vmem>>
        %dma_wait3A_33 = arith.constant 0 : i32
        %dma_wait3A_34 = tpu.memref_slice %arg3[%add3A_11, %dma_wait3A_33] : memref<2560x128xi32, #tpu.memory_space<hbm>> -> memref<56x128xi32, #tpu.memory_space<hbm>>
        tpu.wait_dma2 semaphore(%run_scoped3A : memref<!tpu.dma_semaphore, #tpu.memory_space<semaphore_mem>>) src(%dma_wait3A_34 : memref<56x128xi32, #tpu.memory_space<hbm>>) dst(%dma_wait3A_32 : memref<56x128xi32, #tpu.memory_space<vmem>>)
        tpu.yield
      }) : () -> ()
      "tpu.region"() ({
        %run_scoped3A = tpu.sem_alloc : memref<!tpu.dma_semaphore, #tpu.memory_space<semaphore_mem>>
        %dma_start3A = arith.constant 0 : i32
        %dma_start3A_17 = arith.constant 0 : i32
        %dma_start3A_18 = tpu.memref_slice %arg8[%dma_start3A, %dma_start3A_17] : memref<104x128xi32, #tpu.memory_space<vmem>> -> memref<56x128xi32, #tpu.memory_space<vmem>>
        %dma_start3A_19 = arith.constant 0 : i32
        %dma_start3A_20 = tpu.memref_slice %arg4[%add3A_11, %dma_start3A_19] : memref<2560x128xi32, #tpu.memory_space<hbm>> -> memref<56x128xi32, #tpu.memory_space<hbm>>
        %dma_start3A_21 = arith.constant 0 : i32
        %dma_start3A_22 = arith.constant 0 : i32
        %dma_start3A_23 = tpu.memref_slice %arg8[%dma_start3A_21, %dma_start3A_22] : memref<104x128xi32, #tpu.memory_space<vmem>> -> memref<56x128xi32, #tpu.memory_space<vmem>>
        %dma_start3A_24 = arith.constant 0 : i32
        %dma_start3A_25 = tpu.memref_slice %arg4[%add3A_11, %dma_start3A_24] : memref<2560x128xi32, #tpu.memory_space<hbm>> -> memref<56x128xi32, #tpu.memory_space<hbm>>
        tpu.enqueue_dma source(%dma_start3A_25 : memref<56x128xi32, #tpu.memory_space<hbm>>) target(%dma_start3A_23 : memref<56x128xi32, #tpu.memory_space<vmem>>) target_semaphore(%run_scoped3A : memref<!tpu.dma_semaphore, #tpu.memory_space<semaphore_mem>>)
        %dma_wait3A = arith.constant 0 : i32
        %dma_wait3A_26 = arith.constant 0 : i32
        %dma_wait3A_27 = tpu.memref_slice %arg8[%dma_wait3A, %dma_wait3A_26] : memref<104x128xi32, #tpu.memory_space<vmem>> -> memref<56x128xi32, #tpu.memory_space<vmem>>
        %dma_wait3A_28 = arith.constant 0 : i32
        %dma_wait3A_29 = tpu.memref_slice %arg4[%add3A_11, %dma_wait3A_28] : memref<2560x128xi32, #tpu.memory_space<hbm>> -> memref<56x128xi32, #tpu.memory_space<hbm>>
        %dma_wait3A_30 = arith.constant 0 : i32
        %dma_wait3A_31 = arith.constant 0 : i32
        %dma_wait3A_32 = tpu.memref_slice %arg8[%dma_wait3A_30, %dma_wait3A_31] : memref<104x128xi32, #tpu.memory_space<vmem>> -> memref<56x128xi32, #tpu.memory_space<vmem>>
        %dma_wait3A_33 = arith.constant 0 : i32
        %dma_wait3A_34 = tpu.memref_slice %arg4[%add3A_11, %dma_wait3A_33] : memref<2560x128xi32, #tpu.memory_space<hbm>> -> memref<56x128xi32, #tpu.memory_space<hbm>>
        tpu.wait_dma2 semaphore(%run_scoped3A : memref<!tpu.dma_semaphore, #tpu.memory_space<semaphore_mem>>) src(%dma_wait3A_34 : memref<56x128xi32, #tpu.memory_space<hbm>>) dst(%dma_wait3A_32 : memref<56x128xi32, #tpu.memory_space<vmem>>)
        tpu.yield
      }) : () -> ()
      %scan3A = arith.constant 0 : i32
      %scan3A_12 = arith.constant 0 : i32
      %scan3A_13 = arith.constant 56 : i32
      %scan3A_14 = arith.addi %scan3A_12, %scan3A_13 : i32
      %scan3A_15 = arith.constant 1 : i32
      scf.for %scan3A_17 = %scan3A_12 to %scan3A_14 step %scan3A_15  : i32 {
        %dma_start3A = arith.constant 0 : i32
        %dma_start3A_18 = tpu.memref_slice %arg7[%scan3A_17, %dma_start3A] : memref<104x128xi32, #tpu.memory_space<vmem>> -> memref<1x128xi32, #tpu.memory_space<vmem>>
        %dma_start3A_19 = tpu.memref_squeeze %dma_start3A_18 : memref<1x128xi32, #tpu.memory_space<vmem>> -> memref<128xi32, #tpu.memory_space<vmem>>
        %dma_start3A_20 = arith.constant 0 : i32
        %dma_start3A_21 = arith.constant 0 : i32
        %dma_start3A_22 = tpu.memref_slice %arg2[%dma_start3A_20, %dma_start3A_21] : memref<10240x128xf32, #tpu.memory_space<hbm>> -> memref<10240x128xf32, #tpu.memory_space<hbm>>
        tpu.enqueue_indirect_dma source(%dma_start3A_22 : memref<10240x128xf32, #tpu.memory_space<hbm>>) target(%arg9 : memref<128x128xf32, #tpu.memory_space<vmem>>) offsets(%dma_start3A_19 : memref<128xi32, #tpu.memory_space<vmem>>) semaphore(%arg11 : memref<!tpu.dma_semaphore, #tpu.memory_space<semaphore_mem>>)
        %dma_wait3A = arith.constant 0 : i32
        %dma_wait3A_23 = tpu.memref_slice %arg7[%scan3A_17, %dma_wait3A] : memref<104x128xi32, #tpu.memory_space<vmem>> -> memref<1x128xi32, #tpu.memory_space<vmem>>
        %dma_wait3A_24 = tpu.memref_squeeze %dma_wait3A_23 : memref<1x128xi32, #tpu.memory_space<vmem>> -> memref<128xi32, #tpu.memory_space<vmem>>
        %dma_wait3A_25 = arith.constant 0 : i32
        %dma_wait3A_26 = arith.constant 0 : i32
        %dma_wait3A_27 = tpu.memref_slice %arg2[%dma_wait3A_25, %dma_wait3A_26] : memref<10240x128xf32, #tpu.memory_space<hbm>> -> memref<10240x128xf32, #tpu.memory_space<hbm>>
        tpu.wait_indirect_dma semaphore(%arg11 : memref<!tpu.dma_semaphore, #tpu.memory_space<semaphore_mem>>) src(%dma_wait3A_27 : memref<10240x128xf32, #tpu.memory_space<hbm>>) dst(%arg9 : memref<128x128xf32, #tpu.memory_space<vmem>>)
        "tpu.region"() ({
          %run_scoped3A = tpu.sem_alloc : memref<!tpu.dma_semaphore, #tpu.memory_space<semaphore_mem>>
          %dma_start3A_28 = arith.constant 0 : i32
          %dma_start3A_29 = tpu.memref_slice %arg8[%scan3A_17, %dma_start3A_28] : memref<104x128xi32, #tpu.memory_space<vmem>> -> memref<1x128xi32, #tpu.memory_space<vmem>>
          %dma_start3A_30 = tpu.memref_squeeze %dma_start3A_29 : memref<1x128xi32, #tpu.memory_space<vmem>> -> memref<128xi32, #tpu.memory_space<vmem>>
          %dma_start3A_31 = arith.constant 0 : i32
          %dma_start3A_32 = arith.constant 0 : i32
          %dma_start3A_33 = tpu.memref_slice %arg10[%dma_start3A_31, %dma_start3A_32] : memref<10240x128xf32, #tpu.memory_space<vmem_shared>> -> memref<10240x128xf32, #tpu.memory_space<vmem_shared>>
          tpu.enqueue_indirect_dma source(%arg9 : memref<128x128xf32, #tpu.memory_space<vmem>>) target(%dma_start3A_33 : memref<10240x128xf32, #tpu.memory_space<vmem_shared>>) offsets(%dma_start3A_30 : memref<128xi32, #tpu.memory_space<vmem>>) semaphore(%run_scoped3A : memref<!tpu.dma_semaphore, #tpu.memory_space<semaphore_mem>>) {add = true}
          %dma_wait3A_34 = arith.constant 0 : i32
          %dma_wait3A_35 = tpu.memref_slice %arg8[%scan3A_17, %dma_wait3A_34] : memref<104x128xi32, #tpu.memory_space<vmem>> -> memref<1x128xi32, #tpu.memory_space<vmem>>
          %dma_wait3A_36 = tpu.memref_squeeze %dma_wait3A_35 : memref<1x128xi32, #tpu.memory_space<vmem>> -> memref<128xi32, #tpu.memory_space<vmem>>
          %dma_wait3A_37 = arith.constant 0 : i32
          %dma_wait3A_38 = arith.constant 0 : i32
          %dma_wait3A_39 = tpu.memref_slice %arg10[%dma_wait3A_37, %dma_wait3A_38] : memref<10240x128xf32, #tpu.memory_space<vmem_shared>> -> memref<10240x128xf32, #tpu.memory_space<vmem_shared>>
          tpu.wait_indirect_dma semaphore(%run_scoped3A : memref<!tpu.dma_semaphore, #tpu.memory_space<semaphore_mem>>) src(%arg9 : memref<128x128xf32, #tpu.memory_space<vmem>>) dst(%dma_wait3A_39 : memref<10240x128xf32, #tpu.memory_space<vmem_shared>>)
          tpu.yield
        }) : () -> ()
      }
      %scan3A_16 = arith.constant 56 : i32
    } else {
    }
    %barrier3A_8 = arith.constant 0 : index
    tpu.barrier barrier_id(%barrier3A_8)
    "tpu.region"() ({
      %run_scoped3A = tpu.sem_alloc : memref<!tpu.dma_semaphore, #tpu.memory_space<semaphore_mem>>
      %dma_start3A = arith.constant 0 : i32
      %dma_start3A_9 = tpu.memref_slice %arg6[%arg0, %mul3A_0, %dma_start3A] : memref<2x10240x128xf32, #tpu.memory_space<hbm>> -> memref<1x640x128xf32, #tpu.memory_space<hbm>>
      %dma_start3A_10 = tpu.memref_squeeze %dma_start3A_9 : memref<1x640x128xf32, #tpu.memory_space<hbm>> -> memref<640x128xf32, #tpu.memory_space<hbm>>
      %dma_start3A_11 = arith.constant 0 : i32
      %dma_start3A_12 = tpu.memref_slice %arg10[%mul3A_0, %dma_start3A_11] : memref<10240x128xf32, #tpu.memory_space<vmem_shared>> -> memref<640x128xf32, #tpu.memory_space<vmem_shared>>
      tpu.enqueue_dma source(%dma_start3A_12 : memref<640x128xf32, #tpu.memory_space<vmem_shared>>) target(%dma_start3A_10 : memref<640x128xf32, #tpu.memory_space<hbm>>) target_semaphore(%run_scoped3A : memref<!tpu.dma_semaphore, #tpu.memory_space<semaphore_mem>>)
      %dma_wait3A = arith.constant 0 : i32
      %dma_wait3A_13 = tpu.memref_slice %arg6[%arg0, %mul3A_0, %dma_wait3A] : memref<2x10240x128xf32, #tpu.memory_space<hbm>> -> memref<1x640x128xf32, #tpu.memory_space<hbm>>
      %dma_wait3A_14 = tpu.memref_squeeze %dma_wait3A_13 : memref<1x640x128xf32, #tpu.memory_space<hbm>> -> memref<640x128xf32, #tpu.memory_space<hbm>>
      %dma_wait3A_15 = arith.constant 0 : i32
      %dma_wait3A_16 = tpu.memref_slice %arg10[%mul3A_0, %dma_wait3A_15] : memref<10240x128xf32, #tpu.memory_space<vmem_shared>> -> memref<640x128xf32, #tpu.memory_space<vmem_shared>>
      tpu.wait_dma2 semaphore(%run_scoped3A : memref<!tpu.dma_semaphore, #tpu.memory_space<semaphore_mem>>) src(%dma_wait3A_16 : memref<640x128xf32, #tpu.memory_space<vmem_shared>>) dst(%dma_wait3A_14 : memref<640x128xf32, #tpu.memory_space<hbm>>)
      tpu.yield
    }) : () -> ()
    return
  }
}

module attributes {stable_mosaic.version = 14 : i64} {
  func.func @_prep_body(%arg0: i32, %arg1: memref<1024x128xf32, #tpu.memory_space<vmem>>, %arg2: memref<1024x128xf32, #tpu.memory_space<vmem>>, %arg3: memref<1024x128xf32, #tpu.memory_space<vmem>>, %arg4: memref<1024x128xf32, #tpu.memory_space<vmem>>, %arg5: memref<1024x1xf32, #tpu.memory_space<vmem>>) attributes {dimension_semantics = [#tpu.dimension_semantics<arbitrary>], iteration_bounds = array<i64: 10>, scalar_prefetch = 0 : i64, scratch_operands = 0 : i64, tpu.core_type = #tpu.core_type<tc>, window_params = [{transform_indices = @transform_0, window_bounds = array<i64: 1024, 128>}, {transform_indices = @transform_1, window_bounds = array<i64: 1024, 128>}, {transform_indices = @transform_2, window_bounds = array<i64: 1024, 128>}, {transform_indices = @transform_3, window_bounds = array<i64: 1024, 128>}, {transform_indices = @transform_4, window_bounds = array<i64: 1024, 1>}]} {
    %get3A = arith.constant 0 : index
    %get3A_0 = arith.constant 0 : index
    %get3A_1 = vector.load %arg1[%get3A, %get3A_0] : memref<1024x128xf32, #tpu.memory_space<vmem>>, vector<1024x1xf32>
    %get3A_2 = arith.constant 0 : index
    %get3A_3 = arith.constant 0 : index
    %get3A_4 = vector.load %arg2[%get3A_2, %get3A_3] : memref<1024x128xf32, #tpu.memory_space<vmem>>, vector<1024x1xf32>
    %add3A = arith.addf %get3A_1, %get3A_4 : vector<1024x1xf32>
    %add3A_5 = arith.constant 1.000000e+00 : f32
    %add3A_6 = vector.broadcast %add3A_5 : f32 to vector<1024x1xf32>
    %add3A_7 = arith.addf %add3A, %add3A_6 : vector<1024x1xf32>
    %rsqrt3A = math.rsqrt %add3A_7 : vector<1024x1xf32>
    %swap3A = arith.constant 0 : index
    %swap3A_8 = arith.constant 0 : index
    %swap3A_9 = vector.load %arg5[%swap3A, %swap3A_8] : memref<1024x1xf32, #tpu.memory_space<vmem>>, vector<1024x1xf32>
    tpu.vector_store %arg5[%swap3A, %swap3A_8], %rsqrt3A {strides = array<i32>} : memref<1024x1xf32, #tpu.memory_space<vmem>>, vector<1024x1xf32>,
    %get3A_10 = arith.constant 0 : index
    %get3A_11 = arith.constant 0 : index
    %get3A_12 = vector.load %arg3[%get3A_10, %get3A_11] : memref<1024x128xf32, #tpu.memory_space<vmem>>, vector<1024x128xf32>
    %mul3A = vector.broadcast %rsqrt3A : vector<1024x1xf32> to vector<1024x128xf32>
    %mul3A_13 = arith.mulf %get3A_12, %mul3A : vector<1024x128xf32>
    %swap3A_14 = arith.constant 0 : index
    %swap3A_15 = arith.constant 0 : index
    %swap3A_16 = vector.load %arg4[%swap3A_14, %swap3A_15] : memref<1024x128xf32, #tpu.memory_space<vmem>>, vector<1024x128xf32>
    tpu.vector_store %arg4[%swap3A_14, %swap3A_15], %mul3A_13 {strides = array<i32>} : memref<1024x128xf32, #tpu.memory_space<vmem>>, vector<1024x128xf32>,
    return
  }
  func.func @transform_0(%arg0: i32) -> (i32, i32) {
    %c0_i32 = arith.constant 0 : i32
    %c0_i32_0 = arith.constant 0 : i32
    return %arg0, %c0_i32 : i32, i32
  }
  func.func @transform_1(%arg0: i32) -> (i32, i32) {
    %c0_i32 = arith.constant 0 : i32
    %c0_i32_0 = arith.constant 0 : i32
    return %arg0, %c0_i32 : i32, i32
  }
  func.func @transform_2(%arg0: i32) -> (i32, i32) {
    %c0_i32 = arith.constant 0 : i32
    %c0_i32_0 = arith.constant 0 : i32
    return %arg0, %c0_i32 : i32, i32
  }
  func.func @transform_3(%arg0: i32) -> (i32, i32) {
    %c0_i32 = arith.constant 0 : i32
    %c0_i32_0 = arith.constant 0 : i32
    return %arg0, %c0_i32 : i32, i32
  }
  func.func @transform_4(%arg0: i32) -> (i32, i32) {
    %c0_i32 = arith.constant 0 : i32
    %c0_i32_0 = arith.constant 0 : i32
    return %arg0, %c0_i32 : i32, i32
  }
}

module attributes {stable_mosaic.version = 14 : i64} {
  func.func @_layer0_body(%arg0: i32, %arg1: memref<1024x128xf32, #tpu.memory_space<vmem>>, %arg2: memref<1024x128xf32, #tpu.memory_space<vmem>>, %arg3: memref<1024x128xf32, #tpu.memory_space<vmem>>, %arg4: memref<1024x1xf32, #tpu.memory_space<vmem>>, %arg5: memref<4x128x128xf32, #tpu.memory_space<vmem>>, %arg6: memref<4x128xf32, #tpu.memory_space<vmem>>, %arg7: memref<4x128xf32, #tpu.memory_space<vmem>>, %arg8: memref<2x128xf32, #tpu.memory_space<vmem>>, %arg9: memref<1x1xf32, #tpu.memory_space<vmem>>, %arg10: memref<2x128xf32, #tpu.memory_space<vmem>>, %arg11: memref<1x1xf32, #tpu.memory_space<vmem>>, %arg12: memref<128x128xf32, #tpu.memory_space<vmem>>, %arg13: memref<1x128xf32, #tpu.memory_space<vmem>>, %arg14: memref<128x128xf32, #tpu.memory_space<vmem>>, %arg15: memref<1x128xf32, #tpu.memory_space<vmem>>, %arg16: memref<1024x128xf32, #tpu.memory_space<vmem>>, %arg17: memref<1024x128xf32, #tpu.memory_space<vmem>>, %arg18: memref<1024x128xf32, #tpu.memory_space<vmem>>) attributes {dimension_semantics = [#tpu.dimension_semantics<arbitrary>], iteration_bounds = array<i64: 10>, scalar_prefetch = 0 : i64, scratch_operands = 0 : i64, tpu.core_type = #tpu.core_type<tc>, window_params = [{transform_indices = @transform_0, window_bounds = array<i64: 1024, 128>}, {transform_indices = @transform_1, window_bounds = array<i64: 1024, 128>}, {transform_indices = @transform_2, window_bounds = array<i64: 1024, 128>}, {transform_indices = @transform_3, window_bounds = array<i64: 1024, 1>}, {pipeline_mode = #tpu.pipeline_mode<synchronous>, transform_indices = @transform_4, window_bounds = array<i64: 4, 128, 128>}, {pipeline_mode = #tpu.pipeline_mode<synchronous>, transform_indices = @transform_5, window_bounds = array<i64: 4, 128>}, {pipeline_mode = #tpu.pipeline_mode<synchronous>, transform_indices = @transform_6, window_bounds = array<i64: 4, 128>}, {pipeline_mode = #tpu.pipeline_mode<synchronous>, transform_indices = @transform_7, window_bounds = array<i64: 2, 128>}, {pipeline_mode = #tpu.pipeline_mode<synchronous>, transform_indices = @transform_8, window_bounds = array<i64: 1, 1>}, {pipeline_mode = #tpu.pipeline_mode<synchronous>, transform_indices = @transform_9, window_bounds = array<i64: 2, 128>}, {pipeline_mode = #tpu.pipeline_mode<synchronous>, transform_indices = @transform_10, window_bounds = array<i64: 1, 1>}, {pipeline_mode = #tpu.pipeline_mode<synchronous>, transform_indices = @transform_11, window_bounds = array<i64: 128, 128>}, {pipeline_mode = #tpu.pipeline_mode<synchronous>, transform_indices = @transform_12, window_bounds = array<i64: 1, 128>}, {pipeline_mode = #tpu.pipeline_mode<synchronous>, transform_indices = @transform_13, window_bounds = array<i64: 128, 128>}, {pipeline_mode = #tpu.pipeline_mode<synchronous>, transform_indices = @transform_14, window_bounds = array<i64: 1, 128>}, {transform_indices = @transform_15, window_bounds = array<i64: 1024, 128>}, {transform_indices = @transform_16, window_bounds = array<i64: 1024, 128>}, {transform_indices = @transform_17, window_bounds = array<i64: 1024, 128>}]} {
    %get3A = arith.constant 0 : index
    %get3A_0 = arith.constant 0 : index
    %get3A_1 = vector.load %arg4[%get3A, %get3A_0] : memref<1024x1xf32, #tpu.memory_space<vmem>>, vector<1024x1xf32>
    %get3A_2 = arith.constant 0 : index
    %get3A_3 = arith.constant 0 : index
    %get3A_4 = vector.load %arg1[%get3A_2, %get3A_3] : memref<1024x128xf32, #tpu.memory_space<vmem>>, vector<1024x128xf32>
    %get3A_5 = arith.constant 0 : index
    %get3A_6 = arith.constant 0 : index
    %get3A_7 = vector.load %arg2[%get3A_5, %get3A_6] : memref<1024x128xf32, #tpu.memory_space<vmem>>, vector<1024x128xf32>
    %add3A = arith.addf %get3A_4, %get3A_7 : vector<1024x128xf32>
    %get3A_8 = arith.constant 0 : index
    %get3A_9 = arith.constant 0 : index
    %get3A_10 = vector.load %arg3[%get3A_8, %get3A_9] : memref<1024x128xf32, #tpu.memory_space<vmem>>, vector<1024x128xf32>
    %add3A_11 = arith.addf %add3A, %get3A_10 : vector<1024x128xf32>
    %mul3A = vector.broadcast %get3A_1 : vector<1024x1xf32> to vector<1024x128xf32>
    %mul3A_12 = arith.mulf %mul3A, %add3A_11 : vector<1024x128xf32>
    %swap3A = arith.constant 0 : index
    %swap3A_13 = arith.constant 0 : index
    %swap3A_14 = vector.load %arg16[%swap3A, %swap3A_13] : memref<1024x128xf32, #tpu.memory_space<vmem>>, vector<1024x128xf32>
    tpu.vector_store %arg16[%swap3A, %swap3A_13], %mul3A_12 {strides = array<i32>} : memref<1024x128xf32, #tpu.memory_space<vmem>>, vector<1024x128xf32>,
    %get3A_15 = arith.constant 0 : index
    %get3A_16 = arith.constant 0 : index
    %get3A_17 = vector.load %arg8[%get3A_15, %get3A_16] : memref<2x128xf32, #tpu.memory_space<vmem>>, vector<1x128xf32>
    %get3A_18 = arith.constant 1 : index
    %get3A_19 = arith.constant 0 : index
    %get3A_20 = vector.load %arg8[%get3A_18, %get3A_19] : memref<2x128xf32, #tpu.memory_space<vmem>>, vector<1x128xf32>
    %get3A_21 = arith.constant 0 : index
    %get3A_22 = arith.constant 0 : index
    %get3A_23 = vector.load %arg10[%get3A_21, %get3A_22] : memref<2x128xf32, #tpu.memory_space<vmem>>, vector<1x128xf32>
    %get3A_24 = arith.constant 1 : index
    %get3A_25 = arith.constant 0 : index
    %get3A_26 = vector.load %arg10[%get3A_24, %get3A_25] : memref<2x128xf32, #tpu.memory_space<vmem>>, vector<1x128xf32>
    %broadcast_in_dim3A = arith.constant 0.000000e+00 : f32
    %broadcast_in_dim3A_27 = vector.broadcast %broadcast_in_dim3A : f32 to vector<1024x128xf32>
    %get3A_28 = arith.constant 0 : index
    %get3A_29 = arith.constant 0 : index
    %get3A_30 = vector.load %arg7[%get3A_28, %get3A_29] : memref<4x128xf32, #tpu.memory_space<vmem>>, vector<1x128xf32>
    %mul3A_31 = arith.mulf %get3A_30, %get3A_17 : vector<1x128xf32>
    %reduce_sum3A = vector.shape_cast %mul3A_31 : vector<1x128xf32> to vector<1x1x128xf32>
    %reduce_sum3A_32 = arith.constant dense<0.000000e+00> : vector<1xf32>
    %reduce_sum3A_33 = vector.multi_reduction <add>, %reduce_sum3A, %reduce_sum3A_32 [1, 2] : vector<1x1x128xf32> to vector<1xf32>
    %reduce_sum3A_34 = vector.shape_cast %reduce_sum3A_33 : vector<1xf32> to vector<1x1x1xf32>
    %reduce_sum3A_35 = vector.extract %reduce_sum3A_34[0, 0, 0] : f32 from vector<1x1x1xf32>
    %mul3A_36 = arith.mulf %get3A_30, %get3A_23 : vector<1x128xf32>
    %reduce_sum3A_37 = vector.shape_cast %mul3A_36 : vector<1x128xf32> to vector<1x1x128xf32>
    %reduce_sum3A_38 = arith.constant dense<0.000000e+00> : vector<1xf32>
    %reduce_sum3A_39 = vector.multi_reduction <add>, %reduce_sum3A_37, %reduce_sum3A_38 [1, 2] : vector<1x1x128xf32> to vector<1xf32>
    %reduce_sum3A_40 = vector.shape_cast %reduce_sum3A_39 : vector<1xf32> to vector<1x1x1xf32>
    %reduce_sum3A_41 = vector.extract %reduce_sum3A_40[0, 0, 0] : f32 from vector<1x1x1xf32>
    %get3A_42 = arith.constant 0 : index
    %get3A_43 = arith.constant 0 : index
    %get3A_44 = arith.constant 0 : index
    %get3A_45 = vector.load %arg5[%get3A_42, %get3A_43, %get3A_44] : memref<4x128x128xf32, #tpu.memory_space<vmem>>, vector<1x128x128xf32>
    %get3A_46 = vector.shape_cast %get3A_45 : vector<1x128x128xf32> to vector<128x128xf32>
    %dot_general3A = arith.constant dense<0.000000e+00> : vector<1024x128xf32>
    %dot_general3A_47 = tpu.matmul %mul3A_12, %get3A_46, %dot_general3A {dimension_numbers = #tpu.dot_dimension_numbers<[1], [0], [0], [1], [0, 0, 1, 1], [], []>, transpose_lhs_hint = false} : vector<1024x128xf32>, vector<128x128xf32>, vector<1024x128xf32> -> vector<1024x128xf32>
    %get3A_48 = arith.constant 0 : index
    %get3A_49 = arith.constant 0 : index
    %get3A_50 = vector.load %arg6[%get3A_48, %get3A_49] : memref<4x128xf32, #tpu.memory_space<vmem>>, vector<1x128xf32>
    %add3A_51 = vector.broadcast %get3A_50 : vector<1x128xf32> to vector<1024x128xf32>
    %add3A_52 = arith.addf %dot_general3A_47, %add3A_51 : vector<1024x128xf32>
    %mul3A_53 = vector.broadcast %get3A_20 : vector<1x128xf32> to vector<1024x128xf32>
    %mul3A_54 = arith.mulf %add3A_52, %mul3A_53 : vector<1024x128xf32>
    %reduce_sum3A_55 = arith.constant dense<0.000000e+00> : vector<1024xf32>
    %reduce_sum3A_56 = vector.multi_reduction <add>, %mul3A_54, %reduce_sum3A_55 [1] : vector<1024x128xf32> to vector<1024xf32>
    %broadcast_in_dim3A_57 = vector.shape_cast %reduce_sum3A_56 : vector<1024xf32> to vector<1024x1xf32>
    %add3A_58 = vector.broadcast %reduce_sum3A_35 : f32 to vector<1024x1xf32>
    %add3A_59 = arith.addf %add3A_58, %broadcast_in_dim3A_57 : vector<1024x1xf32>
    %get3A_60 = arith.constant 0 : index
    %get3A_61 = arith.constant 0 : index
    %get3A_62 = vector.load %arg9[%get3A_60, %get3A_61] : memref<1x1xf32, #tpu.memory_space<vmem>>, vector<1x1xf32>
    %get3A_63 = vector.extract %get3A_62[0, 0] : f32 from vector<1x1xf32>
    %add3A_64 = vector.broadcast %get3A_63 : f32 to vector<1024x1xf32>
    %add3A_65 = arith.addf %add3A_59, %add3A_64 : vector<1024x1xf32>
    %tanh3A = math.tanh %add3A_65 : vector<1024x1xf32>
    %mul3A_66 = arith.constant 2.000000e-01 : f32
    %mul3A_67 = vector.broadcast %mul3A_66 : f32 to vector<1024x1xf32>
    %mul3A_68 = arith.mulf %mul3A_67, %tanh3A : vector<1024x1xf32>
    %mul3A_69 = vector.broadcast %get3A_26 : vector<1x128xf32> to vector<1024x128xf32>
    %mul3A_70 = arith.mulf %add3A_52, %mul3A_69 : vector<1024x128xf32>
    %reduce_sum3A_71 = arith.constant dense<0.000000e+00> : vector<1024xf32>
    %reduce_sum3A_72 = vector.multi_reduction <add>, %mul3A_70, %reduce_sum3A_71 [1] : vector<1024x128xf32> to vector<1024xf32>
    %broadcast_in_dim3A_73 = vector.shape_cast %reduce_sum3A_72 : vector<1024xf32> to vector<1024x1xf32>
    %add3A_74 = vector.broadcast %reduce_sum3A_41 : f32 to vector<1024x1xf32>
    %add3A_75 = arith.addf %add3A_74, %broadcast_in_dim3A_73 : vector<1024x1xf32>
    %get3A_76 = arith.constant 0 : index
    %get3A_77 = arith.constant 0 : index
    %get3A_78 = vector.load %arg11[%get3A_76, %get3A_77] : memref<1x1xf32, #tpu.memory_space<vmem>>, vector<1x1xf32>
    %get3A_79 = vector.extract %get3A_78[0, 0] : f32 from vector<1x1xf32>
    %add3A_80 = vector.broadcast %get3A_79 : f32 to vector<1024x1xf32>
    %add3A_81 = arith.addf %add3A_75, %add3A_80 : vector<1024x1xf32>
    %tanh3A_82 = math.tanh %add3A_81 : vector<1024x1xf32>
    %mul3A_83 = arith.constant 2.000000e-01 : f32
    %mul3A_84 = vector.broadcast %mul3A_83 : f32 to vector<1024x1xf32>
    %mul3A_85 = arith.mulf %mul3A_84, %tanh3A_82 : vector<1024x1xf32>
    %add3A_86 = arith.constant 1.000000e+00 : f32
    %add3A_87 = vector.broadcast %add3A_86 : f32 to vector<1024x1xf32>
    %add3A_88 = arith.addf %add3A_87, %mul3A_68 : vector<1024x1xf32>
    %mul3A_89 = vector.broadcast %add3A_88 : vector<1024x1xf32> to vector<1024x128xf32>
    %mul3A_90 = vector.broadcast %get3A_30 : vector<1x128xf32> to vector<1024x128xf32>
    %mul3A_91 = arith.mulf %mul3A_89, %mul3A_90 : vector<1024x128xf32>
    %add3A_92 = arith.addf %broadcast_in_dim3A_27, %mul3A_91 : vector<1024x128xf32>
    %add3A_93 = arith.constant 1.000000e+00 : f32
    %add3A_94 = vector.broadcast %add3A_93 : f32 to vector<1024x1xf32>
    %add3A_95 = arith.addf %add3A_94, %mul3A_85 : vector<1024x1xf32>
    %mul3A_96 = vector.broadcast %add3A_95 : vector<1024x1xf32> to vector<1024x128xf32>
    %mul3A_97 = arith.mulf %mul3A_96, %add3A_52 : vector<1024x128xf32>
    %add3A_98 = arith.addf %add3A_92, %mul3A_97 : vector<1024x128xf32>
    %get3A_99 = arith.constant 1 : index
    %get3A_100 = arith.constant 0 : index
    %get3A_101 = vector.load %arg7[%get3A_99, %get3A_100] : memref<4x128xf32, #tpu.memory_space<vmem>>, vector<1x128xf32>
    %mul3A_102 = arith.mulf %get3A_101, %get3A_17 : vector<1x128xf32>
    %reduce_sum3A_103 = vector.shape_cast %mul3A_102 : vector<1x128xf32> to vector<1x1x128xf32>
    %reduce_sum3A_104 = arith.constant dense<0.000000e+00> : vector<1xf32>
    %reduce_sum3A_105 = vector.multi_reduction <add>, %reduce_sum3A_103, %reduce_sum3A_104 [1, 2] : vector<1x1x128xf32> to vector<1xf32>
    %reduce_sum3A_106 = vector.shape_cast %reduce_sum3A_105 : vector<1xf32> to vector<1x1x1xf32>
    %reduce_sum3A_107 = vector.extract %reduce_sum3A_106[0, 0, 0] : f32 from vector<1x1x1xf32>
    %mul3A_108 = arith.mulf %get3A_101, %get3A_23 : vector<1x128xf32>
    %reduce_sum3A_109 = vector.shape_cast %mul3A_108 : vector<1x128xf32> to vector<1x1x128xf32>
    %reduce_sum3A_110 = arith.constant dense<0.000000e+00> : vector<1xf32>
    %reduce_sum3A_111 = vector.multi_reduction <add>, %reduce_sum3A_109, %reduce_sum3A_110 [1, 2] : vector<1x1x128xf32> to vector<1xf32>
    %reduce_sum3A_112 = vector.shape_cast %reduce_sum3A_111 : vector<1xf32> to vector<1x1x1xf32>
    %reduce_sum3A_113 = vector.extract %reduce_sum3A_112[0, 0, 0] : f32 from vector<1x1x1xf32>
    %get3A_114 = arith.constant 1 : index
    %get3A_115 = arith.constant 0 : index
    %get3A_116 = arith.constant 0 : index
    %get3A_117 = vector.load %arg5[%get3A_114, %get3A_115, %get3A_116] : memref<4x128x128xf32, #tpu.memory_space<vmem>>, vector<1x128x128xf32>
    %get3A_118 = vector.shape_cast %get3A_117 : vector<1x128x128xf32> to vector<128x128xf32>
    %dot_general3A_119 = arith.constant dense<0.000000e+00> : vector<1024x128xf32>
    %dot_general3A_120 = tpu.matmul %mul3A_12, %get3A_118, %dot_general3A_119 {dimension_numbers = #tpu.dot_dimension_numbers<[1], [0], [0], [1], [0, 0, 1, 1], [], []>, transpose_lhs_hint = false} : vector<1024x128xf32>, vector<128x128xf32>, vector<1024x128xf32> -> vector<1024x128xf32>
    %get3A_121 = arith.constant 1 : index
    %get3A_122 = arith.constant 0 : index
    %get3A_123 = vector.load %arg6[%get3A_121, %get3A_122] : memref<4x128xf32, #tpu.memory_space<vmem>>, vector<1x128xf32>
    %add3A_124 = vector.broadcast %get3A_123 : vector<1x128xf32> to vector<1024x128xf32>
    %add3A_125 = arith.addf %dot_general3A_120, %add3A_124 : vector<1024x128xf32>
    %mul3A_126 = vector.broadcast %get3A_20 : vector<1x128xf32> to vector<1024x128xf32>
    %mul3A_127 = arith.mulf %add3A_125, %mul3A_126 : vector<1024x128xf32>
    %reduce_sum3A_128 = arith.constant dense<0.000000e+00> : vector<1024xf32>
    %reduce_sum3A_129 = vector.multi_reduction <add>, %mul3A_127, %reduce_sum3A_128 [1] : vector<1024x128xf32> to vector<1024xf32>
    %broadcast_in_dim3A_130 = vector.shape_cast %reduce_sum3A_129 : vector<1024xf32> to vector<1024x1xf32>
    %add3A_131 = vector.broadcast %reduce_sum3A_107 : f32 to vector<1024x1xf32>
    %add3A_132 = arith.addf %add3A_131, %broadcast_in_dim3A_130 : vector<1024x1xf32>
    %get3A_133 = arith.constant 0 : index
    %get3A_134 = arith.constant 0 : index
    %get3A_135 = vector.load %arg9[%get3A_133, %get3A_134] : memref<1x1xf32, #tpu.memory_space<vmem>>, vector<1x1xf32>
    %get3A_136 = vector.extract %get3A_135[0, 0] : f32 from vector<1x1xf32>
    %add3A_137 = vector.broadcast %get3A_136 : f32 to vector<1024x1xf32>
    %add3A_138 = arith.addf %add3A_132, %add3A_137 : vector<1024x1xf32>
    %tanh3A_139 = math.tanh %add3A_138 : vector<1024x1xf32>
    %mul3A_140 = arith.constant 2.000000e-01 : f32
    %mul3A_141 = vector.broadcast %mul3A_140 : f32 to vector<1024x1xf32>
    %mul3A_142 = arith.mulf %mul3A_141, %tanh3A_139 : vector<1024x1xf32>
    %mul3A_143 = vector.broadcast %get3A_26 : vector<1x128xf32> to vector<1024x128xf32>
    %mul3A_144 = arith.mulf %add3A_125, %mul3A_143 : vector<1024x128xf32>
    %reduce_sum3A_145 = arith.constant dense<0.000000e+00> : vector<1024xf32>
    %reduce_sum3A_146 = vector.multi_reduction <add>, %mul3A_144, %reduce_sum3A_145 [1] : vector<1024x128xf32> to vector<1024xf32>
    %broadcast_in_dim3A_147 = vector.shape_cast %reduce_sum3A_146 : vector<1024xf32> to vector<1024x1xf32>
    %add3A_148 = vector.broadcast %reduce_sum3A_113 : f32 to vector<1024x1xf32>
    %add3A_149 = arith.addf %add3A_148, %broadcast_in_dim3A_147 : vector<1024x1xf32>
    %get3A_150 = arith.constant 0 : index
    %get3A_151 = arith.constant 0 : index
    %get3A_152 = vector.load %arg11[%get3A_150, %get3A_151] : memref<1x1xf32, #tpu.memory_space<vmem>>, vector<1x1xf32>
    %get3A_153 = vector.extract %get3A_152[0, 0] : f32 from vector<1x1xf32>
    %add3A_154 = vector.broadcast %get3A_153 : f32 to vector<1024x1xf32>
    %add3A_155 = arith.addf %add3A_149, %add3A_154 : vector<1024x1xf32>
    %tanh3A_156 = math.tanh %add3A_155 : vector<1024x1xf32>
    %mul3A_157 = arith.constant 2.000000e-01 : f32
    %mul3A_158 = vector.broadcast %mul3A_157 : f32 to vector<1024x1xf32>
    %mul3A_159 = arith.mulf %mul3A_158, %tanh3A_156 : vector<1024x1xf32>
    %add3A_160 = arith.constant 1.000000e+00 : f32
    %add3A_161 = vector.broadcast %add3A_160 : f32 to vector<1024x1xf32>
    %add3A_162 = arith.addf %add3A_161, %mul3A_142 : vector<1024x1xf32>
    %mul3A_163 = vector.broadcast %add3A_162 : vector<1024x1xf32> to vector<1024x128xf32>
    %mul3A_164 = vector.broadcast %get3A_101 : vector<1x128xf32> to vector<1024x128xf32>
    %mul3A_165 = arith.mulf %mul3A_163, %mul3A_164 : vector<1024x128xf32>
    %add3A_166 = arith.addf %add3A_98, %mul3A_165 : vector<1024x128xf32>
    %add3A_167 = arith.constant 1.000000e+00 : f32
    %add3A_168 = vector.broadcast %add3A_167 : f32 to vector<1024x1xf32>
    %add3A_169 = arith.addf %add3A_168, %mul3A_159 : vector<1024x1xf32>
    %mul3A_170 = vector.broadcast %add3A_169 : vector<1024x1xf32> to vector<1024x128xf32>
    %mul3A_171 = arith.mulf %mul3A_170, %add3A_125 : vector<1024x128xf32>
    %add3A_172 = arith.addf %add3A_166, %mul3A_171 : vector<1024x128xf32>
    %get3A_173 = arith.constant 2 : index
    %get3A_174 = arith.constant 0 : index
    %get3A_175 = vector.load %arg7[%get3A_173, %get3A_174] : memref<4x128xf32, #tpu.memory_space<vmem>>, vector<1x128xf32>
    %mul3A_176 = arith.mulf %get3A_175, %get3A_17 : vector<1x128xf32>
    %reduce_sum3A_177 = vector.shape_cast %mul3A_176 : vector<1x128xf32> to vector<1x1x128xf32>
    %reduce_sum3A_178 = arith.constant dense<0.000000e+00> : vector<1xf32>
    %reduce_sum3A_179 = vector.multi_reduction <add>, %reduce_sum3A_177, %reduce_sum3A_178 [1, 2] : vector<1x1x128xf32> to vector<1xf32>
    %reduce_sum3A_180 = vector.shape_cast %reduce_sum3A_179 : vector<1xf32> to vector<1x1x1xf32>
    %reduce_sum3A_181 = vector.extract %reduce_sum3A_180[0, 0, 0] : f32 from vector<1x1x1xf32>
    %mul3A_182 = arith.mulf %get3A_175, %get3A_23 : vector<1x128xf32>
    %reduce_sum3A_183 = vector.shape_cast %mul3A_182 : vector<1x128xf32> to vector<1x1x128xf32>
    %reduce_sum3A_184 = arith.constant dense<0.000000e+00> : vector<1xf32>
    %reduce_sum3A_185 = vector.multi_reduction <add>, %reduce_sum3A_183, %reduce_sum3A_184 [1, 2] : vector<1x1x128xf32> to vector<1xf32>
    %reduce_sum3A_186 = vector.shape_cast %reduce_sum3A_185 : vector<1xf32> to vector<1x1x1xf32>
    %reduce_sum3A_187 = vector.extract %reduce_sum3A_186[0, 0, 0] : f32 from vector<1x1x1xf32>
    %get3A_188 = arith.constant 2 : index
    %get3A_189 = arith.constant 0 : index
    %get3A_190 = arith.constant 0 : index
    %get3A_191 = vector.load %arg5[%get3A_188, %get3A_189, %get3A_190] : memref<4x128x128xf32, #tpu.memory_space<vmem>>, vector<1x128x128xf32>
    %get3A_192 = vector.shape_cast %get3A_191 : vector<1x128x128xf32> to vector<128x128xf32>
    %dot_general3A_193 = arith.constant dense<0.000000e+00> : vector<1024x128xf32>
    %dot_general3A_194 = tpu.matmul %mul3A_12, %get3A_192, %dot_general3A_193 {dimension_numbers = #tpu.dot_dimension_numbers<[1], [0], [0], [1], [0, 0, 1, 1], [], []>, transpose_lhs_hint = false} : vector<1024x128xf32>, vector<128x128xf32>, vector<1024x128xf32> -> vector<1024x128xf32>
    %get3A_195 = arith.constant 2 : index
    %get3A_196 = arith.constant 0 : index
    %get3A_197 = vector.load %arg6[%get3A_195, %get3A_196] : memref<4x128xf32, #tpu.memory_space<vmem>>, vector<1x128xf32>
    %add3A_198 = vector.broadcast %get3A_197 : vector<1x128xf32> to vector<1024x128xf32>
    %add3A_199 = arith.addf %dot_general3A_194, %add3A_198 : vector<1024x128xf32>
    %mul3A_200 = vector.broadcast %get3A_20 : vector<1x128xf32> to vector<1024x128xf32>
    %mul3A_201 = arith.mulf %add3A_199, %mul3A_200 : vector<1024x128xf32>
    %reduce_sum3A_202 = arith.constant dense<0.000000e+00> : vector<1024xf32>
    %reduce_sum3A_203 = vector.multi_reduction <add>, %mul3A_201, %reduce_sum3A_202 [1] : vector<1024x128xf32> to vector<1024xf32>
    %broadcast_in_dim3A_204 = vector.shape_cast %reduce_sum3A_203 : vector<1024xf32> to vector<1024x1xf32>
    %add3A_205 = vector.broadcast %reduce_sum3A_181 : f32 to vector<1024x1xf32>
    %add3A_206 = arith.addf %add3A_205, %broadcast_in_dim3A_204 : vector<1024x1xf32>
    %get3A_207 = arith.constant 0 : index
    %get3A_208 = arith.constant 0 : index
    %get3A_209 = vector.load %arg9[%get3A_207, %get3A_208] : memref<1x1xf32, #tpu.memory_space<vmem>>, vector<1x1xf32>
    %get3A_210 = vector.extract %get3A_209[0, 0] : f32 from vector<1x1xf32>
    %add3A_211 = vector.broadcast %get3A_210 : f32 to vector<1024x1xf32>
    %add3A_212 = arith.addf %add3A_206, %add3A_211 : vector<1024x1xf32>
    %tanh3A_213 = math.tanh %add3A_212 : vector<1024x1xf32>
    %mul3A_214 = arith.constant 2.000000e-01 : f32
    %mul3A_215 = vector.broadcast %mul3A_214 : f32 to vector<1024x1xf32>
    %mul3A_216 = arith.mulf %mul3A_215, %tanh3A_213 : vector<1024x1xf32>
    %mul3A_217 = vector.broadcast %get3A_26 : vector<1x128xf32> to vector<1024x128xf32>
    %mul3A_218 = arith.mulf %add3A_199, %mul3A_217 : vector<1024x128xf32>
    %reduce_sum3A_219 = arith.constant dense<0.000000e+00> : vector<1024xf32>
    %reduce_sum3A_220 = vector.multi_reduction <add>, %mul3A_218, %reduce_sum3A_219 [1] : vector<1024x128xf32> to vector<1024xf32>
    %broadcast_in_dim3A_221 = vector.shape_cast %reduce_sum3A_220 : vector<1024xf32> to vector<1024x1xf32>
    %add3A_222 = vector.broadcast %reduce_sum3A_187 : f32 to vector<1024x1xf32>
    %add3A_223 = arith.addf %add3A_222, %broadcast_in_dim3A_221 : vector<1024x1xf32>
    %get3A_224 = arith.constant 0 : index
    %get3A_225 = arith.constant 0 : index
    %get3A_226 = vector.load %arg11[%get3A_224, %get3A_225] : memref<1x1xf32, #tpu.memory_space<vmem>>, vector<1x1xf32>
    %get3A_227 = vector.extract %get3A_226[0, 0] : f32 from vector<1x1xf32>
    %add3A_228 = vector.broadcast %get3A_227 : f32 to vector<1024x1xf32>
    %add3A_229 = arith.addf %add3A_223, %add3A_228 : vector<1024x1xf32>
    %tanh3A_230 = math.tanh %add3A_229 : vector<1024x1xf32>
    %mul3A_231 = arith.constant 2.000000e-01 : f32
    %mul3A_232 = vector.broadcast %mul3A_231 : f32 to vector<1024x1xf32>
    %mul3A_233 = arith.mulf %mul3A_232, %tanh3A_230 : vector<1024x1xf32>
    %add3A_234 = arith.constant 1.000000e+00 : f32
    %add3A_235 = vector.broadcast %add3A_234 : f32 to vector<1024x1xf32>
    %add3A_236 = arith.addf %add3A_235, %mul3A_216 : vector<1024x1xf32>
    %mul3A_237 = vector.broadcast %add3A_236 : vector<1024x1xf32> to vector<1024x128xf32>
    %mul3A_238 = vector.broadcast %get3A_175 : vector<1x128xf32> to vector<1024x128xf32>
    %mul3A_239 = arith.mulf %mul3A_237, %mul3A_238 : vector<1024x128xf32>
    %add3A_240 = arith.addf %add3A_172, %mul3A_239 : vector<1024x128xf32>
    %add3A_241 = arith.constant 1.000000e+00 : f32
    %add3A_242 = vector.broadcast %add3A_241 : f32 to vector<1024x1xf32>
    %add3A_243 = arith.addf %add3A_242, %mul3A_233 : vector<1024x1xf32>
    %mul3A_244 = vector.broadcast %add3A_243 : vector<1024x1xf32> to vector<1024x128xf32>
    %mul3A_245 = arith.mulf %mul3A_244, %add3A_199 : vector<1024x128xf32>
    %add3A_246 = arith.addf %add3A_240, %mul3A_245 : vector<1024x128xf32>
    %get3A_247 = arith.constant 3 : index
    %get3A_248 = arith.constant 0 : index
    %get3A_249 = vector.load %arg7[%get3A_247, %get3A_248] : memref<4x128xf32, #tpu.memory_space<vmem>>, vector<1x128xf32>
    %mul3A_250 = arith.mulf %get3A_249, %get3A_17 : vector<1x128xf32>
    %reduce_sum3A_251 = vector.shape_cast %mul3A_250 : vector<1x128xf32> to vector<1x1x128xf32>
    %reduce_sum3A_252 = arith.constant dense<0.000000e+00> : vector<1xf32>
    %reduce_sum3A_253 = vector.multi_reduction <add>, %reduce_sum3A_251, %reduce_sum3A_252 [1, 2] : vector<1x1x128xf32> to vector<1xf32>
    %reduce_sum3A_254 = vector.shape_cast %reduce_sum3A_253 : vector<1xf32> to vector<1x1x1xf32>
    %reduce_sum3A_255 = vector.extract %reduce_sum3A_254[0, 0, 0] : f32 from vector<1x1x1xf32>
    %mul3A_256 = arith.mulf %get3A_249, %get3A_23 : vector<1x128xf32>
    %reduce_sum3A_257 = vector.shape_cast %mul3A_256 : vector<1x128xf32> to vector<1x1x128xf32>
    %reduce_sum3A_258 = arith.constant dense<0.000000e+00> : vector<1xf32>
    %reduce_sum3A_259 = vector.multi_reduction <add>, %reduce_sum3A_257, %reduce_sum3A_258 [1, 2] : vector<1x1x128xf32> to vector<1xf32>
    %reduce_sum3A_260 = vector.shape_cast %reduce_sum3A_259 : vector<1xf32> to vector<1x1x1xf32>
    %reduce_sum3A_261 = vector.extract %reduce_sum3A_260[0, 0, 0] : f32 from vector<1x1x1xf32>
    %get3A_262 = arith.constant 3 : index
    %get3A_263 = arith.constant 0 : index
    %get3A_264 = arith.constant 0 : index
    %get3A_265 = vector.load %arg5[%get3A_262, %get3A_263, %get3A_264] : memref<4x128x128xf32, #tpu.memory_space<vmem>>, vector<1x128x128xf32>
    %get3A_266 = vector.shape_cast %get3A_265 : vector<1x128x128xf32> to vector<128x128xf32>
    %dot_general3A_267 = arith.constant dense<0.000000e+00> : vector<1024x128xf32>
    %dot_general3A_268 = tpu.matmul %mul3A_12, %get3A_266, %dot_general3A_267 {dimension_numbers = #tpu.dot_dimension_numbers<[1], [0], [0], [1], [0, 0, 1, 1], [], []>, transpose_lhs_hint = false} : vector<1024x128xf32>, vector<128x128xf32>, vector<1024x128xf32> -> vector<1024x128xf32>
    %get3A_269 = arith.constant 3 : index
    %get3A_270 = arith.constant 0 : index
    %get3A_271 = vector.load %arg6[%get3A_269, %get3A_270] : memref<4x128xf32, #tpu.memory_space<vmem>>, vector<1x128xf32>
    %add3A_272 = vector.broadcast %get3A_271 : vector<1x128xf32> to vector<1024x128xf32>
    %add3A_273 = arith.addf %dot_general3A_268, %add3A_272 : vector<1024x128xf32>
    %mul3A_274 = vector.broadcast %get3A_20 : vector<1x128xf32> to vector<1024x128xf32>
    %mul3A_275 = arith.mulf %add3A_273, %mul3A_274 : vector<1024x128xf32>
    %reduce_sum3A_276 = arith.constant dense<0.000000e+00> : vector<1024xf32>
    %reduce_sum3A_277 = vector.multi_reduction <add>, %mul3A_275, %reduce_sum3A_276 [1] : vector<1024x128xf32> to vector<1024xf32>
    %broadcast_in_dim3A_278 = vector.shape_cast %reduce_sum3A_277 : vector<1024xf32> to vector<1024x1xf32>
    %add3A_279 = vector.broadcast %reduce_sum3A_255 : f32 to vector<1024x1xf32>
    %add3A_280 = arith.addf %add3A_279, %broadcast_in_dim3A_278 : vector<1024x1xf32>
    %get3A_281 = arith.constant 0 : index
    %get3A_282 = arith.constant 0 : index
    %get3A_283 = vector.load %arg9[%get3A_281, %get3A_282] : memref<1x1xf32, #tpu.memory_space<vmem>>, vector<1x1xf32>
    %get3A_284 = vector.extract %get3A_283[0, 0] : f32 from vector<1x1xf32>
    %add3A_285 = vector.broadcast %get3A_284 : f32 to vector<1024x1xf32>
    %add3A_286 = arith.addf %add3A_280, %add3A_285 : vector<1024x1xf32>
    %tanh3A_287 = math.tanh %add3A_286 : vector<1024x1xf32>
    %mul3A_288 = arith.constant 2.000000e-01 : f32
    %mul3A_289 = vector.broadcast %mul3A_288 : f32 to vector<1024x1xf32>
    %mul3A_290 = arith.mulf %mul3A_289, %tanh3A_287 : vector<1024x1xf32>
    %mul3A_291 = vector.broadcast %get3A_26 : vector<1x128xf32> to vector<1024x128xf32>
    %mul3A_292 = arith.mulf %add3A_273, %mul3A_291 : vector<1024x128xf32>
    %reduce_sum3A_293 = arith.constant dense<0.000000e+00> : vector<1024xf32>
    %reduce_sum3A_294 = vector.multi_reduction <add>, %mul3A_292, %reduce_sum3A_293 [1] : vector<1024x128xf32> to vector<1024xf32>
    %broadcast_in_dim3A_295 = vector.shape_cast %reduce_sum3A_294 : vector<1024xf32> to vector<1024x1xf32>
    %add3A_296 = vector.broadcast %reduce_sum3A_261 : f32 to vector<1024x1xf32>
    %add3A_297 = arith.addf %add3A_296, %broadcast_in_dim3A_295 : vector<1024x1xf32>
    %get3A_298 = arith.constant 0 : index
    %get3A_299 = arith.constant 0 : index
    %get3A_300 = vector.load %arg11[%get3A_298, %get3A_299] : memref<1x1xf32, #tpu.memory_space<vmem>>, vector<1x1xf32>
    %get3A_301 = vector.extract %get3A_300[0, 0] : f32 from vector<1x1xf32>
    %add3A_302 = vector.broadcast %get3A_301 : f32 to vector<1024x1xf32>
    %add3A_303 = arith.addf %add3A_297, %add3A_302 : vector<1024x1xf32>
    %tanh3A_304 = math.tanh %add3A_303 : vector<1024x1xf32>
    %mul3A_305 = arith.constant 2.000000e-01 : f32
    %mul3A_306 = vector.broadcast %mul3A_305 : f32 to vector<1024x1xf32>
    %mul3A_307 = arith.mulf %mul3A_306, %tanh3A_304 : vector<1024x1xf32>
    %add3A_308 = arith.constant 1.000000e+00 : f32
    %add3A_309 = vector.broadcast %add3A_308 : f32 to vector<1024x1xf32>
    %add3A_310 = arith.addf %add3A_309, %mul3A_290 : vector<1024x1xf32>
    %mul3A_311 = vector.broadcast %add3A_310 : vector<1024x1xf32> to vector<1024x128xf32>
    %mul3A_312 = vector.broadcast %get3A_249 : vector<1x128xf32> to vector<1024x128xf32>
    %mul3A_313 = arith.mulf %mul3A_311, %mul3A_312 : vector<1024x128xf32>
    %add3A_314 = arith.addf %add3A_246, %mul3A_313 : vector<1024x128xf32>
    %add3A_315 = arith.constant 1.000000e+00 : f32
    %add3A_316 = vector.broadcast %add3A_315 : f32 to vector<1024x1xf32>
    %add3A_317 = arith.addf %add3A_316, %mul3A_307 : vector<1024x1xf32>
    %mul3A_318 = vector.broadcast %add3A_317 : vector<1024x1xf32> to vector<1024x128xf32>
    %mul3A_319 = arith.mulf %mul3A_318, %add3A_273 : vector<1024x128xf32>
    %add3A_320 = arith.addf %add3A_314, %mul3A_319 : vector<1024x128xf32>
    %mul3A_321 = arith.constant 2.500000e-01 : f32
    %mul3A_322 = vector.broadcast %mul3A_321 : f32 to vector<1024x128xf32>
    %mul3A_323 = arith.mulf %add3A_320, %mul3A_322 : vector<1024x128xf32>
    %reduce_sum3A_324 = arith.constant dense<0.000000e+00> : vector<1024xf32>
    %reduce_sum3A_325 = vector.multi_reduction <add>, %mul3A_323, %reduce_sum3A_324 [1] : vector<1024x128xf32> to vector<1024xf32>
    %broadcast_in_dim3A_326 = vector.shape_cast %reduce_sum3A_325 : vector<1024xf32> to vector<1024x1xf32>
    %div3A = arith.constant 1.280000e+02 : f32
    %div3A_327 = vector.broadcast %div3A : f32 to vector<1024x1xf32>
    %div3A_328 = arith.divf %broadcast_in_dim3A_326, %div3A_327 : vector<1024x1xf32>
    %sub3A = vector.broadcast %div3A_328 : vector<1024x1xf32> to vector<1024x128xf32>
    %sub3A_329 = arith.subf %mul3A_323, %sub3A : vector<1024x128xf32>
    %sub3A_330 = vector.broadcast %div3A_328 : vector<1024x1xf32> to vector<1024x128xf32>
    %sub3A_331 = arith.subf %mul3A_323, %sub3A_330 : vector<1024x128xf32>
    %mul3A_332 = arith.mulf %sub3A_329, %sub3A_331 : vector<1024x128xf32>
    %reduce_sum3A_333 = arith.constant dense<0.000000e+00> : vector<1024xf32>
    %reduce_sum3A_334 = vector.multi_reduction <add>, %mul3A_332, %reduce_sum3A_333 [1] : vector<1024x128xf32> to vector<1024xf32>
    %broadcast_in_dim3A_335 = vector.shape_cast %reduce_sum3A_334 : vector<1024xf32> to vector<1024x1xf32>
    %div3A_336 = arith.constant 1.280000e+02 : f32
    %div3A_337 = vector.broadcast %div3A_336 : f32 to vector<1024x1xf32>
    %div3A_338 = arith.divf %broadcast_in_dim3A_335, %div3A_337 : vector<1024x1xf32>
    %sub3A_339 = vector.broadcast %div3A_328 : vector<1024x1xf32> to vector<1024x128xf32>
    %sub3A_340 = arith.subf %mul3A_323, %sub3A_339 : vector<1024x128xf32>
    %add3A_341 = arith.constant 9.99999974E-6 : f32
    %add3A_342 = vector.broadcast %add3A_341 : f32 to vector<1024x1xf32>
    %add3A_343 = arith.addf %div3A_338, %add3A_342 : vector<1024x1xf32>
    %rsqrt3A = math.rsqrt %add3A_343 : vector<1024x1xf32>
    %mul3A_344 = vector.broadcast %rsqrt3A : vector<1024x1xf32> to vector<1024x128xf32>
    %mul3A_345 = arith.mulf %sub3A_340, %mul3A_344 : vector<1024x128xf32>
    %get3A_346 = arith.constant 0 : index
    %get3A_347 = arith.constant 0 : index
    %get3A_348 = vector.load %arg12[%get3A_346, %get3A_347] : memref<128x128xf32, #tpu.memory_space<vmem>>, vector<128x128xf32>
    %get3A_349 = arith.constant 0 : index
    %get3A_350 = arith.constant 0 : index
    %get3A_351 = vector.load %arg13[%get3A_349, %get3A_350] : memref<1x128xf32, #tpu.memory_space<vmem>>, vector<1x128xf32>
    %get3A_352 = arith.constant 0 : index
    %get3A_353 = arith.constant 0 : index
    %get3A_354 = vector.load %arg14[%get3A_352, %get3A_353] : memref<128x128xf32, #tpu.memory_space<vmem>>, vector<128x128xf32>
    %get3A_355 = arith.constant 0 : index
    %get3A_356 = arith.constant 0 : index
    %get3A_357 = vector.load %arg15[%get3A_355, %get3A_356] : memref<1x128xf32, #tpu.memory_space<vmem>>, vector<1x128xf32>
    %dot_general3A_358 = arith.constant dense<0.000000e+00> : vector<1024x128xf32>
    %dot_general3A_359 = tpu.matmul %mul3A_345, %get3A_348, %dot_general3A_358 {dimension_numbers = #tpu.dot_dimension_numbers<[1], [0], [0], [1], [0, 0, 1, 1], [], []>, transpose_lhs_hint = false} : vector<1024x128xf32>, vector<128x128xf32>, vector<1024x128xf32> -> vector<1024x128xf32>
    %add3A_360 = vector.broadcast %get3A_351 : vector<1x128xf32> to vector<1024x128xf32>
    %add3A_361 = arith.addf %dot_general3A_359, %add3A_360 : vector<1024x128xf32>
    %max3A = arith.constant 0.000000e+00 : f32
    %max3A_362 = vector.broadcast %max3A : f32 to vector<1024x128xf32>
    %max3A_363 = arith.maximumf %add3A_361, %max3A_362 : vector<1024x128xf32>
    %dot_general3A_364 = arith.constant dense<0.000000e+00> : vector<1024x128xf32>
    %dot_general3A_365 = tpu.matmul %max3A_363, %get3A_354, %dot_general3A_364 {dimension_numbers = #tpu.dot_dimension_numbers<[1], [0], [0], [1], [0, 0, 1, 1], [], []>, transpose_lhs_hint = false} : vector<1024x128xf32>, vector<128x128xf32>, vector<1024x128xf32> -> vector<1024x128xf32>
    %add3A_366 = vector.broadcast %get3A_357 : vector<1x128xf32> to vector<1024x128xf32>
    %add3A_367 = arith.addf %dot_general3A_365, %add3A_366 : vector<1024x128xf32>
    %add3A_368 = arith.addf %add3A_367, %mul3A_345 : vector<1024x128xf32>
    %reduce_sum3A_369 = arith.constant dense<0.000000e+00> : vector<1024xf32>
    %reduce_sum3A_370 = vector.multi_reduction <add>, %add3A_368, %reduce_sum3A_369 [1] : vector<1024x128xf32> to vector<1024xf32>
    %broadcast_in_dim3A_371 = vector.shape_cast %reduce_sum3A_370 : vector<1024xf32> to vector<1024x1xf32>
    %div3A_372 = arith.constant 1.280000e+02 : f32
    %div3A_373 = vector.broadcast %div3A_372 : f32 to vector<1024x1xf32>
    %div3A_374 = arith.divf %broadcast_in_dim3A_371, %div3A_373 : vector<1024x1xf32>
    %sub3A_375 = vector.broadcast %div3A_374 : vector<1024x1xf32> to vector<1024x128xf32>
    %sub3A_376 = arith.subf %add3A_368, %sub3A_375 : vector<1024x128xf32>
    %sub3A_377 = vector.broadcast %div3A_374 : vector<1024x1xf32> to vector<1024x128xf32>
    %sub3A_378 = arith.subf %add3A_368, %sub3A_377 : vector<1024x128xf32>
    %mul3A_379 = arith.mulf %sub3A_376, %sub3A_378 : vector<1024x128xf32>
    %reduce_sum3A_380 = arith.constant dense<0.000000e+00> : vector<1024xf32>
    %reduce_sum3A_381 = vector.multi_reduction <add>, %mul3A_379, %reduce_sum3A_380 [1] : vector<1024x128xf32> to vector<1024xf32>
    %broadcast_in_dim3A_382 = vector.shape_cast %reduce_sum3A_381 : vector<1024xf32> to vector<1024x1xf32>
    %div3A_383 = arith.constant 1.280000e+02 : f32
    %div3A_384 = vector.broadcast %div3A_383 : f32 to vector<1024x1xf32>
    %div3A_385 = arith.divf %broadcast_in_dim3A_382, %div3A_384 : vector<1024x1xf32>
    %sub3A_386 = vector.broadcast %div3A_374 : vector<1024x1xf32> to vector<1024x128xf32>
    %sub3A_387 = arith.subf %add3A_368, %sub3A_386 : vector<1024x128xf32>
    %add3A_388 = arith.constant 9.99999974E-6 : f32
    %add3A_389 = vector.broadcast %add3A_388 : f32 to vector<1024x1xf32>
    %add3A_390 = arith.addf %div3A_385, %add3A_389 : vector<1024x1xf32>
    %rsqrt3A_391 = math.rsqrt %add3A_390 : vector<1024x1xf32>
    %mul3A_392 = vector.broadcast %rsqrt3A_391 : vector<1024x1xf32> to vector<1024x128xf32>
    %mul3A_393 = arith.mulf %sub3A_387, %mul3A_392 : vector<1024x128xf32>
    %swap3A_394 = arith.constant 0 : index
    %swap3A_395 = arith.constant 0 : index
    %swap3A_396 = vector.load %arg17[%swap3A_394, %swap3A_395] : memref<1024x128xf32, #tpu.memory_space<vmem>>, vector<1024x128xf32>
    tpu.vector_store %arg17[%swap3A_394, %swap3A_395], %mul3A_393 {strides = array<i32>} : memref<1024x128xf32, #tpu.memory_space<vmem>>, vector<1024x128xf32>,
    %mul3A_397 = vector.broadcast %get3A_1 : vector<1024x1xf32> to vector<1024x128xf32>
    %mul3A_398 = arith.mulf %mul3A_397, %mul3A_393 : vector<1024x128xf32>
    %swap3A_399 = arith.constant 0 : index
    %swap3A_400 = arith.constant 0 : index
    %swap3A_401 = vector.load %arg18[%swap3A_399, %swap3A_400] : memref<1024x128xf32, #tpu.memory_space<vmem>>, vector<1024x128xf32>
    tpu.vector_store %arg18[%swap3A_399, %swap3A_400], %mul3A_398 {strides = array<i32>} : memref<1024x128xf32, #tpu.memory_space<vmem>>, vector<1024x128xf32>,
    return
  }
  func.func @transform_0(%arg0: i32) -> (i32, i32) {
    %c0_i32 = arith.constant 0 : i32
    %c0_i32_0 = arith.constant 0 : i32
    return %arg0, %c0_i32 : i32, i32
  }
  func.func @transform_1(%arg0: i32) -> (i32, i32) {
    %c0_i32 = arith.constant 0 : i32
    %c0_i32_0 = arith.constant 0 : i32
    return %arg0, %c0_i32 : i32, i32
  }
  func.func @transform_2(%arg0: i32) -> (i32, i32) {
    %c0_i32 = arith.constant 0 : i32
    %c0_i32_0 = arith.constant 0 : i32
    return %arg0, %c0_i32 : i32, i32
  }
  func.func @transform_3(%arg0: i32) -> (i32, i32) {
    %c0_i32 = arith.constant 0 : i32
    %c0_i32_0 = arith.constant 0 : i32
    return %arg0, %c0_i32 : i32, i32
  }
  func.func @transform_4(%arg0: i32) -> (i32, i32, i32) {
    %c0_i32 = arith.constant 0 : i32
    %c0_i32_0 = arith.constant 0 : i32
    %c0_i32_1 = arith.constant 0 : i32
    %c0_i32_2 = arith.constant 0 : i32
    return %c0_i32, %c0_i32_0, %c0_i32_1 : i32, i32, i32
  }
  func.func @transform_5(%arg0: i32) -> (i32, i32) {
    %c0_i32 = arith.constant 0 : i32
    %c0_i32_0 = arith.constant 0 : i32
    %c0_i32_1 = arith.constant 0 : i32
    return %c0_i32, %c0_i32_0 : i32, i32
  }
  func.func @transform_6(%arg0: i32) -> (i32, i32) {
    %c0_i32 = arith.constant 0 : i32
    %c0_i32_0 = arith.constant 0 : i32
    %c0_i32_1 = arith.constant 0 : i32
    return %c0_i32, %c0_i32_0 : i32, i32
  }
  func.func @transform_7(%arg0: i32) -> (i32, i32) {
    %c0_i32 = arith.constant 0 : i32
    %c0_i32_0 = arith.constant 0 : i32
    %c0_i32_1 = arith.constant 0 : i32
    return %c0_i32, %c0_i32_0 : i32, i32
  }
  func.func @transform_8(%arg0: i32) -> (i32, i32) {
    %c0_i32 = arith.constant 0 : i32
    %c0_i32_0 = arith.constant 0 : i32
    %c0_i32_1 = arith.constant 0 : i32
    return %c0_i32, %c0_i32_0 : i32, i32
  }
  func.func @transform_9(%arg0: i32) -> (i32, i32) {
    %c0_i32 = arith.constant 0 : i32
    %c0_i32_0 = arith.constant 0 : i32
    %c0_i32_1 = arith.constant 0 : i32
    return %c0_i32, %c0_i32_0 : i32, i32
  }
  func.func @transform_10(%arg0: i32) -> (i32, i32) {
    %c0_i32 = arith.constant 0 : i32
    %c0_i32_0 = arith.constant 0 : i32
    %c0_i32_1 = arith.constant 0 : i32
    return %c0_i32, %c0_i32_0 : i32, i32
  }
  func.func @transform_11(%arg0: i32) -> (i32, i32) {
    %c0_i32 = arith.constant 0 : i32
    %c0_i32_0 = arith.constant 0 : i32
    %c0_i32_1 = arith.constant 0 : i32
    return %c0_i32, %c0_i32_0 : i32, i32
  }
  func.func @transform_12(%arg0: i32) -> (i32, i32) {
    %c0_i32 = arith.constant 0 : i32
    %c0_i32_0 = arith.constant 0 : i32
    %c0_i32_1 = arith.constant 0 : i32
    return %c0_i32, %c0_i32_0 : i32, i32
  }
  func.func @transform_13(%arg0: i32) -> (i32, i32) {
    %c0_i32 = arith.constant 0 : i32
    %c0_i32_0 = arith.constant 0 : i32
    %c0_i32_1 = arith.constant 0 : i32
    return %c0_i32, %c0_i32_0 : i32, i32
  }
  func.func @transform_14(%arg0: i32) -> (i32, i32) {
    %c0_i32 = arith.constant 0 : i32
    %c0_i32_0 = arith.constant 0 : i32
    %c0_i32_1 = arith.constant 0 : i32
    return %c0_i32, %c0_i32_0 : i32, i32
  }
  func.func @transform_15(%arg0: i32) -> (i32, i32) {
    %c0_i32 = arith.constant 0 : i32
    %c0_i32_0 = arith.constant 0 : i32
    return %arg0, %c0_i32 : i32, i32
  }
  func.func @transform_16(%arg0: i32) -> (i32, i32) {
    %c0_i32 = arith.constant 0 : i32
    %c0_i32_0 = arith.constant 0 : i32
    return %arg0, %c0_i32 : i32, i32
  }
  func.func @transform_17(%arg0: i32) -> (i32, i32) {
    %c0_i32 = arith.constant 0 : i32
    %c0_i32_0 = arith.constant 0 : i32
    return %arg0, %c0_i32 : i32, i32
  }
}

module attributes {stable_mosaic.version = 14 : i64} {
  func.func @_layer1_full_body(%arg0: i32, %arg1: memref<1024x128xf32, #tpu.memory_space<vmem>>, %arg2: memref<1024x128xf32, #tpu.memory_space<vmem>>, %arg3: memref<1024x128xf32, #tpu.memory_space<vmem>>, %arg4: memref<1024x128xf32, #tpu.memory_space<vmem>>, %arg5: memref<1024x128xf32, #tpu.memory_space<vmem>>, %arg6: memref<1024x1xf32, #tpu.memory_space<vmem>>, %arg7: memref<4x128x128xf32, #tpu.memory_space<vmem>>, %arg8: memref<4x128xf32, #tpu.memory_space<vmem>>, %arg9: memref<4x128x128xf32, #tpu.memory_space<vmem>>, %arg10: memref<4x128xf32, #tpu.memory_space<vmem>>, %arg11: memref<2x128xf32, #tpu.memory_space<vmem>>, %arg12: memref<1x1xf32, #tpu.memory_space<vmem>>, %arg13: memref<2x128xf32, #tpu.memory_space<vmem>>, %arg14: memref<1x1xf32, #tpu.memory_space<vmem>>, %arg15: memref<128x128xf32, #tpu.memory_space<vmem>>, %arg16: memref<1x128xf32, #tpu.memory_space<vmem>>, %arg17: memref<128x128xf32, #tpu.memory_space<vmem>>, %arg18: memref<1x128xf32, #tpu.memory_space<vmem>>, %arg19: memref<128x128xf32, #tpu.memory_space<vmem>>, %arg20: memref<1x128xf32, #tpu.memory_space<vmem>>, %arg21: memref<128x128xf32, #tpu.memory_space<vmem>>, %arg22: memref<1x128xf32, #tpu.memory_space<vmem>>, %arg23: memref<1024x128xf32, #tpu.memory_space<vmem>>) attributes {dimension_semantics = [#tpu.dimension_semantics<arbitrary>], iteration_bounds = array<i64: 10>, scalar_prefetch = 0 : i64, scratch_operands = 0 : i64, tpu.core_type = #tpu.core_type<tc>, window_params = [{transform_indices = @transform_0, window_bounds = array<i64: 1024, 128>}, {transform_indices = @transform_1, window_bounds = array<i64: 1024, 128>}, {transform_indices = @transform_2, window_bounds = array<i64: 1024, 128>}, {transform_indices = @transform_3, window_bounds = array<i64: 1024, 128>}, {transform_indices = @transform_4, window_bounds = array<i64: 1024, 128>}, {transform_indices = @transform_5, window_bounds = array<i64: 1024, 1>}, {pipeline_mode = #tpu.pipeline_mode<synchronous>, transform_indices = @transform_6, window_bounds = array<i64: 4, 128, 128>}, {pipeline_mode = #tpu.pipeline_mode<synchronous>, transform_indices = @transform_7, window_bounds = array<i64: 4, 128>}, {pipeline_mode = #tpu.pipeline_mode<synchronous>, transform_indices = @transform_8, window_bounds = array<i64: 4, 128, 128>}, {pipeline_mode = #tpu.pipeline_mode<synchronous>, transform_indices = @transform_9, window_bounds = array<i64: 4, 128>}, {pipeline_mode = #tpu.pipeline_mode<synchronous>, transform_indices = @transform_10, window_bounds = array<i64: 2, 128>}, {pipeline_mode = #tpu.pipeline_mode<synchronous>, transform_indices = @transform_11, window_bounds = array<i64: 1, 1>}, {pipeline_mode = #tpu.pipeline_mode<synchronous>, transform_indices = @transform_12, window_bounds = array<i64: 2, 128>}, {pipeline_mode = #tpu.pipeline_mode<synchronous>, transform_indices = @transform_13, window_bounds = array<i64: 1, 1>}, {pipeline_mode = #tpu.pipeline_mode<synchronous>, transform_indices = @transform_14, window_bounds = array<i64: 128, 128>}, {pipeline_mode = #tpu.pipeline_mode<synchronous>, transform_indices = @transform_15, window_bounds = array<i64: 1, 128>}, {pipeline_mode = #tpu.pipeline_mode<synchronous>, transform_indices = @transform_16, window_bounds = array<i64: 128, 128>}, {pipeline_mode = #tpu.pipeline_mode<synchronous>, transform_indices = @transform_17, window_bounds = array<i64: 1, 128>}, {pipeline_mode = #tpu.pipeline_mode<synchronous>, transform_indices = @transform_18, window_bounds = array<i64: 128, 128>}, {pipeline_mode = #tpu.pipeline_mode<synchronous>, transform_indices = @transform_19, window_bounds = array<i64: 1, 128>}, {pipeline_mode = #tpu.pipeline_mode<synchronous>, transform_indices = @transform_20, window_bounds = array<i64: 128, 128>}, {pipeline_mode = #tpu.pipeline_mode<synchronous>, transform_indices = @transform_21, window_bounds = array<i64: 1, 128>}, {transform_indices = @transform_22, window_bounds = array<i64: 1024, 128>}]} {
    %get3A = arith.constant 0 : index
    %get3A_0 = arith.constant 0 : index
    %get3A_1 = vector.load %arg6[%get3A, %get3A_0] : memref<1024x1xf32, #tpu.memory_space<vmem>>, vector<1024x1xf32>
    %get3A_2 = arith.constant 0 : index
    %get3A_3 = arith.constant 0 : index
    %get3A_4 = vector.load %arg1[%get3A_2, %get3A_3] : memref<1024x128xf32, #tpu.memory_space<vmem>>, vector<1024x128xf32>
    %get3A_5 = arith.constant 0 : index
    %get3A_6 = arith.constant 0 : index
    %get3A_7 = vector.load %arg2[%get3A_5, %get3A_6] : memref<1024x128xf32, #tpu.memory_space<vmem>>, vector<1024x128xf32>
    %add3A = arith.addf %get3A_4, %get3A_7 : vector<1024x128xf32>
    %get3A_8 = arith.constant 0 : index
    %get3A_9 = arith.constant 0 : index
    %get3A_10 = vector.load %arg3[%get3A_8, %get3A_9] : memref<1024x128xf32, #tpu.memory_space<vmem>>, vector<1024x128xf32>
    %add3A_11 = arith.addf %add3A, %get3A_10 : vector<1024x128xf32>
    %mul3A = vector.broadcast %get3A_1 : vector<1024x1xf32> to vector<1024x128xf32>
    %mul3A_12 = arith.mulf %mul3A, %add3A_11 : vector<1024x128xf32>
    %get3A_13 = arith.constant 0 : index
    %get3A_14 = arith.constant 0 : index
    %get3A_15 = vector.load %arg4[%get3A_13, %get3A_14] : memref<1024x128xf32, #tpu.memory_space<vmem>>, vector<1024x128xf32>
    %get3A_16 = arith.constant 0 : index
    %get3A_17 = arith.constant 0 : index
    %get3A_18 = vector.load %arg5[%get3A_16, %get3A_17] : memref<1024x128xf32, #tpu.memory_space<vmem>>, vector<1024x128xf32>
    %get3A_19 = arith.constant 0 : index
    %get3A_20 = arith.constant 0 : index
    %get3A_21 = vector.load %arg11[%get3A_19, %get3A_20] : memref<2x128xf32, #tpu.memory_space<vmem>>, vector<1x128xf32>
    %get3A_22 = arith.constant 1 : index
    %get3A_23 = arith.constant 0 : index
    %get3A_24 = vector.load %arg11[%get3A_22, %get3A_23] : memref<2x128xf32, #tpu.memory_space<vmem>>, vector<1x128xf32>
    %get3A_25 = arith.constant 0 : index
    %get3A_26 = arith.constant 0 : index
    %get3A_27 = vector.load %arg13[%get3A_25, %get3A_26] : memref<2x128xf32, #tpu.memory_space<vmem>>, vector<1x128xf32>
    %get3A_28 = arith.constant 1 : index
    %get3A_29 = arith.constant 0 : index
    %get3A_30 = vector.load %arg13[%get3A_28, %get3A_29] : memref<2x128xf32, #tpu.memory_space<vmem>>, vector<1x128xf32>
    %broadcast_in_dim3A = arith.constant 0.000000e+00 : f32
    %broadcast_in_dim3A_31 = vector.broadcast %broadcast_in_dim3A : f32 to vector<1024x128xf32>
    %get3A_32 = arith.constant 0 : index
    %get3A_33 = arith.constant 0 : index
    %get3A_34 = arith.constant 0 : index
    %get3A_35 = vector.load %arg7[%get3A_32, %get3A_33, %get3A_34] : memref<4x128x128xf32, #tpu.memory_space<vmem>>, vector<1x128x128xf32>
    %get3A_36 = vector.shape_cast %get3A_35 : vector<1x128x128xf32> to vector<128x128xf32>
    %dot_general3A = arith.constant dense<0.000000e+00> : vector<1024x128xf32>
    %dot_general3A_37 = tpu.matmul %mul3A_12, %get3A_36, %dot_general3A {dimension_numbers = #tpu.dot_dimension_numbers<[1], [0], [0], [1], [0, 0, 1, 1], [], []>, transpose_lhs_hint = false} : vector<1024x128xf32>, vector<128x128xf32>, vector<1024x128xf32> -> vector<1024x128xf32>
    %get3A_38 = arith.constant 0 : index
    %get3A_39 = arith.constant 0 : index
    %get3A_40 = vector.load %arg8[%get3A_38, %get3A_39] : memref<4x128xf32, #tpu.memory_space<vmem>>, vector<1x128xf32>
    %add3A_41 = vector.broadcast %get3A_40 : vector<1x128xf32> to vector<1024x128xf32>
    %add3A_42 = arith.addf %dot_general3A_37, %add3A_41 : vector<1024x128xf32>
    %mul3A_43 = vector.broadcast %get3A_21 : vector<1x128xf32> to vector<1024x128xf32>
    %mul3A_44 = arith.mulf %add3A_42, %mul3A_43 : vector<1024x128xf32>
    %reduce_sum3A = arith.constant dense<0.000000e+00> : vector<1024xf32>
    %reduce_sum3A_45 = vector.multi_reduction <add>, %mul3A_44, %reduce_sum3A [1] : vector<1024x128xf32> to vector<1024xf32>
    %broadcast_in_dim3A_46 = vector.shape_cast %reduce_sum3A_45 : vector<1024xf32> to vector<1024x1xf32>
    %mul3A_47 = vector.broadcast %get3A_27 : vector<1x128xf32> to vector<1024x128xf32>
    %mul3A_48 = arith.mulf %add3A_42, %mul3A_47 : vector<1024x128xf32>
    %reduce_sum3A_49 = arith.constant dense<0.000000e+00> : vector<1024xf32>
    %reduce_sum3A_50 = vector.multi_reduction <add>, %mul3A_48, %reduce_sum3A_49 [1] : vector<1024x128xf32> to vector<1024xf32>
    %broadcast_in_dim3A_51 = vector.shape_cast %reduce_sum3A_50 : vector<1024xf32> to vector<1024x1xf32>
    %get3A_52 = arith.constant 0 : index
    %get3A_53 = arith.constant 0 : index
    %get3A_54 = arith.constant 0 : index
    %get3A_55 = vector.load %arg9[%get3A_52, %get3A_53, %get3A_54] : memref<4x128x128xf32, #tpu.memory_space<vmem>>, vector<1x128x128xf32>
    %get3A_56 = vector.shape_cast %get3A_55 : vector<1x128x128xf32> to vector<128x128xf32>
    %dot_general3A_57 = arith.constant dense<0.000000e+00> : vector<1024x128xf32>
    %dot_general3A_58 = tpu.matmul %get3A_15, %get3A_56, %dot_general3A_57 {dimension_numbers = #tpu.dot_dimension_numbers<[1], [0], [0], [1], [0, 0, 1, 1], [], []>, transpose_lhs_hint = false} : vector<1024x128xf32>, vector<128x128xf32>, vector<1024x128xf32> -> vector<1024x128xf32>
    %get3A_59 = arith.constant 0 : index
    %get3A_60 = arith.constant 0 : index
    %get3A_61 = vector.load %arg10[%get3A_59, %get3A_60] : memref<4x128xf32, #tpu.memory_space<vmem>>, vector<1x128xf32>
    %add3A_62 = vector.broadcast %get3A_61 : vector<1x128xf32> to vector<1024x128xf32>
    %add3A_63 = arith.addf %dot_general3A_58, %add3A_62 : vector<1024x128xf32>
    %mul3A_64 = vector.broadcast %get3A_24 : vector<1x128xf32> to vector<1024x128xf32>
    %mul3A_65 = arith.mulf %add3A_63, %mul3A_64 : vector<1024x128xf32>
    %reduce_sum3A_66 = arith.constant dense<0.000000e+00> : vector<1024xf32>
    %reduce_sum3A_67 = vector.multi_reduction <add>, %mul3A_65, %reduce_sum3A_66 [1] : vector<1024x128xf32> to vector<1024xf32>
    %broadcast_in_dim3A_68 = vector.shape_cast %reduce_sum3A_67 : vector<1024xf32> to vector<1024x1xf32>
    %add3A_69 = arith.addf %broadcast_in_dim3A_46, %broadcast_in_dim3A_68 : vector<1024x1xf32>
    %get3A_70 = arith.constant 0 : index
    %get3A_71 = arith.constant 0 : index
    %get3A_72 = vector.load %arg12[%get3A_70, %get3A_71] : memref<1x1xf32, #tpu.memory_space<vmem>>, vector<1x1xf32>
    %get3A_73 = vector.extract %get3A_72[0, 0] : f32 from vector<1x1xf32>
    %add3A_74 = vector.broadcast %get3A_73 : f32 to vector<1024x1xf32>
    %add3A_75 = arith.addf %add3A_69, %add3A_74 : vector<1024x1xf32>
    %tanh3A = math.tanh %add3A_75 : vector<1024x1xf32>
    %mul3A_76 = arith.constant 2.000000e-01 : f32
    %mul3A_77 = vector.broadcast %mul3A_76 : f32 to vector<1024x1xf32>
    %mul3A_78 = arith.mulf %mul3A_77, %tanh3A : vector<1024x1xf32>
    %mul3A_79 = vector.broadcast %get3A_30 : vector<1x128xf32> to vector<1024x128xf32>
    %mul3A_80 = arith.mulf %add3A_63, %mul3A_79 : vector<1024x128xf32>
    %reduce_sum3A_81 = arith.constant dense<0.000000e+00> : vector<1024xf32>
    %reduce_sum3A_82 = vector.multi_reduction <add>, %mul3A_80, %reduce_sum3A_81 [1] : vector<1024x128xf32> to vector<1024xf32>
    %broadcast_in_dim3A_83 = vector.shape_cast %reduce_sum3A_82 : vector<1024xf32> to vector<1024x1xf32>
    %add3A_84 = arith.addf %broadcast_in_dim3A_51, %broadcast_in_dim3A_83 : vector<1024x1xf32>
    %get3A_85 = arith.constant 0 : index
    %get3A_86 = arith.constant 0 : index
    %get3A_87 = vector.load %arg14[%get3A_85, %get3A_86] : memref<1x1xf32, #tpu.memory_space<vmem>>, vector<1x1xf32>
    %get3A_88 = vector.extract %get3A_87[0, 0] : f32 from vector<1x1xf32>
    %add3A_89 = vector.broadcast %get3A_88 : f32 to vector<1024x1xf32>
    %add3A_90 = arith.addf %add3A_84, %add3A_89 : vector<1024x1xf32>
    %tanh3A_91 = math.tanh %add3A_90 : vector<1024x1xf32>
    %mul3A_92 = arith.constant 2.000000e-01 : f32
    %mul3A_93 = vector.broadcast %mul3A_92 : f32 to vector<1024x1xf32>
    %mul3A_94 = arith.mulf %mul3A_93, %tanh3A_91 : vector<1024x1xf32>
    %add3A_95 = arith.constant 1.000000e+00 : f32
    %add3A_96 = vector.broadcast %add3A_95 : f32 to vector<1024x1xf32>
    %add3A_97 = arith.addf %add3A_96, %mul3A_78 : vector<1024x1xf32>
    %mul3A_98 = vector.broadcast %add3A_97 : vector<1024x1xf32> to vector<1024x128xf32>
    %mul3A_99 = arith.mulf %mul3A_98, %add3A_42 : vector<1024x128xf32>
    %add3A_100 = arith.addf %broadcast_in_dim3A_31, %mul3A_99 : vector<1024x128xf32>
    %add3A_101 = arith.constant 1.000000e+00 : f32
    %add3A_102 = vector.broadcast %add3A_101 : f32 to vector<1024x1xf32>
    %add3A_103 = arith.addf %add3A_102, %mul3A_94 : vector<1024x1xf32>
    %mul3A_104 = vector.broadcast %add3A_103 : vector<1024x1xf32> to vector<1024x128xf32>
    %mul3A_105 = arith.mulf %mul3A_104, %add3A_63 : vector<1024x128xf32>
    %add3A_106 = arith.addf %add3A_100, %mul3A_105 : vector<1024x128xf32>
    %get3A_107 = arith.constant 1 : index
    %get3A_108 = arith.constant 0 : index
    %get3A_109 = arith.constant 0 : index
    %get3A_110 = vector.load %arg7[%get3A_107, %get3A_108, %get3A_109] : memref<4x128x128xf32, #tpu.memory_space<vmem>>, vector<1x128x128xf32>
    %get3A_111 = vector.shape_cast %get3A_110 : vector<1x128x128xf32> to vector<128x128xf32>
    %dot_general3A_112 = arith.constant dense<0.000000e+00> : vector<1024x128xf32>
    %dot_general3A_113 = tpu.matmul %mul3A_12, %get3A_111, %dot_general3A_112 {dimension_numbers = #tpu.dot_dimension_numbers<[1], [0], [0], [1], [0, 0, 1, 1], [], []>, transpose_lhs_hint = false} : vector<1024x128xf32>, vector<128x128xf32>, vector<1024x128xf32> -> vector<1024x128xf32>
    %get3A_114 = arith.constant 1 : index
    %get3A_115 = arith.constant 0 : index
    %get3A_116 = vector.load %arg8[%get3A_114, %get3A_115] : memref<4x128xf32, #tpu.memory_space<vmem>>, vector<1x128xf32>
    %add3A_117 = vector.broadcast %get3A_116 : vector<1x128xf32> to vector<1024x128xf32>
    %add3A_118 = arith.addf %dot_general3A_113, %add3A_117 : vector<1024x128xf32>
    %mul3A_119 = vector.broadcast %get3A_21 : vector<1x128xf32> to vector<1024x128xf32>
    %mul3A_120 = arith.mulf %add3A_118, %mul3A_119 : vector<1024x128xf32>
    %reduce_sum3A_121 = arith.constant dense<0.000000e+00> : vector<1024xf32>
    %reduce_sum3A_122 = vector.multi_reduction <add>, %mul3A_120, %reduce_sum3A_121 [1] : vector<1024x128xf32> to vector<1024xf32>
    %broadcast_in_dim3A_123 = vector.shape_cast %reduce_sum3A_122 : vector<1024xf32> to vector<1024x1xf32>
    %mul3A_124 = vector.broadcast %get3A_27 : vector<1x128xf32> to vector<1024x128xf32>
    %mul3A_125 = arith.mulf %add3A_118, %mul3A_124 : vector<1024x128xf32>
    %reduce_sum3A_126 = arith.constant dense<0.000000e+00> : vector<1024xf32>
    %reduce_sum3A_127 = vector.multi_reduction <add>, %mul3A_125, %reduce_sum3A_126 [1] : vector<1024x128xf32> to vector<1024xf32>
    %broadcast_in_dim3A_128 = vector.shape_cast %reduce_sum3A_127 : vector<1024xf32> to vector<1024x1xf32>
    %get3A_129 = arith.constant 1 : index
    %get3A_130 = arith.constant 0 : index
    %get3A_131 = arith.constant 0 : index
    %get3A_132 = vector.load %arg9[%get3A_129, %get3A_130, %get3A_131] : memref<4x128x128xf32, #tpu.memory_space<vmem>>, vector<1x128x128xf32>
    %get3A_133 = vector.shape_cast %get3A_132 : vector<1x128x128xf32> to vector<128x128xf32>
    %dot_general3A_134 = arith.constant dense<0.000000e+00> : vector<1024x128xf32>
    %dot_general3A_135 = tpu.matmul %get3A_15, %get3A_133, %dot_general3A_134 {dimension_numbers = #tpu.dot_dimension_numbers<[1], [0], [0], [1], [0, 0, 1, 1], [], []>, transpose_lhs_hint = false} : vector<1024x128xf32>, vector<128x128xf32>, vector<1024x128xf32> -> vector<1024x128xf32>
    %get3A_136 = arith.constant 1 : index
    %get3A_137 = arith.constant 0 : index
    %get3A_138 = vector.load %arg10[%get3A_136, %get3A_137] : memref<4x128xf32, #tpu.memory_space<vmem>>, vector<1x128xf32>
    %add3A_139 = vector.broadcast %get3A_138 : vector<1x128xf32> to vector<1024x128xf32>
    %add3A_140 = arith.addf %dot_general3A_135, %add3A_139 : vector<1024x128xf32>
    %mul3A_141 = vector.broadcast %get3A_24 : vector<1x128xf32> to vector<1024x128xf32>
    %mul3A_142 = arith.mulf %add3A_140, %mul3A_141 : vector<1024x128xf32>
    %reduce_sum3A_143 = arith.constant dense<0.000000e+00> : vector<1024xf32>
    %reduce_sum3A_144 = vector.multi_reduction <add>, %mul3A_142, %reduce_sum3A_143 [1] : vector<1024x128xf32> to vector<1024xf32>
    %broadcast_in_dim3A_145 = vector.shape_cast %reduce_sum3A_144 : vector<1024xf32> to vector<1024x1xf32>
    %add3A_146 = arith.addf %broadcast_in_dim3A_123, %broadcast_in_dim3A_145 : vector<1024x1xf32>
    %get3A_147 = arith.constant 0 : index
    %get3A_148 = arith.constant 0 : index
    %get3A_149 = vector.load %arg12[%get3A_147, %get3A_148] : memref<1x1xf32, #tpu.memory_space<vmem>>, vector<1x1xf32>
    %get3A_150 = vector.extract %get3A_149[0, 0] : f32 from vector<1x1xf32>
    %add3A_151 = vector.broadcast %get3A_150 : f32 to vector<1024x1xf32>
    %add3A_152 = arith.addf %add3A_146, %add3A_151 : vector<1024x1xf32>
    %tanh3A_153 = math.tanh %add3A_152 : vector<1024x1xf32>
    %mul3A_154 = arith.constant 2.000000e-01 : f32
    %mul3A_155 = vector.broadcast %mul3A_154 : f32 to vector<1024x1xf32>
    %mul3A_156 = arith.mulf %mul3A_155, %tanh3A_153 : vector<1024x1xf32>
    %mul3A_157 = vector.broadcast %get3A_30 : vector<1x128xf32> to vector<1024x128xf32>
    %mul3A_158 = arith.mulf %add3A_140, %mul3A_157 : vector<1024x128xf32>
    %reduce_sum3A_159 = arith.constant dense<0.000000e+00> : vector<1024xf32>
    %reduce_sum3A_160 = vector.multi_reduction <add>, %mul3A_158, %reduce_sum3A_159 [1] : vector<1024x128xf32> to vector<1024xf32>
    %broadcast_in_dim3A_161 = vector.shape_cast %reduce_sum3A_160 : vector<1024xf32> to vector<1024x1xf32>
    %add3A_162 = arith.addf %broadcast_in_dim3A_128, %broadcast_in_dim3A_161 : vector<1024x1xf32>
    %get3A_163 = arith.constant 0 : index
    %get3A_164 = arith.constant 0 : index
    %get3A_165 = vector.load %arg14[%get3A_163, %get3A_164] : memref<1x1xf32, #tpu.memory_space<vmem>>, vector<1x1xf32>
    %get3A_166 = vector.extract %get3A_165[0, 0] : f32 from vector<1x1xf32>
    %add3A_167 = vector.broadcast %get3A_166 : f32 to vector<1024x1xf32>
    %add3A_168 = arith.addf %add3A_162, %add3A_167 : vector<1024x1xf32>
    %tanh3A_169 = math.tanh %add3A_168 : vector<1024x1xf32>
    %mul3A_170 = arith.constant 2.000000e-01 : f32
    %mul3A_171 = vector.broadcast %mul3A_170 : f32 to vector<1024x1xf32>
    %mul3A_172 = arith.mulf %mul3A_171, %tanh3A_169 : vector<1024x1xf32>
    %add3A_173 = arith.constant 1.000000e+00 : f32
    %add3A_174 = vector.broadcast %add3A_173 : f32 to vector<1024x1xf32>
    %add3A_175 = arith.addf %add3A_174, %mul3A_156 : vector<1024x1xf32>
    %mul3A_176 = vector.broadcast %add3A_175 : vector<1024x1xf32> to vector<1024x128xf32>
    %mul3A_177 = arith.mulf %mul3A_176, %add3A_118 : vector<1024x128xf32>
    %add3A_178 = arith.addf %add3A_106, %mul3A_177 : vector<1024x128xf32>
    %add3A_179 = arith.constant 1.000000e+00 : f32
    %add3A_180 = vector.broadcast %add3A_179 : f32 to vector<1024x1xf32>
    %add3A_181 = arith.addf %add3A_180, %mul3A_172 : vector<1024x1xf32>
    %mul3A_182 = vector.broadcast %add3A_181 : vector<1024x1xf32> to vector<1024x128xf32>
    %mul3A_183 = arith.mulf %mul3A_182, %add3A_140 : vector<1024x128xf32>
    %add3A_184 = arith.addf %add3A_178, %mul3A_183 : vector<1024x128xf32>
    %get3A_185 = arith.constant 2 : index
    %get3A_186 = arith.constant 0 : index
    %get3A_187 = arith.constant 0 : index
    %get3A_188 = vector.load %arg7[%get3A_185, %get3A_186, %get3A_187] : memref<4x128x128xf32, #tpu.memory_space<vmem>>, vector<1x128x128xf32>
    %get3A_189 = vector.shape_cast %get3A_188 : vector<1x128x128xf32> to vector<128x128xf32>
    %dot_general3A_190 = arith.constant dense<0.000000e+00> : vector<1024x128xf32>
    %dot_general3A_191 = tpu.matmul %mul3A_12, %get3A_189, %dot_general3A_190 {dimension_numbers = #tpu.dot_dimension_numbers<[1], [0], [0], [1], [0, 0, 1, 1], [], []>, transpose_lhs_hint = false} : vector<1024x128xf32>, vector<128x128xf32>, vector<1024x128xf32> -> vector<1024x128xf32>
    %get3A_192 = arith.constant 2 : index
    %get3A_193 = arith.constant 0 : index
    %get3A_194 = vector.load %arg8[%get3A_192, %get3A_193] : memref<4x128xf32, #tpu.memory_space<vmem>>, vector<1x128xf32>
    %add3A_195 = vector.broadcast %get3A_194 : vector<1x128xf32> to vector<1024x128xf32>
    %add3A_196 = arith.addf %dot_general3A_191, %add3A_195 : vector<1024x128xf32>
    %mul3A_197 = vector.broadcast %get3A_21 : vector<1x128xf32> to vector<1024x128xf32>
    %mul3A_198 = arith.mulf %add3A_196, %mul3A_197 : vector<1024x128xf32>
    %reduce_sum3A_199 = arith.constant dense<0.000000e+00> : vector<1024xf32>
    %reduce_sum3A_200 = vector.multi_reduction <add>, %mul3A_198, %reduce_sum3A_199 [1] : vector<1024x128xf32> to vector<1024xf32>
    %broadcast_in_dim3A_201 = vector.shape_cast %reduce_sum3A_200 : vector<1024xf32> to vector<1024x1xf32>
    %mul3A_202 = vector.broadcast %get3A_27 : vector<1x128xf32> to vector<1024x128xf32>
    %mul3A_203 = arith.mulf %add3A_196, %mul3A_202 : vector<1024x128xf32>
    %reduce_sum3A_204 = arith.constant dense<0.000000e+00> : vector<1024xf32>
    %reduce_sum3A_205 = vector.multi_reduction <add>, %mul3A_203, %reduce_sum3A_204 [1] : vector<1024x128xf32> to vector<1024xf32>
    %broadcast_in_dim3A_206 = vector.shape_cast %reduce_sum3A_205 : vector<1024xf32> to vector<1024x1xf32>
    %get3A_207 = arith.constant 2 : index
    %get3A_208 = arith.constant 0 : index
    %get3A_209 = arith.constant 0 : index
    %get3A_210 = vector.load %arg9[%get3A_207, %get3A_208, %get3A_209] : memref<4x128x128xf32, #tpu.memory_space<vmem>>, vector<1x128x128xf32>
    %get3A_211 = vector.shape_cast %get3A_210 : vector<1x128x128xf32> to vector<128x128xf32>
    %dot_general3A_212 = arith.constant dense<0.000000e+00> : vector<1024x128xf32>
    %dot_general3A_213 = tpu.matmul %get3A_15, %get3A_211, %dot_general3A_212 {dimension_numbers = #tpu.dot_dimension_numbers<[1], [0], [0], [1], [0, 0, 1, 1], [], []>, transpose_lhs_hint = false} : vector<1024x128xf32>, vector<128x128xf32>, vector<1024x128xf32> -> vector<1024x128xf32>
    %get3A_214 = arith.constant 2 : index
    %get3A_215 = arith.constant 0 : index
    %get3A_216 = vector.load %arg10[%get3A_214, %get3A_215] : memref<4x128xf32, #tpu.memory_space<vmem>>, vector<1x128xf32>
    %add3A_217 = vector.broadcast %get3A_216 : vector<1x128xf32> to vector<1024x128xf32>
    %add3A_218 = arith.addf %dot_general3A_213, %add3A_217 : vector<1024x128xf32>
    %mul3A_219 = vector.broadcast %get3A_24 : vector<1x128xf32> to vector<1024x128xf32>
    %mul3A_220 = arith.mulf %add3A_218, %mul3A_219 : vector<1024x128xf32>
    %reduce_sum3A_221 = arith.constant dense<0.000000e+00> : vector<1024xf32>
    %reduce_sum3A_222 = vector.multi_reduction <add>, %mul3A_220, %reduce_sum3A_221 [1] : vector<1024x128xf32> to vector<1024xf32>
    %broadcast_in_dim3A_223 = vector.shape_cast %reduce_sum3A_222 : vector<1024xf32> to vector<1024x1xf32>
    %add3A_224 = arith.addf %broadcast_in_dim3A_201, %broadcast_in_dim3A_223 : vector<1024x1xf32>
    %get3A_225 = arith.constant 0 : index
    %get3A_226 = arith.constant 0 : index
    %get3A_227 = vector.load %arg12[%get3A_225, %get3A_226] : memref<1x1xf32, #tpu.memory_space<vmem>>, vector<1x1xf32>
    %get3A_228 = vector.extract %get3A_227[0, 0] : f32 from vector<1x1xf32>
    %add3A_229 = vector.broadcast %get3A_228 : f32 to vector<1024x1xf32>
    %add3A_230 = arith.addf %add3A_224, %add3A_229 : vector<1024x1xf32>
    %tanh3A_231 = math.tanh %add3A_230 : vector<1024x1xf32>
    %mul3A_232 = arith.constant 2.000000e-01 : f32
    %mul3A_233 = vector.broadcast %mul3A_232 : f32 to vector<1024x1xf32>
    %mul3A_234 = arith.mulf %mul3A_233, %tanh3A_231 : vector<1024x1xf32>
    %mul3A_235 = vector.broadcast %get3A_30 : vector<1x128xf32> to vector<1024x128xf32>
    %mul3A_236 = arith.mulf %add3A_218, %mul3A_235 : vector<1024x128xf32>
    %reduce_sum3A_237 = arith.constant dense<0.000000e+00> : vector<1024xf32>
    %reduce_sum3A_238 = vector.multi_reduction <add>, %mul3A_236, %reduce_sum3A_237 [1] : vector<1024x128xf32> to vector<1024xf32>
    %broadcast_in_dim3A_239 = vector.shape_cast %reduce_sum3A_238 : vector<1024xf32> to vector<1024x1xf32>
    %add3A_240 = arith.addf %broadcast_in_dim3A_206, %broadcast_in_dim3A_239 : vector<1024x1xf32>
    %get3A_241 = arith.constant 0 : index
    %get3A_242 = arith.constant 0 : index
    %get3A_243 = vector.load %arg14[%get3A_241, %get3A_242] : memref<1x1xf32, #tpu.memory_space<vmem>>, vector<1x1xf32>
    %get3A_244 = vector.extract %get3A_243[0, 0] : f32 from vector<1x1xf32>
    %add3A_245 = vector.broadcast %get3A_244 : f32 to vector<1024x1xf32>
    %add3A_246 = arith.addf %add3A_240, %add3A_245 : vector<1024x1xf32>
    %tanh3A_247 = math.tanh %add3A_246 : vector<1024x1xf32>
    %mul3A_248 = arith.constant 2.000000e-01 : f32
    %mul3A_249 = vector.broadcast %mul3A_248 : f32 to vector<1024x1xf32>
    %mul3A_250 = arith.mulf %mul3A_249, %tanh3A_247 : vector<1024x1xf32>
    %add3A_251 = arith.constant 1.000000e+00 : f32
    %add3A_252 = vector.broadcast %add3A_251 : f32 to vector<1024x1xf32>
    %add3A_253 = arith.addf %add3A_252, %mul3A_234 : vector<1024x1xf32>
    %mul3A_254 = vector.broadcast %add3A_253 : vector<1024x1xf32> to vector<1024x128xf32>
    %mul3A_255 = arith.mulf %mul3A_254, %add3A_196 : vector<1024x128xf32>
    %add3A_256 = arith.addf %add3A_184, %mul3A_255 : vector<1024x128xf32>
    %add3A_257 = arith.constant 1.000000e+00 : f32
    %add3A_258 = vector.broadcast %add3A_257 : f32 to vector<1024x1xf32>
    %add3A_259 = arith.addf %add3A_258, %mul3A_250 : vector<1024x1xf32>
    %mul3A_260 = vector.broadcast %add3A_259 : vector<1024x1xf32> to vector<1024x128xf32>
    %mul3A_261 = arith.mulf %mul3A_260, %add3A_218 : vector<1024x128xf32>
    %add3A_262 = arith.addf %add3A_256, %mul3A_261 : vector<1024x128xf32>
    %get3A_263 = arith.constant 3 : index
    %get3A_264 = arith.constant 0 : index
    %get3A_265 = arith.constant 0 : index
    %get3A_266 = vector.load %arg7[%get3A_263, %get3A_264, %get3A_265] : memref<4x128x128xf32, #tpu.memory_space<vmem>>, vector<1x128x128xf32>
    %get3A_267 = vector.shape_cast %get3A_266 : vector<1x128x128xf32> to vector<128x128xf32>
    %dot_general3A_268 = arith.constant dense<0.000000e+00> : vector<1024x128xf32>
    %dot_general3A_269 = tpu.matmul %mul3A_12, %get3A_267, %dot_general3A_268 {dimension_numbers = #tpu.dot_dimension_numbers<[1], [0], [0], [1], [0, 0, 1, 1], [], []>, transpose_lhs_hint = false} : vector<1024x128xf32>, vector<128x128xf32>, vector<1024x128xf32> -> vector<1024x128xf32>
    %get3A_270 = arith.constant 3 : index
    %get3A_271 = arith.constant 0 : index
    %get3A_272 = vector.load %arg8[%get3A_270, %get3A_271] : memref<4x128xf32, #tpu.memory_space<vmem>>, vector<1x128xf32>
    %add3A_273 = vector.broadcast %get3A_272 : vector<1x128xf32> to vector<1024x128xf32>
    %add3A_274 = arith.addf %dot_general3A_269, %add3A_273 : vector<1024x128xf32>
    %mul3A_275 = vector.broadcast %get3A_21 : vector<1x128xf32> to vector<1024x128xf32>
    %mul3A_276 = arith.mulf %add3A_274, %mul3A_275 : vector<1024x128xf32>
    %reduce_sum3A_277 = arith.constant dense<0.000000e+00> : vector<1024xf32>
    %reduce_sum3A_278 = vector.multi_reduction <add>, %mul3A_276, %reduce_sum3A_277 [1] : vector<1024x128xf32> to vector<1024xf32>
    %broadcast_in_dim3A_279 = vector.shape_cast %reduce_sum3A_278 : vector<1024xf32> to vector<1024x1xf32>
    %mul3A_280 = vector.broadcast %get3A_27 : vector<1x128xf32> to vector<1024x128xf32>
    %mul3A_281 = arith.mulf %add3A_274, %mul3A_280 : vector<1024x128xf32>
    %reduce_sum3A_282 = arith.constant dense<0.000000e+00> : vector<1024xf32>
    %reduce_sum3A_283 = vector.multi_reduction <add>, %mul3A_281, %reduce_sum3A_282 [1] : vector<1024x128xf32> to vector<1024xf32>
    %broadcast_in_dim3A_284 = vector.shape_cast %reduce_sum3A_283 : vector<1024xf32> to vector<1024x1xf32>
    %get3A_285 = arith.constant 3 : index
    %get3A_286 = arith.constant 0 : index
    %get3A_287 = arith.constant 0 : index
    %get3A_288 = vector.load %arg9[%get3A_285, %get3A_286, %get3A_287] : memref<4x128x128xf32, #tpu.memory_space<vmem>>, vector<1x128x128xf32>
    %get3A_289 = vector.shape_cast %get3A_288 : vector<1x128x128xf32> to vector<128x128xf32>
    %dot_general3A_290 = arith.constant dense<0.000000e+00> : vector<1024x128xf32>
    %dot_general3A_291 = tpu.matmul %get3A_15, %get3A_289, %dot_general3A_290 {dimension_numbers = #tpu.dot_dimension_numbers<[1], [0], [0], [1], [0, 0, 1, 1], [], []>, transpose_lhs_hint = false} : vector<1024x128xf32>, vector<128x128xf32>, vector<1024x128xf32> -> vector<1024x128xf32>
    %get3A_292 = arith.constant 3 : index
    %get3A_293 = arith.constant 0 : index
    %get3A_294 = vector.load %arg10[%get3A_292, %get3A_293] : memref<4x128xf32, #tpu.memory_space<vmem>>, vector<1x128xf32>
    %add3A_295 = vector.broadcast %get3A_294 : vector<1x128xf32> to vector<1024x128xf32>
    %add3A_296 = arith.addf %dot_general3A_291, %add3A_295 : vector<1024x128xf32>
    %mul3A_297 = vector.broadcast %get3A_24 : vector<1x128xf32> to vector<1024x128xf32>
    %mul3A_298 = arith.mulf %add3A_296, %mul3A_297 : vector<1024x128xf32>
    %reduce_sum3A_299 = arith.constant dense<0.000000e+00> : vector<1024xf32>
    %reduce_sum3A_300 = vector.multi_reduction <add>, %mul3A_298, %reduce_sum3A_299 [1] : vector<1024x128xf32> to vector<1024xf32>
    %broadcast_in_dim3A_301 = vector.shape_cast %reduce_sum3A_300 : vector<1024xf32> to vector<1024x1xf32>
    %add3A_302 = arith.addf %broadcast_in_dim3A_279, %broadcast_in_dim3A_301 : vector<1024x1xf32>
    %get3A_303 = arith.constant 0 : index
    %get3A_304 = arith.constant 0 : index
    %get3A_305 = vector.load %arg12[%get3A_303, %get3A_304] : memref<1x1xf32, #tpu.memory_space<vmem>>, vector<1x1xf32>
    %get3A_306 = vector.extract %get3A_305[0, 0] : f32 from vector<1x1xf32>
    %add3A_307 = vector.broadcast %get3A_306 : f32 to vector<1024x1xf32>
    %add3A_308 = arith.addf %add3A_302, %add3A_307 : vector<1024x1xf32>
    %tanh3A_309 = math.tanh %add3A_308 : vector<1024x1xf32>
    %mul3A_310 = arith.constant 2.000000e-01 : f32
    %mul3A_311 = vector.broadcast %mul3A_310 : f32 to vector<1024x1xf32>
    %mul3A_312 = arith.mulf %mul3A_311, %tanh3A_309 : vector<1024x1xf32>
    %mul3A_313 = vector.broadcast %get3A_30 : vector<1x128xf32> to vector<1024x128xf32>
    %mul3A_314 = arith.mulf %add3A_296, %mul3A_313 : vector<1024x128xf32>
    %reduce_sum3A_315 = arith.constant dense<0.000000e+00> : vector<1024xf32>
    %reduce_sum3A_316 = vector.multi_reduction <add>, %mul3A_314, %reduce_sum3A_315 [1] : vector<1024x128xf32> to vector<1024xf32>
    %broadcast_in_dim3A_317 = vector.shape_cast %reduce_sum3A_316 : vector<1024xf32> to vector<1024x1xf32>
    %add3A_318 = arith.addf %broadcast_in_dim3A_284, %broadcast_in_dim3A_317 : vector<1024x1xf32>
    %get3A_319 = arith.constant 0 : index
    %get3A_320 = arith.constant 0 : index
    %get3A_321 = vector.load %arg14[%get3A_319, %get3A_320] : memref<1x1xf32, #tpu.memory_space<vmem>>, vector<1x1xf32>
    %get3A_322 = vector.extract %get3A_321[0, 0] : f32 from vector<1x1xf32>
    %add3A_323 = vector.broadcast %get3A_322 : f32 to vector<1024x1xf32>
    %add3A_324 = arith.addf %add3A_318, %add3A_323 : vector<1024x1xf32>
    %tanh3A_325 = math.tanh %add3A_324 : vector<1024x1xf32>
    %mul3A_326 = arith.constant 2.000000e-01 : f32
    %mul3A_327 = vector.broadcast %mul3A_326 : f32 to vector<1024x1xf32>
    %mul3A_328 = arith.mulf %mul3A_327, %tanh3A_325 : vector<1024x1xf32>
    %add3A_329 = arith.constant 1.000000e+00 : f32
    %add3A_330 = vector.broadcast %add3A_329 : f32 to vector<1024x1xf32>
    %add3A_331 = arith.addf %add3A_330, %mul3A_312 : vector<1024x1xf32>
    %mul3A_332 = vector.broadcast %add3A_331 : vector<1024x1xf32> to vector<1024x128xf32>
    %mul3A_333 = arith.mulf %mul3A_332, %add3A_274 : vector<1024x128xf32>
    %add3A_334 = arith.addf %add3A_262, %mul3A_333 : vector<1024x128xf32>
    %add3A_335 = arith.constant 1.000000e+00 : f32
    %add3A_336 = vector.broadcast %add3A_335 : f32 to vector<1024x1xf32>
    %add3A_337 = arith.addf %add3A_336, %mul3A_328 : vector<1024x1xf32>
    %mul3A_338 = vector.broadcast %add3A_337 : vector<1024x1xf32> to vector<1024x128xf32>
    %mul3A_339 = arith.mulf %mul3A_338, %add3A_296 : vector<1024x128xf32>
    %add3A_340 = arith.addf %add3A_334, %mul3A_339 : vector<1024x128xf32>
    %mul3A_341 = arith.constant 2.500000e-01 : f32
    %mul3A_342 = vector.broadcast %mul3A_341 : f32 to vector<1024x128xf32>
    %mul3A_343 = arith.mulf %add3A_340, %mul3A_342 : vector<1024x128xf32>
    %add3A_344 = arith.addf %mul3A_343, %get3A_18 : vector<1024x128xf32>
    %reduce_sum3A_345 = arith.constant dense<0.000000e+00> : vector<1024xf32>
    %reduce_sum3A_346 = vector.multi_reduction <add>, %add3A_344, %reduce_sum3A_345 [1] : vector<1024x128xf32> to vector<1024xf32>
    %broadcast_in_dim3A_347 = vector.shape_cast %reduce_sum3A_346 : vector<1024xf32> to vector<1024x1xf32>
    %div3A = arith.constant 1.280000e+02 : f32
    %div3A_348 = vector.broadcast %div3A : f32 to vector<1024x1xf32>
    %div3A_349 = arith.divf %broadcast_in_dim3A_347, %div3A_348 : vector<1024x1xf32>
    %sub3A = vector.broadcast %div3A_349 : vector<1024x1xf32> to vector<1024x128xf32>
    %sub3A_350 = arith.subf %add3A_344, %sub3A : vector<1024x128xf32>
    %sub3A_351 = vector.broadcast %div3A_349 : vector<1024x1xf32> to vector<1024x128xf32>
    %sub3A_352 = arith.subf %add3A_344, %sub3A_351 : vector<1024x128xf32>
    %mul3A_353 = arith.mulf %sub3A_350, %sub3A_352 : vector<1024x128xf32>
    %reduce_sum3A_354 = arith.constant dense<0.000000e+00> : vector<1024xf32>
    %reduce_sum3A_355 = vector.multi_reduction <add>, %mul3A_353, %reduce_sum3A_354 [1] : vector<1024x128xf32> to vector<1024xf32>
    %broadcast_in_dim3A_356 = vector.shape_cast %reduce_sum3A_355 : vector<1024xf32> to vector<1024x1xf32>
    %div3A_357 = arith.constant 1.280000e+02 : f32
    %div3A_358 = vector.broadcast %div3A_357 : f32 to vector<1024x1xf32>
    %div3A_359 = arith.divf %broadcast_in_dim3A_356, %div3A_358 : vector<1024x1xf32>
    %sub3A_360 = vector.broadcast %div3A_349 : vector<1024x1xf32> to vector<1024x128xf32>
    %sub3A_361 = arith.subf %add3A_344, %sub3A_360 : vector<1024x128xf32>
    %add3A_362 = arith.constant 9.99999974E-6 : f32
    %add3A_363 = vector.broadcast %add3A_362 : f32 to vector<1024x1xf32>
    %add3A_364 = arith.addf %div3A_359, %add3A_363 : vector<1024x1xf32>
    %rsqrt3A = math.rsqrt %add3A_364 : vector<1024x1xf32>
    %mul3A_365 = vector.broadcast %rsqrt3A : vector<1024x1xf32> to vector<1024x128xf32>
    %mul3A_366 = arith.mulf %sub3A_361, %mul3A_365 : vector<1024x128xf32>
    %get3A_367 = arith.constant 0 : index
    %get3A_368 = arith.constant 0 : index
    %get3A_369 = vector.load %arg15[%get3A_367, %get3A_368] : memref<128x128xf32, #tpu.memory_space<vmem>>, vector<128x128xf32>
    %get3A_370 = arith.constant 0 : index
    %get3A_371 = arith.constant 0 : index
    %get3A_372 = vector.load %arg16[%get3A_370, %get3A_371] : memref<1x128xf32, #tpu.memory_space<vmem>>, vector<1x128xf32>
    %get3A_373 = arith.constant 0 : index
    %get3A_374 = arith.constant 0 : index
    %get3A_375 = vector.load %arg17[%get3A_373, %get3A_374] : memref<128x128xf32, #tpu.memory_space<vmem>>, vector<128x128xf32>
    %get3A_376 = arith.constant 0 : index
    %get3A_377 = arith.constant 0 : index
    %get3A_378 = vector.load %arg18[%get3A_376, %get3A_377] : memref<1x128xf32, #tpu.memory_space<vmem>>, vector<1x128xf32>
    %dot_general3A_379 = arith.constant dense<0.000000e+00> : vector<1024x128xf32>
    %dot_general3A_380 = tpu.matmul %mul3A_366, %get3A_369, %dot_general3A_379 {dimension_numbers = #tpu.dot_dimension_numbers<[1], [0], [0], [1], [0, 0, 1, 1], [], []>, transpose_lhs_hint = false} : vector<1024x128xf32>, vector<128x128xf32>, vector<1024x128xf32> -> vector<1024x128xf32>
    %add3A_381 = vector.broadcast %get3A_372 : vector<1x128xf32> to vector<1024x128xf32>
    %add3A_382 = arith.addf %dot_general3A_380, %add3A_381 : vector<1024x128xf32>
    %max3A = arith.constant 0.000000e+00 : f32
    %max3A_383 = vector.broadcast %max3A : f32 to vector<1024x128xf32>
    %max3A_384 = arith.maximumf %add3A_382, %max3A_383 : vector<1024x128xf32>
    %dot_general3A_385 = arith.constant dense<0.000000e+00> : vector<1024x128xf32>
    %dot_general3A_386 = tpu.matmul %max3A_384, %get3A_375, %dot_general3A_385 {dimension_numbers = #tpu.dot_dimension_numbers<[1], [0], [0], [1], [0, 0, 1, 1], [], []>, transpose_lhs_hint = false} : vector<1024x128xf32>, vector<128x128xf32>, vector<1024x128xf32> -> vector<1024x128xf32>
    %add3A_387 = vector.broadcast %get3A_378 : vector<1x128xf32> to vector<1024x128xf32>
    %add3A_388 = arith.addf %dot_general3A_386, %add3A_387 : vector<1024x128xf32>
    %add3A_389 = arith.addf %add3A_388, %mul3A_366 : vector<1024x128xf32>
    %reduce_sum3A_390 = arith.constant dense<0.000000e+00> : vector<1024xf32>
    %reduce_sum3A_391 = vector.multi_reduction <add>, %add3A_389, %reduce_sum3A_390 [1] : vector<1024x128xf32> to vector<1024xf32>
    %broadcast_in_dim3A_392 = vector.shape_cast %reduce_sum3A_391 : vector<1024xf32> to vector<1024x1xf32>
    %div3A_393 = arith.constant 1.280000e+02 : f32
    %div3A_394 = vector.broadcast %div3A_393 : f32 to vector<1024x1xf32>
    %div3A_395 = arith.divf %broadcast_in_dim3A_392, %div3A_394 : vector<1024x1xf32>
    %sub3A_396 = vector.broadcast %div3A_395 : vector<1024x1xf32> to vector<1024x128xf32>
    %sub3A_397 = arith.subf %add3A_389, %sub3A_396 : vector<1024x128xf32>
    %sub3A_398 = vector.broadcast %div3A_395 : vector<1024x1xf32> to vector<1024x128xf32>
    %sub3A_399 = arith.subf %add3A_389, %sub3A_398 : vector<1024x128xf32>
    %mul3A_400 = arith.mulf %sub3A_397, %sub3A_399 : vector<1024x128xf32>
    %reduce_sum3A_401 = arith.constant dense<0.000000e+00> : vector<1024xf32>
    %reduce_sum3A_402 = vector.multi_reduction <add>, %mul3A_400, %reduce_sum3A_401 [1] : vector<1024x128xf32> to vector<1024xf32>
    %broadcast_in_dim3A_403 = vector.shape_cast %reduce_sum3A_402 : vector<1024xf32> to vector<1024x1xf32>
    %div3A_404 = arith.constant 1.280000e+02 : f32
    %div3A_405 = vector.broadcast %div3A_404 : f32 to vector<1024x1xf32>
    %div3A_406 = arith.divf %broadcast_in_dim3A_403, %div3A_405 : vector<1024x1xf32>
    %sub3A_407 = vector.broadcast %div3A_395 : vector<1024x1xf32> to vector<1024x128xf32>
    %sub3A_408 = arith.subf %add3A_389, %sub3A_407 : vector<1024x128xf32>
    %add3A_409 = arith.constant 9.99999974E-6 : f32
    %add3A_410 = vector.broadcast %add3A_409 : f32 to vector<1024x1xf32>
    %add3A_411 = arith.addf %div3A_406, %add3A_410 : vector<1024x1xf32>
    %rsqrt3A_412 = math.rsqrt %add3A_411 : vector<1024x1xf32>
    %mul3A_413 = vector.broadcast %rsqrt3A_412 : vector<1024x1xf32> to vector<1024x128xf32>
    %mul3A_414 = arith.mulf %sub3A_408, %mul3A_413 : vector<1024x128xf32>
    %get3A_415 = arith.constant 0 : index
    %get3A_416 = arith.constant 0 : index
    %get3A_417 = vector.load %arg19[%get3A_415, %get3A_416] : memref<128x128xf32, #tpu.memory_space<vmem>>, vector<128x128xf32>
    %dot_general3A_418 = arith.constant dense<0.000000e+00> : vector<1024x128xf32>
    %dot_general3A_419 = tpu.matmul %mul3A_414, %get3A_417, %dot_general3A_418 {dimension_numbers = #tpu.dot_dimension_numbers<[1], [0], [0], [1], [0, 0, 1, 1], [], []>, transpose_lhs_hint = false} : vector<1024x128xf32>, vector<128x128xf32>, vector<1024x128xf32> -> vector<1024x128xf32>
    %get3A_420 = arith.constant 0 : index
    %get3A_421 = arith.constant 0 : index
    %get3A_422 = vector.load %arg20[%get3A_420, %get3A_421] : memref<1x128xf32, #tpu.memory_space<vmem>>, vector<1x128xf32>
    %add3A_423 = vector.broadcast %get3A_422 : vector<1x128xf32> to vector<1024x128xf32>
    %add3A_424 = arith.addf %dot_general3A_419, %add3A_423 : vector<1024x128xf32>
    %max3A_425 = arith.constant 0.000000e+00 : f32
    %max3A_426 = vector.broadcast %max3A_425 : f32 to vector<1024x128xf32>
    %max3A_427 = arith.maximumf %add3A_424, %max3A_426 : vector<1024x128xf32>
    %get3A_428 = arith.constant 0 : index
    %get3A_429 = arith.constant 0 : index
    %get3A_430 = vector.load %arg21[%get3A_428, %get3A_429] : memref<128x128xf32, #tpu.memory_space<vmem>>, vector<128x128xf32>
    %dot_general3A_431 = arith.constant dense<0.000000e+00> : vector<1024x128xf32>
    %dot_general3A_432 = tpu.matmul %max3A_427, %get3A_430, %dot_general3A_431 {dimension_numbers = #tpu.dot_dimension_numbers<[1], [0], [0], [1], [0, 0, 1, 1], [], []>, transpose_lhs_hint = false} : vector<1024x128xf32>, vector<128x128xf32>, vector<1024x128xf32> -> vector<1024x128xf32>
    %get3A_433 = arith.constant 0 : index
    %get3A_434 = arith.constant 0 : index
    %get3A_435 = vector.load %arg22[%get3A_433, %get3A_434] : memref<1x128xf32, #tpu.memory_space<vmem>>, vector<1x128xf32>
    %add3A_436 = vector.broadcast %get3A_435 : vector<1x128xf32> to vector<1024x128xf32>
    %add3A_437 = arith.addf %dot_general3A_432, %add3A_436 : vector<1024x128xf32>
    %swap3A = arith.constant 0 : index
    %swap3A_438 = arith.constant 0 : index
    %swap3A_439 = vector.load %arg23[%swap3A, %swap3A_438] : memref<1024x128xf32, #tpu.memory_space<vmem>>, vector<1024x128xf32>
    tpu.vector_store %arg23[%swap3A, %swap3A_438], %add3A_437 {strides = array<i32>} : memref<1024x128xf32, #tpu.memory_space<vmem>>, vector<1024x128xf32>,
    return
  }
  func.func @transform_0(%arg0: i32) -> (i32, i32) {
    %c0_i32 = arith.constant 0 : i32
    %c0_i32_0 = arith.constant 0 : i32
    return %arg0, %c0_i32 : i32, i32
  }
  func.func @transform_1(%arg0: i32) -> (i32, i32) {
    %c0_i32 = arith.constant 0 : i32
    %c0_i32_0 = arith.constant 0 : i32
    return %arg0, %c0_i32 : i32, i32
  }
  func.func @transform_2(%arg0: i32) -> (i32, i32) {
    %c0_i32 = arith.constant 0 : i32
    %c0_i32_0 = arith.constant 0 : i32
    return %arg0, %c0_i32 : i32, i32
  }
  func.func @transform_3(%arg0: i32) -> (i32, i32) {
    %c0_i32 = arith.constant 0 : i32
    %c0_i32_0 = arith.constant 0 : i32
    return %arg0, %c0_i32 : i32, i32
  }
  func.func @transform_4(%arg0: i32) -> (i32, i32) {
    %c0_i32 = arith.constant 0 : i32
    %c0_i32_0 = arith.constant 0 : i32
    return %arg0, %c0_i32 : i32, i32
  }
  func.func @transform_5(%arg0: i32) -> (i32, i32) {
    %c0_i32 = arith.constant 0 : i32
    %c0_i32_0 = arith.constant 0 : i32
    return %arg0, %c0_i32 : i32, i32
  }
  func.func @transform_6(%arg0: i32) -> (i32, i32, i32) {
    %c0_i32 = arith.constant 0 : i32
    %c0_i32_0 = arith.constant 0 : i32
    %c0_i32_1 = arith.constant 0 : i32
    %c0_i32_2 = arith.constant 0 : i32
    return %c0_i32, %c0_i32_0, %c0_i32_1 : i32, i32, i32
  }
  func.func @transform_7(%arg0: i32) -> (i32, i32) {
    %c0_i32 = arith.constant 0 : i32
    %c0_i32_0 = arith.constant 0 : i32
    %c0_i32_1 = arith.constant 0 : i32
    return %c0_i32, %c0_i32_0 : i32, i32
  }
  func.func @transform_8(%arg0: i32) -> (i32, i32, i32) {
    %c0_i32 = arith.constant 0 : i32
    %c0_i32_0 = arith.constant 0 : i32
    %c0_i32_1 = arith.constant 0 : i32
    %c0_i32_2 = arith.constant 0 : i32
    return %c0_i32, %c0_i32_0, %c0_i32_1 : i32, i32, i32
  }
  func.func @transform_9(%arg0: i32) -> (i32, i32) {
    %c0_i32 = arith.constant 0 : i32
    %c0_i32_0 = arith.constant 0 : i32
    %c0_i32_1 = arith.constant 0 : i32
    return %c0_i32, %c0_i32_0 : i32, i32
  }
  func.func @transform_10(%arg0: i32) -> (i32, i32) {
    %c0_i32 = arith.constant 0 : i32
    %c0_i32_0 = arith.constant 0 : i32
    %c0_i32_1 = arith.constant 0 : i32
    return %c0_i32, %c0_i32_0 : i32, i32
  }
  func.func @transform_11(%arg0: i32) -> (i32, i32) {
    %c0_i32 = arith.constant 0 : i32
    %c0_i32_0 = arith.constant 0 : i32
    %c0_i32_1 = arith.constant 0 : i32
    return %c0_i32, %c0_i32_0 : i32, i32
  }
  func.func @transform_12(%arg0: i32) -> (i32, i32) {
    %c0_i32 = arith.constant 0 : i32
    %c0_i32_0 = arith.constant 0 : i32
    %c0_i32_1 = arith.constant 0 : i32
    return %c0_i32, %c0_i32_0 : i32, i32
  }
  func.func @transform_13(%arg0: i32) -> (i32, i32) {
    %c0_i32 = arith.constant 0 : i32
    %c0_i32_0 = arith.constant 0 : i32
    %c0_i32_1 = arith.constant 0 : i32
    return %c0_i32, %c0_i32_0 : i32, i32
  }
  func.func @transform_14(%arg0: i32) -> (i32, i32) {
    %c0_i32 = arith.constant 0 : i32
    %c0_i32_0 = arith.constant 0 : i32
    %c0_i32_1 = arith.constant 0 : i32
    return %c0_i32, %c0_i32_0 : i32, i32
  }
  func.func @transform_15(%arg0: i32) -> (i32, i32) {
    %c0_i32 = arith.constant 0 : i32
    %c0_i32_0 = arith.constant 0 : i32
    %c0_i32_1 = arith.constant 0 : i32
    return %c0_i32, %c0_i32_0 : i32, i32
  }
  func.func @transform_16(%arg0: i32) -> (i32, i32) {
    %c0_i32 = arith.constant 0 : i32
    %c0_i32_0 = arith.constant 0 : i32
    %c0_i32_1 = arith.constant 0 : i32
    return %c0_i32, %c0_i32_0 : i32, i32
  }
  func.func @transform_17(%arg0: i32) -> (i32, i32) {
    %c0_i32 = arith.constant 0 : i32
    %c0_i32_0 = arith.constant 0 : i32
    %c0_i32_1 = arith.constant 0 : i32
    return %c0_i32, %c0_i32_0 : i32, i32
  }
  func.func @transform_18(%arg0: i32) -> (i32, i32) {
    %c0_i32 = arith.constant 0 : i32
    %c0_i32_0 = arith.constant 0 : i32
    %c0_i32_1 = arith.constant 0 : i32
    return %c0_i32, %c0_i32_0 : i32, i32
  }
  func.func @transform_19(%arg0: i32) -> (i32, i32) {
    %c0_i32 = arith.constant 0 : i32
    %c0_i32_0 = arith.constant 0 : i32
    %c0_i32_1 = arith.constant 0 : i32
    return %c0_i32, %c0_i32_0 : i32, i32
  }
  func.func @transform_20(%arg0: i32) -> (i32, i32) {
    %c0_i32 = arith.constant 0 : i32
    %c0_i32_0 = arith.constant 0 : i32
    %c0_i32_1 = arith.constant 0 : i32
    return %c0_i32, %c0_i32_0 : i32, i32
  }
  func.func @transform_21(%arg0: i32) -> (i32, i32) {
    %c0_i32 = arith.constant 0 : i32
    %c0_i32_0 = arith.constant 0 : i32
    %c0_i32_1 = arith.constant 0 : i32
    return %c0_i32, %c0_i32_0 : i32, i32
  }
  func.func @transform_22(%arg0: i32) -> (i32, i32) {
    %c0_i32 = arith.constant 0 : i32
    %c0_i32_0 = arith.constant 0 : i32
    return %arg0, %c0_i32 : i32, i32
  }
}

</mosaic_0001>

<sc_bundles>
// kernel: kernel.11.cloned.1.call-start
scs
__scs_entry_jumppad:
0x0: {  	(pc) =	sbr.rel $0x88, $3  }
0x1: {  	(tag) =	ssettag $0x0;
	lr =	simm.s32 $0x1  }
0x2: {  	[smem:$0x3F8F] =	sst lr;
	_ =	strace $0xD0000000  }
0x3: {  	_ = 	snop  }
0x4: {  	_ = 	snop  }
0x5: {  	_ = 	snop  }
0x6: {  	_ = 	snop  }
0x7: {  	_ = 	snop  }
__scs_overlays_trampoline_lowered:
0x8: {  	[smem:$0x3F9E] =	sst s0  }
0x9: {  	[smem:$0x3F9F] =	sst s1  }
0xa: {  	[smem:$0x3FA0] =	sst s2  }
0xb: {  	[smem:$0x3FA1] =	sst s3  }
0xc: {  	[smem:$0x3FA2] =	sst s4  }
0xd: {  	[smem:$0x3FA3] =	sst s5  }
0xe: {  	[smem:$0x3FA4] =	sst s6  }
0xf: {  	[smem:$0x3FA5] =	sst s7  }
0x10: {  	[smem:$0x3FA6] =	sst s8  }
0x11: {  	[smem:$0x3FA7] =	sst s9;
	s0 =	simm.s32 @!p0 $0x0  }
0x12: {  	s1 =	sld [smem:$0x3F8D];
	s0 =	simm.s32 @p0 $0x1  }
0x13: {  	[smem:$0x3FA8] =	sst s0;
	s0 =	simm.s32 @!p1 $0x0  }
0x14: {  	s2 =	sld [smem:$0x3F8C];
	s0 =	simm.s32 @p1 $0x1  }
0x15: {  	[smem:$0x3FA9] =	sst s0;
	s0 =	simm.s32 @!p2 $0x0  }
0x16: {  	s3 =	sld [smem:$0x3FDB];
	s0 =	simm.s32 @p2 $0x1  }
0x17: {  	s4 =	simm.s32 $0x1BF5;
	[smem:$0x3FAB] =	sst s0  }
0x18: {  	s0 =	sld [smem:$0x3F8E];
	_ =	swait.ge [sflag:s4], $0x0  }
0x19: {  	s7 =	sld [smem:$0x3F8F]  }
0x1a: {  	s8 =	sadd.s32 $0xFFFFE003, lr  }
0x1b: {  	s9 =	sadd.s32 $0xFFFFFEF7, lr;
	s5 =	simm.s32 $0xFFFFFFFF;
	p2 =	slt.u32 s8, $0xFFFFF086  }
0x1c: {  	p1 =	slt.u32 s9, $0xF7A;
	s5 =	simm.s32 @!p2 $0x0  }
0x1d: {  	s5 =	simm.s32 @p1 $0x1;
	p0 =	seq.s32 s7, s2  }
0x1e: {  	s7 =	smul.u32 @!p0 $0xF7A, s2;
	p2 =	seq.s32 @!p0 s5, $0x0  }
0x1f: {  	s9 =	smul.u32 $0xF7A, s1;
	s8 =	simm.s32 @!p0 $0x1BF5;
	p2 =	por !p2, p0  }
0x20: {  	[sflag:s8] =	ssyncset.s32 @!p0 $0xFFFFF086;
	s6 =	sadd.s32 @!p0 s3, s7;
	s7 =	simm.s32 @!p0 $0x108  }
0x21: {  	s3 =	sadd.s32 s3, s9;
	s6 =	sadd.s32 @!p0 $0x88, s6;
	s7 =	simm.s32 @p2 $0x1082  }
0x22: {  	[simem:s7], [sflag:s8] =	dma.local @!p0 [hbm:s6], $0xF7A  }
0x23: {  	s9 =	sor.u32 $0xD0000000, s2;
	s6 =	simm.s32 $0x108;
	_ =	swait.ge @!p0 [sflag:s8], $0x0  }
0x24: {  	s3 =	sadd.s32 $0x88, s3;
	s6 =	simm.s32 @!p1 $0x1082;
	[sflag:s4] =	ssyncset.s32 $0xFFFFF086  }
0x25: {  	[simem:s6], [sflag:s4] =	dma.local [hbm:s3], $0xF7A  }
0x26: {  	[smem:$0x3F8F] =	sst s1;
	(tag) =	ssettag s2;
	_ =	strace s9  }
0x27: {  	s1 =	sld [smem:$0x3F9F]  }
0x28: {  	s2 =	sld [smem:$0x3FA0]  }
0x29: {  	s4 =	sld [smem:$0x3FA2]  }
0x2a: {  	p0 =	seq.s32 s5, $0x0;
	s5 =	sld [smem:$0x3FA3]  }
0x2b: {  	s6 =	sld [smem:$0x3FA4]  }
0x2c: {  	s7 =	sld [smem:$0x3FA5]  }
0x2d: {  	s3 =	simm.s32 $0x108;
	s8 =	sld [smem:$0x3FA6]  }
0x2e: {  	s3 =	simm.s32 @!p0 $0x1082;
	s9 =	sld [smem:$0x3FA7]  }
0x2f: {  	lr =	sadd.s32 s0, s3;
	s0 =	sld [smem:$0x3F9E]  }
0x30: {  	s3 =	sld [smem:$0x3FA1]  }
0x31: {  	[smem:$0x3FAA] =	sst s10  }
0x32: {  	s10 =	sld [smem:$0x3FA8];
	_ =	sdelay $0x3  }
0x33: {  	p0 =	seq.s32 s10, $0x1;
	s10 =	sld [smem:$0x3FAA];
	_ =	sdelay $0x3  }
0x34: {  	[smem:$0x3FAA] =	sst s10  }
0x35: {  	s10 =	sld [smem:$0x3FA9];
	_ =	sdelay $0x3  }
0x36: {  	p1 =	seq.s32 s10, $0x1;
	s10 =	sld [smem:$0x3FAA];
	_ =	sdelay $0x3  }
0x37: {  	[smem:$0x3FAA] =	sst s10  }
0x38: {  	s10 =	sld [smem:$0x3FAB]  }
0x39: {  	_ = 	snop;
	(pc) =	sbr.ind lr, $3  }
0x3a: {  	_ = 	snop  }
0x3b: {  	_ = 	snop  }
0x3c: {  	p2 =	seq.s32 s10, $0x1;
	s10 =	sld [smem:$0x3FAA]  }
0x3d: {  	_ =	shalt  }
0x3e: {  	_ =	shalt  }
0x3f: {  	_ =	shalt  }
0x40: {  	_ =	shalt  }
0x41: {  	_ =	shalt  }
0x42: {  	_ =	shalt  }
0x43: {  	_ =	shalt  }
0x44: {  	_ =	shalt  }
0x45: {  	_ =	shalt  }
0x46: {  	_ =	shalt  }
0x47: {  	_ =	shalt  }
0x48: {  	_ =	shalt  }
0x49: {  	_ =	shalt  }
0x4a: {  	_ =	shalt  }
0x4b: {  	_ =	shalt  }
0x4c: {  	_ =	shalt  }
0x4d: {  	_ =	shalt  }
0x4e: {  	_ =	shalt  }
0x4f: {  	_ =	shalt  }
0x50: {  	_ =	shalt  }
0x51: {  	_ =	shalt  }
0x52: {  	_ =	shalt  }
0x53: {  	_ =	shalt  }
0x54: {  	_ =	shalt  }
0x55: {  	_ =	shalt  }
0x56: {  	_ =	shalt  }
0x57: {  	_ =	shalt  }
0x58: {  	_ =	shalt  }
0x59: {  	_ =	shalt  }
0x5a: {  	_ =	shalt  }
0x5b: {  	_ =	shalt  }
0x5c: {  	_ =	shalt  }
0x5d: {  	_ =	shalt  }
0x5e: {  	_ =	shalt  }
0x5f: {  	_ =	shalt  }
0x60: {  	_ =	shalt  }
0x61: {  	_ =	shalt  }
0x62: {  	_ =	shalt  }
0x63: {  	_ =	shalt  }
0x64: {  	_ =	shalt  }
0x65: {  	_ =	shalt  }
0x66: {  	_ =	shalt  }
0x67: {  	_ =	shalt  }
0x68: {  	_ =	shalt  }
0x69: {  	_ =	shalt  }
0x6a: {  	_ =	shalt  }
0x6b: {  	_ =	shalt  }
0x6c: {  	_ =	shalt  }
0x6d: {  	_ =	shalt  }
0x6e: {  	_ =	shalt  }
0x6f: {  	_ =	shalt  }
0x70: {  	_ =	shalt  }
0x71: {  	_ =	shalt  }
0x72: {  	_ =	shalt  }
0x73: {  	_ =	shalt  }
0x74: {  	_ =	shalt  }
0x75: {  	_ =	shalt  }
0x76: {  	_ =	shalt  }
0x77: {  	_ =	shalt  }
0x78: {  	_ =	shalt  }
0x79: {  	_ =	shalt  }
0x7a: {  	_ =	shalt  }
0x7b: {  	_ =	shalt  }
0x7c: {  	_ =	shalt  }
0x7d: {  	_ =	shalt  }
0x7e: {  	_ =	shalt  }
0x7f: {  	_ =	shalt  }
0x80: {  	_ =	shalt  }
0x81: {  	_ =	shalt  }
0x82: {  	_ =	shalt  }
0x83: {  	_ =	shalt  }
0x84: {  	_ =	shalt  }
0x85: {  	_ =	shalt  }
0x86: {  	_ =	shalt  }
0x87: {  	_ =	shalt  }
.Lfunc_end0:
.L_simem_size_0:
called_computation.1_lowered:
.L_overlay_start_0:
0x88: {  	s2 =	sld [smem:$0x3FD9]  }
0x89: {  	s3 =	sld [smem:$0x3FFE];
	_ =	sdelay $0x1  }
0x8a: {  	s1 =	srdreg.scid  }
0x8b: {  	s0 =	sand.u32 $0x1, s1  }
0x8c: {  	s17 =	sshll.u32 s0, $0xA;
	s2 =	sadd.s32 s3, s2  }
0x8d: {  	s2 =	sadd.s32 s2, s17  }
0x8e: {  	[smem:$0x3FB6] =	sst s2  }
0x8f: {  	_ = 	snop  }
0x90: {  	s2 =	sld [smem:$0x3FD0];
	(tm) =	ssettm $0x1  }
0x91: {  	s18 =	sld [smem:$0x3FFB];
	_ =	sdelay $0x3  }
0x92: {  	_ =	strace s18  }
0x93: {  	s3 =	sld [smem:$0x3FFC];
	_ =	sdelay $0x3  }
0x94: {  	_ =	strace s3  }
0x95: {  	s3 =	sld [smem:$0x3FFD];
	_ =	sdelay $0x3  }
0x96: {  	_ =	strace s3  }
0x97: {  	_ =	strace $0x8FFFFFFF  }
0x98: {  	s19 =	sld [smem:$0x3FDB];
	_ =	sdelay $0x1  }
0x99: {  	s4 =	simm.s32 $_scs_section_size  }
0x9a: {  	s5 =	simm.s32 $_size__tile_overlayer_lowered;
	s6 =	simm.s32 $_tile_overlayer_lowered  }
0x9b: {  	s22 =	simm.s32 $0x1BFF;
	s21 =	sshll.u32 s6, $0x1;
	s3 =	sadd.s32 s4, s19  }
0x9c: {  	s7 =	simm.s32 $0x0;
	s20 =	sshll.u32 s5, $0x1;
	s5 =	sadd.s32 s21, s3  }
0x9d: {  	[timem:s7], [sflag:s22] =	dma.local [hbm:s5], s20  }
0x9e: {  	_ =	swait.ge [sflag:s22], s20  }
0x9f: {  	s4 =	ssub.s32 $0x0, s20;
	[sflag:s22] =	ssyncset.done $0x0  }
0xa0: {  	[sflag:s22] =	ssyncadd.s32 s4;
	_ =	sdelay $0x1  }
0xa1: {  	s23 =	simm.s32 $0x1B8B  }
0xa2: {  	_ =	swait.ge [sflag:s23], $0x1  }
0xa3: {  	[sflag:s23] =	ssyncset.done $0x0  }
0xa4: {  	s25 =	simm.s32 $0x1B8E;
	s24 =	sld [smem:$0x3FFE];
	[sflag:s23] =	ssyncadd.s32 $0xFFFFFFFF  }
0xa5: {  	s26 =	simm.s32 $execute0_lowered;
	[smem:$0x3FD2] =	sst s25  }
0xa6: {  	s5 =	sshll.u32 s26, $0x1;
	_ =	strace $0x80000049;
	[dreg:$0x1] =	wrdreg $0xFFFFFFFF  }
0xa7: {  	s28 =	simm.s32 $_size_execute0_lowered;
	s3 =	sadd.s32 s3, s5;
	[dreg:$0x0] =	wrdreg $0x0  }
0xa8: {  	s5 =	sshll.u32 s28, $0x1;
	[dreg:$0x2] =	wrdreg s3  }
0xa9: {  	[dreg:$0x3] =	wrdreg s5  }
0xaa: {  	[dreg:$0x4] =	wrdreg $0xC0  }
0xab: {  	_ =	task [dreg:s7], $0x5FFFF  }
0xac: {  	[dreg:$0x1] =	wrdreg $0xFFFFFFFF  }
0xad: {  	[dreg:$0x0] =	wrdreg $0x60  }
0xae: {  	[dreg:$0x2] =	wrdreg s24  }
0xaf: {  	[dreg:$0x3] =	wrdreg s2  }
0xb0: {  	[dreg:$0x4] =	wrdreg $0xA8000  }
0xb1: {  	[dreg:$0x5] =	wrdreg $0x9  }
0xb2: {  	_ =	task.clear_ibuf [dreg:s7], $0x6FFFF;
	_ =	strace $0x90000049  }
0xb3: {  	s29 =	simm.s32 $0x9;
	_ =	strace $0x8000004B  }
0xb4: {  	_ =	swait.ge [sflag:s29], $0x1  }
0xb5: {  	[sflag:s29] =	ssyncadd.s32 $0xFFFFFFFF  }
0xb6: {  	_ =	strace $0x9000004B  }
0xb7: {  	_ =	sfence  }
0xb8: {  	s30 =	sld [smem:$0x0];
	_ =	sdelay $0x2  }
0xb9: {  	s31 =	sshll.u32 s1, $0xD;
	s1 =	sshrl.u32 s1, $0x2  }
0xba: {  	s3 =	sand.u32 $0x4000, s31;
	s1 =	sadd.s32 s1, s30  }
0xbb: {  	s0 =	sor.u32 s3, s0;
	s1 =	sshll.u32 s1, $0x11  }
0xbc: {  	s0 =	sor.u32 s1, s0  }
0xbd: {  	s0 =	sadd.s32 $0x8F2B, s0  }
0xbe: {  	[sflag:s0] =	ssyncadd.remote.s32 $0x1  }
0xbf: {  	_ =	sfence.sel $0xFFFF  }
0xc0: {  	[dreg:$0x0] =	wrdreg $0xFFFFFFFF;
	(pc) =	sbr.abs _section_cstart, $3  }
0xc1: {  	[dreg:$0x1] =	wrdreg $0xFFFFFFFF  }
0xc2: {  	_ =	task.clear_ibuf [dreg:s7], $0x2FFFF;
	_ =	strace $0x9FFFFFFF  }
0xc3: {  	(tm) =	ssettm $0x7FFFFFFF  }
tec
execute0_lowered:
.L_overlay_start_1:
0x0: {  	(tag) =	ssettag $0x1  }
0x1: {  	s5 =	rddreg [dreg:$0x0]  }
0x2: {  	s10 =	rddreg [dreg:$0x1]  }
0x3: {  	s2 =	rddreg [dreg:$0x2]  }
0x4: {  	s0 =	rddreg [dreg:$0x3]  }
0x5: {  	s1 =	stileid.u32;
	s4 =	srdreg.scid;
	s3 =	simm.s32 $0x0  }
0x6: {  	s16 =	simm.s32 $0x80;
	s17 =	simm.s32 $0x6800;
	s6 =	smul.u32 $0x14000, s1  }
0x7: {  	s18 =	simm.s32 $0x1;
	s7 =	sand.u32 $0x1, s4;
	s11 =	smul.u32 $0x50000, s1  }
0x8: {  	[smem:$0x7FF] =	sst s3;
	s4 =	sadd.s32 $0x36E00, s5;
	s13 =	smul.u32 $0x1C00, s1  }
0x9: {  	s9 =	sadd.s32 $0x4E00, s5;
	s29 =	sshll.u32 s1, $0x6;
	s30 =	smul.u32 $0x680, s1  }
0xa: {  	s8 =	smul.u32 $0x140000, s7;
	_ =	strace $0x8000004A;
	s26 =	ssub.s32 $0x2, s7  }
0xb: {  	p0 =	seq.s32 s7, $0x1;
	s28 =	sshrl.u32 s26, $0x1;
	s11 =	sshrl.u32 s11, $0x2  }
0xc: {  	s31 =	sshrl.u32 s13, $0x3;
	s7 =	sadd.s32 s9, s30;
	s8 =	sadd.s32 s6, s8  }
0xd: {  	s6 =	sshrl.u32 s6, $0x3;
	s14 =	ssub.s32 s26, s28;
	s15 =	sadd.s32 s11, s2  }
.Ltmp0:
0xe: {  	s11 =	sadd.s32 $0x6800, s31;
	s8 =	sshrl.u32 s8, $0x3;
	(pc) =	sbr.rel .LBB2_1-.Ltmp0, $4  }
0xf: {  	s6 =	sadd.s32 s6, s5;
	s9 =	sadd.s32 s9, s11;
	s13 =	sshrl.u32 s15, $0x3  }
0x10: {  	s15 =	simm.s32 $0x3400;
	s12 =	sadd.s32 s8, s5;
	s5 =	sadd.s32 $0xEE00, s6  }
0x11: {  	s6 =	sor.u32 $0x1C02, s29;
	s8 =	sadd.s32 s10, s30;
	s10 =	sadd.s32 s10, s11  }
0x12: {  	s11 =	sadd.s32 $0x86E00, s12;
	s12 =	smax.u32 s14, $0x1;
	s14 =	simm.s32 $0x2  }
.LBB2_7:
0x13: {  	s19 =	sshra.s32 s19, $0x2;
	[sflag:s14] =	ssyncadd.s32 $0xFFFFC000  }
0x14: {  	[tilespmem:s17], [sflag:$0x1] =	stream.indirect.gather [hbm4b:s4+s16], $0x80, s19, s16, $0xb8;
	[tilespmem:$0x1E800] =	vst v63  }
0x15: {  	_ =	swait.ge [sflag:s18], $0x4000  }
0x16: {  	[sflag:s18] =	ssyncset.done $0x0  }
0x17: {  	s19 =	sadd.s32 $0x3400, s19;
	[sflag:s18] =	ssyncadd.s32 $0xFFFFC000  }
0x18: {  	[spmem:s2] =	stream.indirect.scatter.add.f32 [tilespmem:s17], [sflag:$0x2], $0x80, s19, s16, $0xb8;
	[tilespmem:$0x1E800] =	vst v63  }
0x19: {  	_ =	swait.ge [sflag:s14], $0x4000  }
0x1a: {  	[sflag:s14] =	ssyncset.done $0x0  }
0x1b: {  	[sflag:s14] =	ssyncadd.s32 $0xFFFFC000  }
.LBB2_8:
0x1c: {  	s3 =	sadd.s32 $0x1, s3  }
0x1d: {  	p1 =	sne.s32 s3, s12  }
.Ltmp1:
0x1e: {  	[bflag:$0x0] =	sbarrier.arrive $0xFFFF;
	(pc) =	sbr.rel @!p1 .LBB2_9-.Ltmp1, $4  }
0x1f: {  	[hbm:s11], [sflag:s6] =	dma.local [spmem:s13], $0x2800  }
0x20: {  	_ =	swait.ge [sflag:s14], $0x2800  }
0x21: {  	[sflag:s14] =	ssyncset.done $0x0  }
0x22: {  	[sflag:s14] =	ssyncadd.s32 $0xFFFFD800  }
.LBB2_1:
0x23: {  	[spmem:s13], [sflag:s6] =	dma.local [hbm:s5], $0x2800  }
.Ltmp2:
0x24: {  	_ =	swait.ge [sflag:s14], $0x2800;
	(pc) =	sbr.rel @!p0 .LBB2_2-.Ltmp2, $4  }
0x25: {  	[sflag:s14] =	ssyncset.done $0x0  }
0x26: {  	[sflag:s14] =	ssyncadd.s32 $0xFFFFD800  }
0x27: {  	[bflag:$0x0] =	sbarrier.arrive $0xFFFF  }
0x28: {  	s19 =	simm.s32 $0x0  }
0x29: {  	[tilespmem:s19], [sflag:$0x2] =	stream.linear.gather [hbm4b:s9+s19], $0x1C00, $0x38;
	[tilespmem:$0x1E800] =	vst v63  }
0x2a: {  	_ =	swait.ge [sflag:s14], $0x1C00  }
0x2b: {  	[sflag:s14] =	ssyncset.done $0x0  }
0x2c: {  	[sflag:s14] =	ssyncadd.s32 $0xFFFFE400  }
0x2d: {  	[tilespmem:s15], [sflag:$0x2] =	stream.linear.gather [hbm4b:s10+s19], $0x1C00, $0x38;
	[tilespmem:$0x1E800] =	vst v63  }
0x2e: {  	_ =	swait.ge [sflag:s14], $0x1C00  }
0x2f: {  	[sflag:s14] =	ssyncset.done $0x0  }
0x30: {  	s30 =	simm.s32 $0x0;
	[sflag:s14] =	ssyncadd.s32 $0xFFFFE400  }
0x31: {  	[tilespmem:s17], [sflag:$0x1] =	stream.indirect.gather [hbm4b:s4+s16], $0x80, s30, s16, $0xb8;
	[tilespmem:$0x1E800] =	vst v63  }
0x32: {  	_ =	swait.ge [sflag:s18], $0x4000  }
0x33: {  	[sflag:s18] =	ssyncset.done $0x0  }
0x34: {  	s31 =	simm.s32 $0x3400;
	[sflag:s18] =	ssyncadd.s32 $0xFFFFC000  }
0x35: {  	[spmem:s2] =	stream.indirect.scatter.add.f32 [tilespmem:s17], [sflag:$0x2], $0x80, s31, s16, $0xb8;
	[tilespmem:$0x1E800] =	vst v63  }
0x36: {  	_ =	swait.ge [sflag:s14], $0x4000  }
0x37: {  	s20 =	simm.s32 $0x400;
	s19 =	simm.s32 $0x200;
	[sflag:s14] =	ssyncset.done $0x0  }
.LBB2_6:
0x38: {  	s21 =	sshra.s32 s19, $0x2  }
0x39: {  	[sflag:s14] =	ssyncadd.s32 $0xFFFFC000;
	s19 =	smov.u32 s20;
	s22 =	sadd.s32 $0x200, s20  }
0x3a: {  	[tilespmem:s17], [sflag:$0x1] =	stream.indirect.gather [hbm4b:s4+s16], $0x80, s21, s16, $0xb8;
	[tilespmem:$0x1E800] =	vst v63  }
0x3b: {  	p1 =	sne.s32 s20, $0x6E00;
	_ =	swait.ge [sflag:s18], $0x4000  }
.Ltmp3:
0x3c: {  	[sflag:s18] =	ssyncset.done $0x0;
	(pc) =	sbr.rel @p1 .LBB2_6-.Ltmp3, $4  }
0x3d: {  	s20 =	sadd.s32 $0x3400, s21;
	[sflag:s18] =	ssyncadd.s32 $0xFFFFC000  }
0x3e: {  	[spmem:s2] =	stream.indirect.scatter.add.f32 [tilespmem:s17], [sflag:$0x2], $0x80, s20, s16, $0xb8;
	[tilespmem:$0x1E800] =	vst v63  }
0x3f: {  	_ =	swait.ge [sflag:s14], $0x4000  }
0x40: {  	s20 =	smov.u32 s22;
	[sflag:s14] =	ssyncset.done $0x0  }
.Ltmp4:
0x41: {  	_ = 	snop;
	(pc) =	sbr.rel .LBB2_7-.Ltmp4, $1  }
0x42: {  	_ =	sdelay $0x3  }
.LBB2_2:
0x43: {  	[tilespmem:s19], [sflag:$0x2] =	stream.linear.gather [hbm4b:s7+s19], $0x3400, $0x38;
	[tilespmem:$0x1E800] =	vst v63  }
0x44: {  	_ =	swait.ge [sflag:s14], $0x3400  }
0x45: {  	[sflag:s14] =	ssyncset.done $0x0  }
0x46: {  	[sflag:s14] =	ssyncadd.s32 $0xFFFFCC00  }
0x47: {  	[tilespmem:s15], [sflag:$0x2] =	stream.linear.gather [hbm4b:s8+s19], $0x3400, $0x38;
	[tilespmem:$0x1E800] =	vst v63  }
0x48: {  	_ =	swait.ge [sflag:s14], $0x3400  }
0x49: {  	[sflag:s14] =	ssyncset.done $0x0  }
0x4a: {  	s30 =	simm.s32 $0x0;
	[sflag:s14] =	ssyncadd.s32 $0xFFFFCC00  }
0x4b: {  	[tilespmem:s17], [sflag:$0x1] =	stream.indirect.gather [hbm4b:s4+s16], $0x80, s30, s16, $0xb8;
	[tilespmem:$0x1E800] =	vst v63  }
0x4c: {  	_ =	swait.ge [sflag:s18], $0x4000  }
0x4d: {  	[sflag:s18] =	ssyncset.done $0x0  }
0x4e: {  	s31 =	simm.s32 $0x3400;
	[sflag:s18] =	ssyncadd.s32 $0xFFFFC000  }
0x4f: {  	[spmem:s2] =	stream.indirect.scatter.add.f32 [tilespmem:s17], [sflag:$0x2], $0x80, s31, s16, $0xb8;
	[tilespmem:$0x1E800] =	vst v63  }
0x50: {  	_ =	swait.ge [sflag:s14], $0x4000  }
0x51: {  	s20 =	simm.s32 $0x400;
	s19 =	simm.s32 $0x200;
	[sflag:s14] =	ssyncset.done $0x0  }
.LBB2_3:
0x52: {  	s21 =	sshra.s32 s19, $0x2  }
0x53: {  	[sflag:s14] =	ssyncadd.s32 $0xFFFFC000;
	s19 =	smov.u32 s20;
	s22 =	sadd.s32 $0x200, s20  }
0x54: {  	[tilespmem:s17], [sflag:$0x1] =	stream.indirect.gather [hbm4b:s4+s16], $0x80, s21, s16, $0xb8;
	[tilespmem:$0x1E800] =	vst v63  }
0x55: {  	p1 =	seq.s32 s20, $0xCE00;
	_ =	swait.ge [sflag:s18], $0x4000  }
.Ltmp5:
0x56: {  	[sflag:s18] =	ssyncset.done $0x0;
	(pc) =	sbr.rel @!p1 .LBB2_3-.Ltmp5, $4  }
0x57: {  	s20 =	sadd.s32 $0x3400, s21;
	[sflag:s18] =	ssyncadd.s32 $0xFFFFC000  }
0x58: {  	[spmem:s2] =	stream.indirect.scatter.add.f32 [tilespmem:s17], [sflag:$0x2], $0x80, s20, s16, $0xb8;
	[tilespmem:$0x1E800] =	vst v63  }
0x59: {  	_ =	swait.ge [sflag:s14], $0x4000  }
0x5a: {  	s20 =	smov.u32 s22;
	[sflag:s14] =	ssyncset.done $0x0  }
0x5b: {  	s19 =	sshra.s32 s19, $0x2;
	[sflag:s14] =	ssyncadd.s32 $0xFFFFC000  }
0x5c: {  	[tilespmem:s17], [sflag:$0x1] =	stream.indirect.gather [hbm4b:s4+s16], $0x80, s19, s16, $0xb8;
	[tilespmem:$0x1E800] =	vst v63  }
0x5d: {  	_ =	swait.ge [sflag:s18], $0x4000  }
0x5e: {  	[sflag:s18] =	ssyncset.done $0x0  }
.Ltmp6:
0x5f: {  	s19 =	sadd.s32 $0x3400, s19;
	[sflag:s18] =	ssyncadd.s32 $0xFFFFC000;
	(pc) =	sbr.rel .LBB2_8-.Ltmp6, $4  }
0x60: {  	[spmem:s2] =	stream.indirect.scatter.add.f32 [tilespmem:s17], [sflag:$0x2], $0x80, s19, s16, $0xb8;
	[tilespmem:$0x1E800] =	vst v63  }
0x61: {  	_ =	swait.ge [sflag:s14], $0x4000  }
0x62: {  	[sflag:s14] =	ssyncset.done $0x0  }
0x63: {  	[sflag:s14] =	ssyncadd.s32 $0xFFFFC000  }
.LBB2_9:
0x64: {  	_ =	sfence.sel $0x180000  }
0x65: {  	[bflag:$0x0] =	sbarrier.arrive $0xFFFF  }
0x66: {  	p0 =	sne.s32 s1, $0x0;
	_ =	strace $0x9000004A  }
0x67: {  	s0 =	sadd.s32 @!p0 $0x100000, s0;
	[bflag:$0x2] =	sbarrier.arrive $0xFFFF  }
0x68: {  	[sflag:s0] =	ssyncadd.tile.s32 @!p0 $0x1;
	_ =	shalt  }
.Lfunc_end2:
_tile_overlayer_lowered:
.L_overlay_start_2:
0x69: {  	(tag) =	ssettag $0x2  }
0x6a: {  	s0 =	rddreg [dreg:$0x0];
	s2 =	stileid.u32  }
0x6b: {  	s1 =	rddreg [dreg:$0x1];
	p0 =	sne.s32 s2, $0x0  }
0x6c: {  	s3 =	rddreg [dreg:$0x2];
	[bflag:$0x3] =	sbarrier.arrive $0xFFFF;
	s2 =	simm.s32 @!p0 $0x1C02  }
0x6d: {  	[timem:s3], [sflag:s2] =	dma.local @!p0 [hbm:s0], s1  }
0x6e: {  	s0 =	simm.s32 @!p0 $0x2  }
0x6f: {  	_ =	swait.ge @!p0 [sflag:s0], s1  }
0x70: {  	s1 =	ssub.s32 @!p0 $0x0, s1;
	[sflag:s0] =	ssyncset.done @!p0 $0x0  }
0x71: {  	[sflag:s0] =	ssyncadd.s32 @!p0 s1  }
0x72: {  	[bflag:$0x3] =	sbarrier.arrive $0xFFFF  }
0x73: {  	_ =	shalt  }

// kernel: kernel.14.cloned.1.call-start
scs
__scs_entry_jumppad:
0x0: {  	(pc) =	sbr.rel $0x88, $3  }
0x1: {  	(tag) =	ssettag $0x0;
	lr =	simm.s32 $0x1  }
0x2: {  	[smem:$0x3F8F] =	sst lr;
	_ =	strace $0xD0000000  }
0x3: {  	_ = 	snop  }
0x4: {  	_ = 	snop  }
0x5: {  	_ = 	snop  }
0x6: {  	_ = 	snop  }
0x7: {  	_ = 	snop  }
__scs_overlays_trampoline_lowered:
0x8: {  	[smem:$0x3F9E] =	sst s0  }
0x9: {  	[smem:$0x3F9F] =	sst s1  }
0xa: {  	[smem:$0x3FA0] =	sst s2  }
0xb: {  	[smem:$0x3FA1] =	sst s3  }
0xc: {  	[smem:$0x3FA2] =	sst s4  }
0xd: {  	[smem:$0x3FA3] =	sst s5  }
0xe: {  	[smem:$0x3FA4] =	sst s6  }
0xf: {  	[smem:$0x3FA5] =	sst s7  }
0x10: {  	[smem:$0x3FA6] =	sst s8  }
0x11: {  	[smem:$0x3FA7] =	sst s9;
	s0 =	simm.s32 @!p0 $0x0  }
0x12: {  	s1 =	sld [smem:$0x3F8D];
	s0 =	simm.s32 @p0 $0x1  }
0x13: {  	[smem:$0x3FA8] =	sst s0;
	s0 =	simm.s32 @!p1 $0x0  }
0x14: {  	s2 =	sld [smem:$0x3F8C];
	s0 =	simm.s32 @p1 $0x1  }
0x15: {  	[smem:$0x3FA9] =	sst s0;
	s0 =	simm.s32 @!p2 $0x0  }
0x16: {  	s3 =	sld [smem:$0x3FDB];
	s0 =	simm.s32 @p2 $0x1  }
0x17: {  	s4 =	simm.s32 $0x1BF5;
	[smem:$0x3FAB] =	sst s0  }
0x18: {  	s0 =	sld [smem:$0x3F8E];
	_ =	swait.ge [sflag:s4], $0x0  }
0x19: {  	s7 =	sld [smem:$0x3F8F]  }
0x1a: {  	s8 =	sadd.s32 $0xFFFFE003, lr  }
0x1b: {  	s9 =	sadd.s32 $0xFFFFFEF7, lr;
	s5 =	simm.s32 $0xFFFFFFFF;
	p2 =	slt.u32 s8, $0xFFFFF086  }
0x1c: {  	p1 =	slt.u32 s9, $0xF7A;
	s5 =	simm.s32 @!p2 $0x0  }
0x1d: {  	s5 =	simm.s32 @p1 $0x1;
	p0 =	seq.s32 s7, s2  }
0x1e: {  	s7 =	smul.u32 @!p0 $0xF7A, s2;
	p2 =	seq.s32 @!p0 s5, $0x0  }
0x1f: {  	s9 =	smul.u32 $0xF7A, s1;
	s8 =	simm.s32 @!p0 $0x1BF5;
	p2 =	por !p2, p0  }
0x20: {  	[sflag:s8] =	ssyncset.s32 @!p0 $0xFFFFF086;
	s6 =	sadd.s32 @!p0 s3, s7;
	s7 =	simm.s32 @!p0 $0x108  }
0x21: {  	s3 =	sadd.s32 s3, s9;
	s6 =	sadd.s32 @!p0 $0x88, s6;
	s7 =	simm.s32 @p2 $0x1082  }
0x22: {  	[simem:s7], [sflag:s8] =	dma.local @!p0 [hbm:s6], $0xF7A  }
0x23: {  	s9 =	sor.u32 $0xD0000000, s2;
	s6 =	simm.s32 $0x108;
	_ =	swait.ge @!p0 [sflag:s8], $0x0  }
0x24: {  	s3 =	sadd.s32 $0x88, s3;
	s6 =	simm.s32 @!p1 $0x1082;
	[sflag:s4] =	ssyncset.s32 $0xFFFFF086  }
0x25: {  	[simem:s6], [sflag:s4] =	dma.local [hbm:s3], $0xF7A  }
0x26: {  	[smem:$0x3F8F] =	sst s1;
	(tag) =	ssettag s2;
	_ =	strace s9  }
0x27: {  	s1 =	sld [smem:$0x3F9F]  }
0x28: {  	s2 =	sld [smem:$0x3FA0]  }
0x29: {  	s4 =	sld [smem:$0x3FA2]  }
0x2a: {  	p0 =	seq.s32 s5, $0x0;
	s5 =	sld [smem:$0x3FA3]  }
0x2b: {  	s6 =	sld [smem:$0x3FA4]  }
0x2c: {  	s7 =	sld [smem:$0x3FA5]  }
0x2d: {  	s3 =	simm.s32 $0x108;
	s8 =	sld [smem:$0x3FA6]  }
0x2e: {  	s3 =	simm.s32 @!p0 $0x1082;
	s9 =	sld [smem:$0x3FA7]  }
0x2f: {  	lr =	sadd.s32 s0, s3;
	s0 =	sld [smem:$0x3F9E]  }
0x30: {  	s3 =	sld [smem:$0x3FA1]  }
0x31: {  	[smem:$0x3FAA] =	sst s10  }
0x32: {  	s10 =	sld [smem:$0x3FA8];
	_ =	sdelay $0x3  }
0x33: {  	p0 =	seq.s32 s10, $0x1;
	s10 =	sld [smem:$0x3FAA];
	_ =	sdelay $0x3  }
0x34: {  	[smem:$0x3FAA] =	sst s10  }
0x35: {  	s10 =	sld [smem:$0x3FA9];
	_ =	sdelay $0x3  }
0x36: {  	p1 =	seq.s32 s10, $0x1;
	s10 =	sld [smem:$0x3FAA];
	_ =	sdelay $0x3  }
0x37: {  	[smem:$0x3FAA] =	sst s10  }
0x38: {  	s10 =	sld [smem:$0x3FAB]  }
0x39: {  	_ = 	snop;
	(pc) =	sbr.ind lr, $3  }
0x3a: {  	_ = 	snop  }
0x3b: {  	_ = 	snop  }
0x3c: {  	p2 =	seq.s32 s10, $0x1;
	s10 =	sld [smem:$0x3FAA]  }
0x3d: {  	_ =	shalt  }
0x3e: {  	_ =	shalt  }
0x3f: {  	_ =	shalt  }
0x40: {  	_ =	shalt  }
0x41: {  	_ =	shalt  }
0x42: {  	_ =	shalt  }
0x43: {  	_ =	shalt  }
0x44: {  	_ =	shalt  }
0x45: {  	_ =	shalt  }
0x46: {  	_ =	shalt  }
0x47: {  	_ =	shalt  }
0x48: {  	_ =	shalt  }
0x49: {  	_ =	shalt  }
0x4a: {  	_ =	shalt  }
0x4b: {  	_ =	shalt  }
0x4c: {  	_ =	shalt  }
0x4d: {  	_ =	shalt  }
0x4e: {  	_ =	shalt  }
0x4f: {  	_ =	shalt  }
0x50: {  	_ =	shalt  }
0x51: {  	_ =	shalt  }
0x52: {  	_ =	shalt  }
0x53: {  	_ =	shalt  }
0x54: {  	_ =	shalt  }
0x55: {  	_ =	shalt  }
0x56: {  	_ =	shalt  }
0x57: {  	_ =	shalt  }
0x58: {  	_ =	shalt  }
0x59: {  	_ =	shalt  }
0x5a: {  	_ =	shalt  }
0x5b: {  	_ =	shalt  }
0x5c: {  	_ =	shalt  }
0x5d: {  	_ =	shalt  }
0x5e: {  	_ =	shalt  }
0x5f: {  	_ =	shalt  }
0x60: {  	_ =	shalt  }
0x61: {  	_ =	shalt  }
0x62: {  	_ =	shalt  }
0x63: {  	_ =	shalt  }
0x64: {  	_ =	shalt  }
0x65: {  	_ =	shalt  }
0x66: {  	_ =	shalt  }
0x67: {  	_ =	shalt  }
0x68: {  	_ =	shalt  }
0x69: {  	_ =	shalt  }
0x6a: {  	_ =	shalt  }
0x6b: {  	_ =	shalt  }
0x6c: {  	_ =	shalt  }
0x6d: {  	_ =	shalt  }
0x6e: {  	_ =	shalt  }
0x6f: {  	_ =	shalt  }
0x70: {  	_ =	shalt  }
0x71: {  	_ =	shalt  }
0x72: {  	_ =	shalt  }
0x73: {  	_ =	shalt  }
0x74: {  	_ =	shalt  }
0x75: {  	_ =	shalt  }
0x76: {  	_ =	shalt  }
0x77: {  	_ =	shalt  }
0x78: {  	_ =	shalt  }
0x79: {  	_ =	shalt  }
0x7a: {  	_ =	shalt  }
0x7b: {  	_ =	shalt  }
0x7c: {  	_ =	shalt  }
0x7d: {  	_ =	shalt  }
0x7e: {  	_ =	shalt  }
0x7f: {  	_ =	shalt  }
0x80: {  	_ =	shalt  }
0x81: {  	_ =	shalt  }
0x82: {  	_ =	shalt  }
0x83: {  	_ =	shalt  }
0x84: {  	_ =	shalt  }
0x85: {  	_ =	shalt  }
0x86: {  	_ =	shalt  }
0x87: {  	_ =	shalt  }
.Lfunc_end0:
.L_simem_size_0:
called_computation.2_lowered:
.L_overlay_start_0:
0x88: {  	s2 =	sld [smem:$0x3FD9]  }
0x89: {  	s3 =	sld [smem:$0x3FFE];
	_ =	sdelay $0x1  }
0x8a: {  	s1 =	srdreg.scid  }
0x8b: {  	s0 =	sand.u32 $0x1, s1  }
0x8c: {  	s17 =	sshll.u32 s0, $0xA;
	s2 =	sadd.s32 s3, s2  }
0x8d: {  	s2 =	sadd.s32 s2, s17  }
0x8e: {  	[smem:$0x3FB6] =	sst s2  }
0x8f: {  	_ = 	snop  }
0x90: {  	s2 =	sld [smem:$0x3FD0];
	(tm) =	ssettm $0x1  }
0x91: {  	s18 =	sld [smem:$0x3FFB];
	_ =	sdelay $0x3  }
0x92: {  	_ =	strace s18  }
0x93: {  	s3 =	sld [smem:$0x3FFC];
	_ =	sdelay $0x3  }
0x94: {  	_ =	strace s3  }
0x95: {  	s3 =	sld [smem:$0x3FFD];
	_ =	sdelay $0x3  }
0x96: {  	_ =	strace s3  }
0x97: {  	_ =	strace $0x8FFFFFFF  }
0x98: {  	s19 =	sld [smem:$0x3FDB];
	_ =	sdelay $0x1  }
0x99: {  	s4 =	simm.s32 $_scs_section_size  }
0x9a: {  	s5 =	simm.s32 $_size__tile_overlayer_lowered;
	s6 =	simm.s32 $_tile_overlayer_lowered  }
0x9b: {  	s22 =	simm.s32 $0x1BFF;
	s21 =	sshll.u32 s6, $0x1;
	s3 =	sadd.s32 s4, s19  }
0x9c: {  	s7 =	simm.s32 $0x0;
	s20 =	sshll.u32 s5, $0x1;
	s5 =	sadd.s32 s21, s3  }
0x9d: {  	[timem:s7], [sflag:s22] =	dma.local [hbm:s5], s20  }
0x9e: {  	_ =	swait.ge [sflag:s22], s20  }
0x9f: {  	s4 =	ssub.s32 $0x0, s20;
	[sflag:s22] =	ssyncset.done $0x0  }
0xa0: {  	[sflag:s22] =	ssyncadd.s32 s4;
	_ =	sdelay $0x1  }
0xa1: {  	s23 =	simm.s32 $0x1B8B  }
0xa2: {  	_ =	swait.ge [sflag:s23], $0x1  }
0xa3: {  	[sflag:s23] =	ssyncset.done $0x0  }
0xa4: {  	s25 =	simm.s32 $0x1B8E;
	s24 =	sld [smem:$0x3FFE];
	[sflag:s23] =	ssyncadd.s32 $0xFFFFFFFF  }
0xa5: {  	s26 =	simm.s32 $execute0_lowered;
	[smem:$0x3FD2] =	sst s25  }
0xa6: {  	s5 =	sshll.u32 s26, $0x1;
	_ =	strace $0x8000004C;
	[dreg:$0x1] =	wrdreg $0xFFFFFFFF  }
0xa7: {  	s28 =	simm.s32 $_size_execute0_lowered;
	s3 =	sadd.s32 s3, s5;
	[dreg:$0x0] =	wrdreg $0x0  }
0xa8: {  	s5 =	sshll.u32 s28, $0x1;
	[dreg:$0x2] =	wrdreg s3  }
0xa9: {  	[dreg:$0x3] =	wrdreg s5  }
0xaa: {  	[dreg:$0x4] =	wrdreg $0xC0  }
0xab: {  	_ =	task [dreg:s7], $0x5FFFF  }
0xac: {  	[dreg:$0x1] =	wrdreg $0xFFFFFFFF  }
0xad: {  	[dreg:$0x0] =	wrdreg $0x60  }
0xae: {  	[dreg:$0x2] =	wrdreg s24  }
0xaf: {  	[dreg:$0x3] =	wrdreg s2  }
0xb0: {  	[dreg:$0x4] =	wrdreg $0xA8000  }
0xb1: {  	[dreg:$0x5] =	wrdreg $0x9  }
0xb2: {  	_ =	task.clear_ibuf [dreg:s7], $0x6FFFF;
	_ =	strace $0x9000004C  }
0xb3: {  	s29 =	simm.s32 $0x9;
	_ =	strace $0x8000004E  }
0xb4: {  	_ =	swait.ge [sflag:s29], $0x1  }
0xb5: {  	[sflag:s29] =	ssyncadd.s32 $0xFFFFFFFF  }
0xb6: {  	_ =	strace $0x9000004E  }
0xb7: {  	_ =	sfence  }
0xb8: {  	s30 =	sld [smem:$0x0];
	_ =	sdelay $0x2  }
0xb9: {  	s31 =	sshll.u32 s1, $0xD;
	s1 =	sshrl.u32 s1, $0x2  }
0xba: {  	s3 =	sand.u32 $0x4000, s31;
	s1 =	sadd.s32 s1, s30  }
0xbb: {  	s0 =	sor.u32 s3, s0;
	s1 =	sshll.u32 s1, $0x11  }
0xbc: {  	s0 =	sor.u32 s1, s0  }
0xbd: {  	s0 =	sadd.s32 $0x8F2B, s0  }
0xbe: {  	[sflag:s0] =	ssyncadd.remote.s32 $0x1  }
0xbf: {  	_ =	sfence.sel $0xFFFF  }
0xc0: {  	[dreg:$0x0] =	wrdreg $0xFFFFFFFF;
	(pc) =	sbr.abs _section_cstart, $3  }
0xc1: {  	[dreg:$0x1] =	wrdreg $0xFFFFFFFF  }
0xc2: {  	_ =	task.clear_ibuf [dreg:s7], $0x2FFFF;
	_ =	strace $0x9FFFFFFF  }
0xc3: {  	(tm) =	ssettm $0x7FFFFFFF  }
tec
execute0_lowered:
.L_overlay_start_1:
0x0: {  	(tag) =	ssettag $0x1  }
0x1: {  	s5 =	rddreg [dreg:$0x0]  }
0x2: {  	s10 =	rddreg [dreg:$0x1]  }
0x3: {  	s2 =	rddreg [dreg:$0x2]  }
0x4: {  	s0 =	rddreg [dreg:$0x3]  }
0x5: {  	s1 =	stileid.u32;
	s4 =	srdreg.scid;
	s3 =	simm.s32 $0x0  }
0x6: {  	s16 =	simm.s32 $0x80;
	s17 =	simm.s32 $0x6800;
	s6 =	smul.u32 $0x14000, s1  }
0x7: {  	s18 =	simm.s32 $0x1;
	s7 =	sand.u32 $0x1, s4;
	s11 =	smul.u32 $0x50000, s1  }
0x8: {  	[smem:$0x7FF] =	sst s3;
	s4 =	sadd.s32 $0x36E00, s5;
	s13 =	smul.u32 $0x1C00, s1  }
0x9: {  	s9 =	sadd.s32 $0x4E00, s5;
	s29 =	sshll.u32 s1, $0x6;
	s30 =	smul.u32 $0x680, s1  }
0xa: {  	s8 =	smul.u32 $0x140000, s7;
	_ =	strace $0x8000004D;
	s26 =	ssub.s32 $0x2, s7  }
0xb: {  	p0 =	seq.s32 s7, $0x1;
	s28 =	sshrl.u32 s26, $0x1;
	s11 =	sshrl.u32 s11, $0x2  }
0xc: {  	s31 =	sshrl.u32 s13, $0x3;
	s7 =	sadd.s32 s9, s30;
	s8 =	sadd.s32 s6, s8  }
0xd: {  	s6 =	sshrl.u32 s6, $0x3;
	s14 =	ssub.s32 s26, s28;
	s15 =	sadd.s32 s11, s2  }
.Ltmp0:
0xe: {  	s11 =	sadd.s32 $0x6800, s31;
	s8 =	sshrl.u32 s8, $0x3;
	(pc) =	sbr.rel .LBB2_1-.Ltmp0, $4  }
0xf: {  	s6 =	sadd.s32 s6, s5;
	s9 =	sadd.s32 s9, s11;
	s13 =	sshrl.u32 s15, $0x3  }
0x10: {  	s15 =	simm.s32 $0x3400;
	s12 =	sadd.s32 s8, s5;
	s5 =	sadd.s32 $0xEE00, s6  }
0x11: {  	s6 =	sor.u32 $0x1C02, s29;
	s8 =	sadd.s32 s10, s30;
	s10 =	sadd.s32 s10, s11  }
0x12: {  	s11 =	sadd.s32 $0xD7200, s12;
	s12 =	smax.u32 s14, $0x1;
	s14 =	simm.s32 $0x2  }
.LBB2_7:
0x13: {  	s19 =	sshra.s32 s19, $0x2;
	[sflag:s14] =	ssyncadd.s32 $0xFFFFC000  }
0x14: {  	[tilespmem:s17], [sflag:$0x1] =	stream.indirect.gather [hbm4b:s4+s16], $0x80, s19, s16, $0xb8;
	[tilespmem:$0x1E800] =	vst v63  }
0x15: {  	_ =	swait.ge [sflag:s18], $0x4000  }
0x16: {  	[sflag:s18] =	ssyncset.done $0x0  }
0x17: {  	s19 =	sadd.s32 $0x3400, s19;
	[sflag:s18] =	ssyncadd.s32 $0xFFFFC000  }
0x18: {  	[spmem:s2] =	stream.indirect.scatter.add.f32 [tilespmem:s17], [sflag:$0x2], $0x80, s19, s16, $0xb8;
	[tilespmem:$0x1E800] =	vst v63  }
0x19: {  	_ =	swait.ge [sflag:s14], $0x4000  }
0x1a: {  	[sflag:s14] =	ssyncset.done $0x0  }
0x1b: {  	[sflag:s14] =	ssyncadd.s32 $0xFFFFC000  }
.LBB2_8:
0x1c: {  	s3 =	sadd.s32 $0x1, s3  }
0x1d: {  	p1 =	sne.s32 s3, s12  }
.Ltmp1:
0x1e: {  	[bflag:$0x0] =	sbarrier.arrive $0xFFFF;
	(pc) =	sbr.rel @!p1 .LBB2_9-.Ltmp1, $4  }
0x1f: {  	[hbm:s11], [sflag:s6] =	dma.local [spmem:s13], $0x2800  }
0x20: {  	_ =	swait.ge [sflag:s14], $0x2800  }
0x21: {  	[sflag:s14] =	ssyncset.done $0x0  }
0x22: {  	[sflag:s14] =	ssyncadd.s32 $0xFFFFD800  }
.LBB2_1:
0x23: {  	[spmem:s13], [sflag:s6] =	dma.local [hbm:s5], $0x2800  }
.Ltmp2:
0x24: {  	_ =	swait.ge [sflag:s14], $0x2800;
	(pc) =	sbr.rel @!p0 .LBB2_2-.Ltmp2, $4  }
0x25: {  	[sflag:s14] =	ssyncset.done $0x0  }
0x26: {  	[sflag:s14] =	ssyncadd.s32 $0xFFFFD800  }
0x27: {  	[bflag:$0x0] =	sbarrier.arrive $0xFFFF  }
0x28: {  	s19 =	simm.s32 $0x0  }
0x29: {  	[tilespmem:s19], [sflag:$0x2] =	stream.linear.gather [hbm4b:s9+s19], $0x1C00, $0x38;
	[tilespmem:$0x1E800] =	vst v63  }
0x2a: {  	_ =	swait.ge [sflag:s14], $0x1C00  }
0x2b: {  	[sflag:s14] =	ssyncset.done $0x0  }
0x2c: {  	[sflag:s14] =	ssyncadd.s32 $0xFFFFE400  }
0x2d: {  	[tilespmem:s15], [sflag:$0x2] =	stream.linear.gather [hbm4b:s10+s19], $0x1C00, $0x38;
	[tilespmem:$0x1E800] =	vst v63  }
0x2e: {  	_ =	swait.ge [sflag:s14], $0x1C00  }
0x2f: {  	[sflag:s14] =	ssyncset.done $0x0  }
0x30: {  	s30 =	simm.s32 $0x0;
	[sflag:s14] =	ssyncadd.s32 $0xFFFFE400  }
0x31: {  	[tilespmem:s17], [sflag:$0x1] =	stream.indirect.gather [hbm4b:s4+s16], $0x80, s30, s16, $0xb8;
	[tilespmem:$0x1E800] =	vst v63  }
0x32: {  	_ =	swait.ge [sflag:s18], $0x4000  }
0x33: {  	[sflag:s18] =	ssyncset.done $0x0  }
0x34: {  	s31 =	simm.s32 $0x3400;
	[sflag:s18] =	ssyncadd.s32 $0xFFFFC000  }
0x35: {  	[spmem:s2] =	stream.indirect.scatter.add.f32 [tilespmem:s17], [sflag:$0x2], $0x80, s31, s16, $0xb8;
	[tilespmem:$0x1E800] =	vst v63  }
0x36: {  	_ =	swait.ge [sflag:s14], $0x4000  }
0x37: {  	s20 =	simm.s32 $0x400;
	s19 =	simm.s32 $0x200;
	[sflag:s14] =	ssyncset.done $0x0  }
.LBB2_6:
0x38: {  	s21 =	sshra.s32 s19, $0x2  }
0x39: {  	[sflag:s14] =	ssyncadd.s32 $0xFFFFC000;
	s19 =	smov.u32 s20;
	s22 =	sadd.s32 $0x200, s20  }
0x3a: {  	[tilespmem:s17], [sflag:$0x1] =	stream.indirect.gather [hbm4b:s4+s16], $0x80, s21, s16, $0xb8;
	[tilespmem:$0x1E800] =	vst v63  }
0x3b: {  	p1 =	sne.s32 s20, $0x6E00;
	_ =	swait.ge [sflag:s18], $0x4000  }
.Ltmp3:
0x3c: {  	[sflag:s18] =	ssyncset.done $0x0;
	(pc) =	sbr.rel @p1 .LBB2_6-.Ltmp3, $4  }
0x3d: {  	s20 =	sadd.s32 $0x3400, s21;
	[sflag:s18] =	ssyncadd.s32 $0xFFFFC000  }
0x3e: {  	[spmem:s2] =	stream.indirect.scatter.add.f32 [tilespmem:s17], [sflag:$0x2], $0x80, s20, s16, $0xb8;
	[tilespmem:$0x1E800] =	vst v63  }
0x3f: {  	_ =	swait.ge [sflag:s14], $0x4000  }
0x40: {  	s20 =	smov.u32 s22;
	[sflag:s14] =	ssyncset.done $0x0  }
.Ltmp4:
0x41: {  	_ = 	snop;
	(pc) =	sbr.rel .LBB2_7-.Ltmp4, $1  }
0x42: {  	_ =	sdelay $0x3  }
.LBB2_2:
0x43: {  	[tilespmem:s19], [sflag:$0x2] =	stream.linear.gather [hbm4b:s7+s19], $0x3400, $0x38;
	[tilespmem:$0x1E800] =	vst v63  }
0x44: {  	_ =	swait.ge [sflag:s14], $0x3400  }
0x45: {  	[sflag:s14] =	ssyncset.done $0x0  }
0x46: {  	[sflag:s14] =	ssyncadd.s32 $0xFFFFCC00  }
0x47: {  	[tilespmem:s15], [sflag:$0x2] =	stream.linear.gather [hbm4b:s8+s19], $0x3400, $0x38;
	[tilespmem:$0x1E800] =	vst v63  }
0x48: {  	_ =	swait.ge [sflag:s14], $0x3400  }
0x49: {  	[sflag:s14] =	ssyncset.done $0x0  }
0x4a: {  	s30 =	simm.s32 $0x0;
	[sflag:s14] =	ssyncadd.s32 $0xFFFFCC00  }
0x4b: {  	[tilespmem:s17], [sflag:$0x1] =	stream.indirect.gather [hbm4b:s4+s16], $0x80, s30, s16, $0xb8;
	[tilespmem:$0x1E800] =	vst v63  }
0x4c: {  	_ =	swait.ge [sflag:s18], $0x4000  }
0x4d: {  	[sflag:s18] =	ssyncset.done $0x0  }
0x4e: {  	s31 =	simm.s32 $0x3400;
	[sflag:s18] =	ssyncadd.s32 $0xFFFFC000  }
0x4f: {  	[spmem:s2] =	stream.indirect.scatter.add.f32 [tilespmem:s17], [sflag:$0x2], $0x80, s31, s16, $0xb8;
	[tilespmem:$0x1E800] =	vst v63  }
0x50: {  	_ =	swait.ge [sflag:s14], $0x4000  }
0x51: {  	s20 =	simm.s32 $0x400;
	s19 =	simm.s32 $0x200;
	[sflag:s14] =	ssyncset.done $0x0  }
.LBB2_3:
0x52: {  	s21 =	sshra.s32 s19, $0x2  }
0x53: {  	[sflag:s14] =	ssyncadd.s32 $0xFFFFC000;
	s19 =	smov.u32 s20;
	s22 =	sadd.s32 $0x200, s20  }
0x54: {  	[tilespmem:s17], [sflag:$0x1] =	stream.indirect.gather [hbm4b:s4+s16], $0x80, s21, s16, $0xb8;
	[tilespmem:$0x1E800] =	vst v63  }
0x55: {  	p1 =	seq.s32 s20, $0xCE00;
	_ =	swait.ge [sflag:s18], $0x4000  }
.Ltmp5:
0x56: {  	[sflag:s18] =	ssyncset.done $0x0;
	(pc) =	sbr.rel @!p1 .LBB2_3-.Ltmp5, $4  }
0x57: {  	s20 =	sadd.s32 $0x3400, s21;
	[sflag:s18] =	ssyncadd.s32 $0xFFFFC000  }
0x58: {  	[spmem:s2] =	stream.indirect.scatter.add.f32 [tilespmem:s17], [sflag:$0x2], $0x80, s20, s16, $0xb8;
	[tilespmem:$0x1E800] =	vst v63  }
0x59: {  	_ =	swait.ge [sflag:s14], $0x4000  }
0x5a: {  	s20 =	smov.u32 s22;
	[sflag:s14] =	ssyncset.done $0x0  }
0x5b: {  	s19 =	sshra.s32 s19, $0x2;
	[sflag:s14] =	ssyncadd.s32 $0xFFFFC000  }
0x5c: {  	[tilespmem:s17], [sflag:$0x1] =	stream.indirect.gather [hbm4b:s4+s16], $0x80, s19, s16, $0xb8;
	[tilespmem:$0x1E800] =	vst v63  }
0x5d: {  	_ =	swait.ge [sflag:s18], $0x4000  }
0x5e: {  	[sflag:s18] =	ssyncset.done $0x0  }
.Ltmp6:
0x5f: {  	s19 =	sadd.s32 $0x3400, s19;
	[sflag:s18] =	ssyncadd.s32 $0xFFFFC000;
	(pc) =	sbr.rel .LBB2_8-.Ltmp6, $4  }
0x60: {  	[spmem:s2] =	stream.indirect.scatter.add.f32 [tilespmem:s17], [sflag:$0x2], $0x80, s19, s16, $0xb8;
	[tilespmem:$0x1E800] =	vst v63  }
0x61: {  	_ =	swait.ge [sflag:s14], $0x4000  }
0x62: {  	[sflag:s14] =	ssyncset.done $0x0  }
0x63: {  	[sflag:s14] =	ssyncadd.s32 $0xFFFFC000  }
.LBB2_9:
0x64: {  	_ =	sfence.sel $0x180000  }
0x65: {  	[bflag:$0x0] =	sbarrier.arrive $0xFFFF  }
0x66: {  	p0 =	sne.s32 s1, $0x0;
	_ =	strace $0x9000004D  }
0x67: {  	s0 =	sadd.s32 @!p0 $0x100000, s0;
	[bflag:$0x2] =	sbarrier.arrive $0xFFFF  }
0x68: {  	[sflag:s0] =	ssyncadd.tile.s32 @!p0 $0x1;
	_ =	shalt  }
.Lfunc_end2:
_tile_overlayer_lowered:
.L_overlay_start_2:
0x69: {  	(tag) =	ssettag $0x2  }
0x6a: {  	s0 =	rddreg [dreg:$0x0];
	s2 =	stileid.u32  }
0x6b: {  	s1 =	rddreg [dreg:$0x1];
	p0 =	sne.s32 s2, $0x0  }
0x6c: {  	s3 =	rddreg [dreg:$0x2];
	[bflag:$0x3] =	sbarrier.arrive $0xFFFF;
	s2 =	simm.s32 @!p0 $0x1C02  }
0x6d: {  	[timem:s3], [sflag:s2] =	dma.local @!p0 [hbm:s0], s1  }
0x6e: {  	s0 =	simm.s32 @!p0 $0x2  }
0x6f: {  	_ =	swait.ge @!p0 [sflag:s0], s1  }
0x70: {  	s1 =	ssub.s32 @!p0 $0x0, s1;
	[sflag:s0] =	ssyncset.done @!p0 $0x0  }
0x71: {  	[sflag:s0] =	ssyncadd.s32 @!p0 s1  }
0x72: {  	[bflag:$0x3] =	sbarrier.arrive $0xFFFF  }
0x73: {  	_ =	shalt  }

// kernel: kernel.8.cloned.1.call-start
scs
__scs_entry_jumppad:
0x0: {  	(pc) =	sbr.rel $0x88, $3  }
0x1: {  	(tag) =	ssettag $0x0;
	lr =	simm.s32 $0x1  }
0x2: {  	[smem:$0x3F8F] =	sst lr;
	_ =	strace $0xD0000000  }
0x3: {  	_ = 	snop  }
0x4: {  	_ = 	snop  }
0x5: {  	_ = 	snop  }
0x6: {  	_ = 	snop  }
0x7: {  	_ = 	snop  }
__scs_overlays_trampoline_lowered:
0x8: {  	[smem:$0x3F9E] =	sst s0  }
0x9: {  	[smem:$0x3F9F] =	sst s1  }
0xa: {  	[smem:$0x3FA0] =	sst s2  }
0xb: {  	[smem:$0x3FA1] =	sst s3  }
0xc: {  	[smem:$0x3FA2] =	sst s4  }
0xd: {  	[smem:$0x3FA3] =	sst s5  }
0xe: {  	[smem:$0x3FA4] =	sst s6  }
0xf: {  	[smem:$0x3FA5] =	sst s7  }
0x10: {  	[smem:$0x3FA6] =	sst s8  }
0x11: {  	[smem:$0x3FA7] =	sst s9;
	s0 =	simm.s32 @!p0 $0x0  }
0x12: {  	s1 =	sld [smem:$0x3F8D];
	s0 =	simm.s32 @p0 $0x1  }
0x13: {  	[smem:$0x3FA8] =	sst s0;
	s0 =	simm.s32 @!p1 $0x0  }
0x14: {  	s2 =	sld [smem:$0x3F8C];
	s0 =	simm.s32 @p1 $0x1  }
0x15: {  	[smem:$0x3FA9] =	sst s0;
	s0 =	simm.s32 @!p2 $0x0  }
0x16: {  	s3 =	sld [smem:$0x3FDB];
	s0 =	simm.s32 @p2 $0x1  }
0x17: {  	s4 =	simm.s32 $0x1BF5;
	[smem:$0x3FAB] =	sst s0  }
0x18: {  	s0 =	sld [smem:$0x3F8E];
	_ =	swait.ge [sflag:s4], $0x0  }
0x19: {  	s7 =	sld [smem:$0x3F8F]  }
0x1a: {  	s8 =	sadd.s32 $0xFFFFE003, lr  }
0x1b: {  	s9 =	sadd.s32 $0xFFFFFEF7, lr;
	s5 =	simm.s32 $0xFFFFFFFF;
	p2 =	slt.u32 s8, $0xFFFFF086  }
0x1c: {  	p1 =	slt.u32 s9, $0xF7A;
	s5 =	simm.s32 @!p2 $0x0  }
0x1d: {  	s5 =	simm.s32 @p1 $0x1;
	p0 =	seq.s32 s7, s2  }
0x1e: {  	s7 =	smul.u32 @!p0 $0xF7A, s2;
	p2 =	seq.s32 @!p0 s5, $0x0  }
0x1f: {  	s9 =	smul.u32 $0xF7A, s1;
	s8 =	simm.s32 @!p0 $0x1BF5;
	p2 =	por !p2, p0  }
0x20: {  	[sflag:s8] =	ssyncset.s32 @!p0 $0xFFFFF086;
	s6 =	sadd.s32 @!p0 s3, s7;
	s7 =	simm.s32 @!p0 $0x108  }
0x21: {  	s3 =	sadd.s32 s3, s9;
	s6 =	sadd.s32 @!p0 $0x88, s6;
	s7 =	simm.s32 @p2 $0x1082  }
0x22: {  	[simem:s7], [sflag:s8] =	dma.local @!p0 [hbm:s6], $0xF7A  }
0x23: {  	s9 =	sor.u32 $0xD0000000, s2;
	s6 =	simm.s32 $0x108;
	_ =	swait.ge @!p0 [sflag:s8], $0x0  }
0x24: {  	s3 =	sadd.s32 $0x88, s3;
	s6 =	simm.s32 @!p1 $0x1082;
	[sflag:s4] =	ssyncset.s32 $0xFFFFF086  }
0x25: {  	[simem:s6], [sflag:s4] =	dma.local [hbm:s3], $0xF7A  }
0x26: {  	[smem:$0x3F8F] =	sst s1;
	(tag) =	ssettag s2;
	_ =	strace s9  }
0x27: {  	s1 =	sld [smem:$0x3F9F]  }
0x28: {  	s2 =	sld [smem:$0x3FA0]  }
0x29: {  	s4 =	sld [smem:$0x3FA2]  }
0x2a: {  	p0 =	seq.s32 s5, $0x0;
	s5 =	sld [smem:$0x3FA3]  }
0x2b: {  	s6 =	sld [smem:$0x3FA4]  }
0x2c: {  	s7 =	sld [smem:$0x3FA5]  }
0x2d: {  	s3 =	simm.s32 $0x108;
	s8 =	sld [smem:$0x3FA6]  }
0x2e: {  	s3 =	simm.s32 @!p0 $0x1082;
	s9 =	sld [smem:$0x3FA7]  }
0x2f: {  	lr =	sadd.s32 s0, s3;
	s0 =	sld [smem:$0x3F9E]  }
0x30: {  	s3 =	sld [smem:$0x3FA1]  }
0x31: {  	[smem:$0x3FAA] =	sst s10  }
0x32: {  	s10 =	sld [smem:$0x3FA8];
	_ =	sdelay $0x3  }
0x33: {  	p0 =	seq.s32 s10, $0x1;
	s10 =	sld [smem:$0x3FAA];
	_ =	sdelay $0x3  }
0x34: {  	[smem:$0x3FAA] =	sst s10  }
0x35: {  	s10 =	sld [smem:$0x3FA9];
	_ =	sdelay $0x3  }
0x36: {  	p1 =	seq.s32 s10, $0x1;
	s10 =	sld [smem:$0x3FAA];
	_ =	sdelay $0x3  }
0x37: {  	[smem:$0x3FAA] =	sst s10  }
0x38: {  	s10 =	sld [smem:$0x3FAB]  }
0x39: {  	_ = 	snop;
	(pc) =	sbr.ind lr, $3  }
0x3a: {  	_ = 	snop  }
0x3b: {  	_ = 	snop  }
0x3c: {  	p2 =	seq.s32 s10, $0x1;
	s10 =	sld [smem:$0x3FAA]  }
0x3d: {  	_ =	shalt  }
0x3e: {  	_ =	shalt  }
0x3f: {  	_ =	shalt  }
0x40: {  	_ =	shalt  }
0x41: {  	_ =	shalt  }
0x42: {  	_ =	shalt  }
0x43: {  	_ =	shalt  }
0x44: {  	_ =	shalt  }
0x45: {  	_ =	shalt  }
0x46: {  	_ =	shalt  }
0x47: {  	_ =	shalt  }
0x48: {  	_ =	shalt  }
0x49: {  	_ =	shalt  }
0x4a: {  	_ =	shalt  }
0x4b: {  	_ =	shalt  }
0x4c: {  	_ =	shalt  }
0x4d: {  	_ =	shalt  }
0x4e: {  	_ =	shalt  }
0x4f: {  	_ =	shalt  }
0x50: {  	_ =	shalt  }
0x51: {  	_ =	shalt  }
0x52: {  	_ =	shalt  }
0x53: {  	_ =	shalt  }
0x54: {  	_ =	shalt  }
0x55: {  	_ =	shalt  }
0x56: {  	_ =	shalt  }
0x57: {  	_ =	shalt  }
0x58: {  	_ =	shalt  }
0x59: {  	_ =	shalt  }
0x5a: {  	_ =	shalt  }
0x5b: {  	_ =	shalt  }
0x5c: {  	_ =	shalt  }
0x5d: {  	_ =	shalt  }
0x5e: {  	_ =	shalt  }
0x5f: {  	_ =	shalt  }
0x60: {  	_ =	shalt  }
0x61: {  	_ =	shalt  }
0x62: {  	_ =	shalt  }
0x63: {  	_ =	shalt  }
0x64: {  	_ =	shalt  }
0x65: {  	_ =	shalt  }
0x66: {  	_ =	shalt  }
0x67: {  	_ =	shalt  }
0x68: {  	_ =	shalt  }
0x69: {  	_ =	shalt  }
0x6a: {  	_ =	shalt  }
0x6b: {  	_ =	shalt  }
0x6c: {  	_ =	shalt  }
0x6d: {  	_ =	shalt  }
0x6e: {  	_ =	shalt  }
0x6f: {  	_ =	shalt  }
0x70: {  	_ =	shalt  }
0x71: {  	_ =	shalt  }
0x72: {  	_ =	shalt  }
0x73: {  	_ =	shalt  }
0x74: {  	_ =	shalt  }
0x75: {  	_ =	shalt  }
0x76: {  	_ =	shalt  }
0x77: {  	_ =	shalt  }
0x78: {  	_ =	shalt  }
0x79: {  	_ =	shalt  }
0x7a: {  	_ =	shalt  }
0x7b: {  	_ =	shalt  }
0x7c: {  	_ =	shalt  }
0x7d: {  	_ =	shalt  }
0x7e: {  	_ =	shalt  }
0x7f: {  	_ =	shalt  }
0x80: {  	_ =	shalt  }
0x81: {  	_ =	shalt  }
0x82: {  	_ =	shalt  }
0x83: {  	_ =	shalt  }
0x84: {  	_ =	shalt  }
0x85: {  	_ =	shalt  }
0x86: {  	_ =	shalt  }
0x87: {  	_ =	shalt  }
.Lfunc_end0:
.L_simem_size_0:
called_computation_lowered:
.L_overlay_start_0:
0x88: {  	s2 =	sld [smem:$0x3FD9]  }
0x89: {  	s3 =	sld [smem:$0x3FFE];
	_ =	sdelay $0x1  }
0x8a: {  	s1 =	srdreg.scid  }
0x8b: {  	s0 =	sand.u32 $0x1, s1  }
0x8c: {  	s17 =	sshll.u32 s0, $0xA;
	s2 =	sadd.s32 s3, s2  }
0x8d: {  	s2 =	sadd.s32 s2, s17  }
0x8e: {  	[smem:$0x3FB6] =	sst s2  }
0x8f: {  	_ = 	snop  }
0x90: {  	s2 =	sld [smem:$0x3FD0];
	(tm) =	ssettm $0x1  }
0x91: {  	s18 =	sld [smem:$0x3FFB];
	_ =	sdelay $0x3  }
0x92: {  	_ =	strace s18  }
0x93: {  	s3 =	sld [smem:$0x3FFC];
	_ =	sdelay $0x3  }
0x94: {  	_ =	strace s3  }
0x95: {  	s3 =	sld [smem:$0x3FFD];
	_ =	sdelay $0x3  }
0x96: {  	_ =	strace s3  }
0x97: {  	_ =	strace $0x8FFFFFFF  }
0x98: {  	s19 =	sld [smem:$0x3FDB];
	_ =	sdelay $0x1  }
0x99: {  	s4 =	simm.s32 $_scs_section_size  }
0x9a: {  	s5 =	simm.s32 $_size__tile_overlayer_lowered;
	s6 =	simm.s32 $_tile_overlayer_lowered  }
0x9b: {  	s22 =	simm.s32 $0x1BFF;
	s21 =	sshll.u32 s6, $0x1;
	s3 =	sadd.s32 s4, s19  }
0x9c: {  	s7 =	simm.s32 $0x0;
	s20 =	sshll.u32 s5, $0x1;
	s5 =	sadd.s32 s21, s3  }
0x9d: {  	[timem:s7], [sflag:s22] =	dma.local [hbm:s5], s20  }
0x9e: {  	_ =	swait.ge [sflag:s22], s20  }
0x9f: {  	s4 =	ssub.s32 $0x0, s20;
	[sflag:s22] =	ssyncset.done $0x0  }
0xa0: {  	[sflag:s22] =	ssyncadd.s32 s4;
	_ =	sdelay $0x1  }
0xa1: {  	s23 =	simm.s32 $0x1B8B  }
0xa2: {  	_ =	swait.ge [sflag:s23], $0x1  }
0xa3: {  	[sflag:s23] =	ssyncset.done $0x0  }
0xa4: {  	s25 =	simm.s32 $0x1B8E;
	s24 =	sld [smem:$0x3FFE];
	[sflag:s23] =	ssyncadd.s32 $0xFFFFFFFF  }
0xa5: {  	s26 =	simm.s32 $execute0_lowered;
	[smem:$0x3FD2] =	sst s25  }
0xa6: {  	s5 =	sshll.u32 s26, $0x1;
	_ =	strace $0x80000046;
	[dreg:$0x1] =	wrdreg $0xFFFFFFFF  }
0xa7: {  	s28 =	simm.s32 $_size_execute0_lowered;
	s3 =	sadd.s32 s3, s5;
	[dreg:$0x0] =	wrdreg $0x0  }
0xa8: {  	s5 =	sshll.u32 s28, $0x1;
	[dreg:$0x2] =	wrdreg s3  }
0xa9: {  	[dreg:$0x3] =	wrdreg s5  }
0xaa: {  	[dreg:$0x4] =	wrdreg $0xC0  }
0xab: {  	_ =	task [dreg:s7], $0x5FFFF  }
0xac: {  	[dreg:$0x1] =	wrdreg $0xFFFFFFFF  }
0xad: {  	[dreg:$0x0] =	wrdreg $0x60  }
0xae: {  	[dreg:$0x2] =	wrdreg s24  }
0xaf: {  	[dreg:$0x3] =	wrdreg s2  }
0xb0: {  	[dreg:$0x4] =	wrdreg $0xA8000  }
0xb1: {  	[dreg:$0x5] =	wrdreg $0x9  }
0xb2: {  	_ =	task.clear_ibuf [dreg:s7], $0x6FFFF;
	_ =	strace $0x90000046  }
0xb3: {  	s29 =	simm.s32 $0x9;
	_ =	strace $0x80000048  }
0xb4: {  	_ =	swait.ge [sflag:s29], $0x1  }
0xb5: {  	[sflag:s29] =	ssyncadd.s32 $0xFFFFFFFF  }
0xb6: {  	_ =	strace $0x90000048  }
0xb7: {  	_ =	sfence  }
0xb8: {  	s30 =	sld [smem:$0x0];
	_ =	sdelay $0x2  }
0xb9: {  	s31 =	sshll.u32 s1, $0xD;
	s1 =	sshrl.u32 s1, $0x2  }
0xba: {  	s3 =	sand.u32 $0x4000, s31;
	s1 =	sadd.s32 s1, s30  }
0xbb: {  	s0 =	sor.u32 s3, s0;
	s1 =	sshll.u32 s1, $0x11  }
0xbc: {  	s0 =	sor.u32 s1, s0  }
0xbd: {  	s0 =	sadd.s32 $0x8F2B, s0  }
0xbe: {  	[sflag:s0] =	ssyncadd.remote.s32 $0x1  }
0xbf: {  	_ =	sfence.sel $0xFFFF  }
0xc0: {  	[dreg:$0x0] =	wrdreg $0xFFFFFFFF;
	(pc) =	sbr.abs _section_cstart, $3  }
0xc1: {  	[dreg:$0x1] =	wrdreg $0xFFFFFFFF  }
0xc2: {  	_ =	task.clear_ibuf [dreg:s7], $0x2FFFF;
	_ =	strace $0x9FFFFFFF  }
0xc3: {  	(tm) =	ssettm $0x7FFFFFFF  }
tec
execute0_lowered:
.L_overlay_start_1:
0x0: {  	(tag) =	ssettag $0x1  }
0x1: {  	s5 =	rddreg [dreg:$0x0]  }
0x2: {  	s10 =	rddreg [dreg:$0x1]  }
0x3: {  	s2 =	rddreg [dreg:$0x2]  }
0x4: {  	s0 =	rddreg [dreg:$0x3]  }
0x5: {  	s1 =	stileid.u32;
	s4 =	srdreg.scid;
	s3 =	simm.s32 $0x0  }
0x6: {  	s16 =	simm.s32 $0x80;
	s17 =	simm.s32 $0x6800;
	s6 =	smul.u32 $0x14000, s1  }
0x7: {  	s18 =	simm.s32 $0x1;
	s7 =	sand.u32 $0x1, s4;
	s11 =	smul.u32 $0x50000, s1  }
0x8: {  	[smem:$0x7FF] =	sst s3;
	s4 =	sadd.s32 $0x36E00, s5;
	s13 =	smul.u32 $0x1C00, s1  }
0x9: {  	s9 =	sadd.s32 $0x4E00, s5;
	s29 =	sshll.u32 s1, $0x6;
	s30 =	smul.u32 $0x680, s1  }
0xa: {  	s8 =	smul.u32 $0x140000, s7;
	_ =	strace $0x80000047;
	s26 =	ssub.s32 $0x2, s7  }
0xb: {  	p0 =	seq.s32 s7, $0x1;
	s28 =	sshrl.u32 s26, $0x1;
	s11 =	sshrl.u32 s11, $0x2  }
0xc: {  	s31 =	sshrl.u32 s13, $0x3;
	s7 =	sadd.s32 s9, s30;
	s8 =	sadd.s32 s6, s8  }
0xd: {  	s6 =	sshrl.u32 s6, $0x3;
	s14 =	ssub.s32 s26, s28;
	s15 =	sadd.s32 s11, s2  }
.Ltmp0:
0xe: {  	s11 =	sadd.s32 $0x6800, s31;
	s8 =	sshrl.u32 s8, $0x3;
	(pc) =	sbr.rel .LBB2_1-.Ltmp0, $4  }
0xf: {  	s6 =	sadd.s32 s6, s5;
	s9 =	sadd.s32 s9, s11;
	s13 =	sshrl.u32 s15, $0x3  }
0x10: {  	s15 =	simm.s32 $0x3400;
	s12 =	sadd.s32 s8, s5;
	s5 =	sadd.s32 $0xEE00, s6  }
0x11: {  	s6 =	sor.u32 $0x1C02, s29;
	s8 =	sadd.s32 s10, s30;
	s10 =	sadd.s32 s10, s11  }
0x12: {  	s11 =	sadd.s32 $0x5EE00, s12;
	s12 =	smax.u32 s14, $0x1;
	s14 =	simm.s32 $0x2  }
.LBB2_7:
0x13: {  	s19 =	sshra.s32 s19, $0x2;
	[sflag:s14] =	ssyncadd.s32 $0xFFFFC000  }
0x14: {  	[tilespmem:s17], [sflag:$0x1] =	stream.indirect.gather [hbm4b:s4+s16], $0x80, s19, s16, $0xb8;
	[tilespmem:$0x1E800] =	vst v63  }
0x15: {  	_ =	swait.ge [sflag:s18], $0x4000  }
0x16: {  	[sflag:s18] =	ssyncset.done $0x0  }
0x17: {  	s19 =	sadd.s32 $0x3400, s19;
	[sflag:s18] =	ssyncadd.s32 $0xFFFFC000  }
0x18: {  	[spmem:s2] =	stream.indirect.scatter.add.f32 [tilespmem:s17], [sflag:$0x2], $0x80, s19, s16, $0xb8;
	[tilespmem:$0x1E800] =	vst v63  }
0x19: {  	_ =	swait.ge [sflag:s14], $0x4000  }
0x1a: {  	[sflag:s14] =	ssyncset.done $0x0  }
0x1b: {  	[sflag:s14] =	ssyncadd.s32 $0xFFFFC000  }
.LBB2_8:
0x1c: {  	s3 =	sadd.s32 $0x1, s3  }
0x1d: {  	p1 =	sne.s32 s3, s12  }
.Ltmp1:
0x1e: {  	[bflag:$0x0] =	sbarrier.arrive $0xFFFF;
	(pc) =	sbr.rel @!p1 .LBB2_9-.Ltmp1, $4  }
0x1f: {  	[hbm:s11], [sflag:s6] =	dma.local [spmem:s13], $0x2800  }
0x20: {  	_ =	swait.ge [sflag:s14], $0x2800  }
0x21: {  	[sflag:s14] =	ssyncset.done $0x0  }
0x22: {  	[sflag:s14] =	ssyncadd.s32 $0xFFFFD800  }
.LBB2_1:
0x23: {  	[spmem:s13], [sflag:s6] =	dma.local [hbm:s5], $0x2800  }
.Ltmp2:
0x24: {  	_ =	swait.ge [sflag:s14], $0x2800;
	(pc) =	sbr.rel @!p0 .LBB2_2-.Ltmp2, $4  }
0x25: {  	[sflag:s14] =	ssyncset.done $0x0  }
0x26: {  	[sflag:s14] =	ssyncadd.s32 $0xFFFFD800  }
0x27: {  	[bflag:$0x0] =	sbarrier.arrive $0xFFFF  }
0x28: {  	s19 =	simm.s32 $0x0  }
0x29: {  	[tilespmem:s19], [sflag:$0x2] =	stream.linear.gather [hbm4b:s9+s19], $0x1C00, $0x38;
	[tilespmem:$0x1E800] =	vst v63  }
0x2a: {  	_ =	swait.ge [sflag:s14], $0x1C00  }
0x2b: {  	[sflag:s14] =	ssyncset.done $0x0  }
0x2c: {  	[sflag:s14] =	ssyncadd.s32 $0xFFFFE400  }
0x2d: {  	[tilespmem:s15], [sflag:$0x2] =	stream.linear.gather [hbm4b:s10+s19], $0x1C00, $0x38;
	[tilespmem:$0x1E800] =	vst v63  }
0x2e: {  	_ =	swait.ge [sflag:s14], $0x1C00  }
0x2f: {  	[sflag:s14] =	ssyncset.done $0x0  }
0x30: {  	s30 =	simm.s32 $0x0;
	[sflag:s14] =	ssyncadd.s32 $0xFFFFE400  }
0x31: {  	[tilespmem:s17], [sflag:$0x1] =	stream.indirect.gather [hbm4b:s4+s16], $0x80, s30, s16, $0xb8;
	[tilespmem:$0x1E800] =	vst v63  }
0x32: {  	_ =	swait.ge [sflag:s18], $0x4000  }
0x33: {  	[sflag:s18] =	ssyncset.done $0x0  }
0x34: {  	s31 =	simm.s32 $0x3400;
	[sflag:s18] =	ssyncadd.s32 $0xFFFFC000  }
0x35: {  	[spmem:s2] =	stream.indirect.scatter.add.f32 [tilespmem:s17], [sflag:$0x2], $0x80, s31, s16, $0xb8;
	[tilespmem:$0x1E800] =	vst v63  }
0x36: {  	_ =	swait.ge [sflag:s14], $0x4000  }
0x37: {  	s20 =	simm.s32 $0x400;
	s19 =	simm.s32 $0x200;
	[sflag:s14] =	ssyncset.done $0x0  }
.LBB2_6:
0x38: {  	s21 =	sshra.s32 s19, $0x2  }
0x39: {  	[sflag:s14] =	ssyncadd.s32 $0xFFFFC000;
	s19 =	smov.u32 s20;
	s22 =	sadd.s32 $0x200, s20  }
0x3a: {  	[tilespmem:s17], [sflag:$0x1] =	stream.indirect.gather [hbm4b:s4+s16], $0x80, s21, s16, $0xb8;
	[tilespmem:$0x1E800] =	vst v63  }
0x3b: {  	p1 =	sne.s32 s20, $0x6E00;
	_ =	swait.ge [sflag:s18], $0x4000  }
.Ltmp3:
0x3c: {  	[sflag:s18] =	ssyncset.done $0x0;
	(pc) =	sbr.rel @p1 .LBB2_6-.Ltmp3, $4  }
0x3d: {  	s20 =	sadd.s32 $0x3400, s21;
	[sflag:s18] =	ssyncadd.s32 $0xFFFFC000  }
0x3e: {  	[spmem:s2] =	stream.indirect.scatter.add.f32 [tilespmem:s17], [sflag:$0x2], $0x80, s20, s16, $0xb8;
	[tilespmem:$0x1E800] =	vst v63  }
0x3f: {  	_ =	swait.ge [sflag:s14], $0x4000  }
0x40: {  	s20 =	smov.u32 s22;
	[sflag:s14] =	ssyncset.done $0x0  }
.Ltmp4:
0x41: {  	_ = 	snop;
	(pc) =	sbr.rel .LBB2_7-.Ltmp4, $1  }
0x42: {  	_ =	sdelay $0x3  }
.LBB2_2:
0x43: {  	[tilespmem:s19], [sflag:$0x2] =	stream.linear.gather [hbm4b:s7+s19], $0x3400, $0x38;
	[tilespmem:$0x1E800] =	vst v63  }
0x44: {  	_ =	swait.ge [sflag:s14], $0x3400  }
0x45: {  	[sflag:s14] =	ssyncset.done $0x0  }
0x46: {  	[sflag:s14] =	ssyncadd.s32 $0xFFFFCC00  }
0x47: {  	[tilespmem:s15], [sflag:$0x2] =	stream.linear.gather [hbm4b:s8+s19], $0x3400, $0x38;
	[tilespmem:$0x1E800] =	vst v63  }
0x48: {  	_ =	swait.ge [sflag:s14], $0x3400  }
0x49: {  	[sflag:s14] =	ssyncset.done $0x0  }
0x4a: {  	s30 =	simm.s32 $0x0;
	[sflag:s14] =	ssyncadd.s32 $0xFFFFCC00  }
0x4b: {  	[tilespmem:s17], [sflag:$0x1] =	stream.indirect.gather [hbm4b:s4+s16], $0x80, s30, s16, $0xb8;
	[tilespmem:$0x1E800] =	vst v63  }
0x4c: {  	_ =	swait.ge [sflag:s18], $0x4000  }
0x4d: {  	[sflag:s18] =	ssyncset.done $0x0  }
0x4e: {  	s31 =	simm.s32 $0x3400;
	[sflag:s18] =	ssyncadd.s32 $0xFFFFC000  }
0x4f: {  	[spmem:s2] =	stream.indirect.scatter.add.f32 [tilespmem:s17], [sflag:$0x2], $0x80, s31, s16, $0xb8;
	[tilespmem:$0x1E800] =	vst v63  }
0x50: {  	_ =	swait.ge [sflag:s14], $0x4000  }
0x51: {  	s20 =	simm.s32 $0x400;
	s19 =	simm.s32 $0x200;
	[sflag:s14] =	ssyncset.done $0x0  }
.LBB2_3:
0x52: {  	s21 =	sshra.s32 s19, $0x2  }
0x53: {  	[sflag:s14] =	ssyncadd.s32 $0xFFFFC000;
	s19 =	smov.u32 s20;
	s22 =	sadd.s32 $0x200, s20  }
0x54: {  	[tilespmem:s17], [sflag:$0x1] =	stream.indirect.gather [hbm4b:s4+s16], $0x80, s21, s16, $0xb8;
	[tilespmem:$0x1E800] =	vst v63  }
0x55: {  	p1 =	seq.s32 s20, $0xCE00;
	_ =	swait.ge [sflag:s18], $0x4000  }
.Ltmp5:
0x56: {  	[sflag:s18] =	ssyncset.done $0x0;
	(pc) =	sbr.rel @!p1 .LBB2_3-.Ltmp5, $4  }
0x57: {  	s20 =	sadd.s32 $0x3400, s21;
	[sflag:s18] =	ssyncadd.s32 $0xFFFFC000  }
0x58: {  	[spmem:s2] =	stream.indirect.scatter.add.f32 [tilespmem:s17], [sflag:$0x2], $0x80, s20, s16, $0xb8;
	[tilespmem:$0x1E800] =	vst v63  }
0x59: {  	_ =	swait.ge [sflag:s14], $0x4000  }
0x5a: {  	s20 =	smov.u32 s22;
	[sflag:s14] =	ssyncset.done $0x0  }
0x5b: {  	s19 =	sshra.s32 s19, $0x2;
	[sflag:s14] =	ssyncadd.s32 $0xFFFFC000  }
0x5c: {  	[tilespmem:s17], [sflag:$0x1] =	stream.indirect.gather [hbm4b:s4+s16], $0x80, s19, s16, $0xb8;
	[tilespmem:$0x1E800] =	vst v63  }
0x5d: {  	_ =	swait.ge [sflag:s18], $0x4000  }
0x5e: {  	[sflag:s18] =	ssyncset.done $0x0  }
.Ltmp6:
0x5f: {  	s19 =	sadd.s32 $0x3400, s19;
	[sflag:s18] =	ssyncadd.s32 $0xFFFFC000;
	(pc) =	sbr.rel .LBB2_8-.Ltmp6, $4  }
0x60: {  	[spmem:s2] =	stream.indirect.scatter.add.f32 [tilespmem:s17], [sflag:$0x2], $0x80, s19, s16, $0xb8;
	[tilespmem:$0x1E800] =	vst v63  }
0x61: {  	_ =	swait.ge [sflag:s14], $0x4000  }
0x62: {  	[sflag:s14] =	ssyncset.done $0x0  }
0x63: {  	[sflag:s14] =	ssyncadd.s32 $0xFFFFC000  }
.LBB2_9:
0x64: {  	_ =	sfence.sel $0x180000  }
0x65: {  	[bflag:$0x0] =	sbarrier.arrive $0xFFFF  }
0x66: {  	p0 =	sne.s32 s1, $0x0;
	_ =	strace $0x90000047  }
0x67: {  	s0 =	sadd.s32 @!p0 $0x100000, s0;
	[bflag:$0x2] =	sbarrier.arrive $0xFFFF  }
0x68: {  	[sflag:s0] =	ssyncadd.tile.s32 @!p0 $0x1;
	_ =	shalt  }
.Lfunc_end2:
_tile_overlayer_lowered:
.L_overlay_start_2:
0x69: {  	(tag) =	ssettag $0x2  }
0x6a: {  	s0 =	rddreg [dreg:$0x0];
	s2 =	stileid.u32  }
0x6b: {  	s1 =	rddreg [dreg:$0x1];
	p0 =	sne.s32 s2, $0x0  }
0x6c: {  	s3 =	rddreg [dreg:$0x2];
	[bflag:$0x3] =	sbarrier.arrive $0xFFFF;
	s2 =	simm.s32 @!p0 $0x1C02  }
0x6d: {  	[timem:s3], [sflag:s2] =	dma.local @!p0 [hbm:s0], s1  }
0x6e: {  	s0 =	simm.s32 @!p0 $0x2  }
0x6f: {  	_ =	swait.ge @!p0 [sflag:s0], s1  }
0x70: {  	s1 =	ssub.s32 @!p0 $0x0, s1;
	[sflag:s0] =	ssyncset.done @!p0 $0x0  }
0x71: {  	[sflag:s0] =	ssyncadd.s32 @!p0 s1  }
0x72: {  	[bflag:$0x3] =	sbarrier.arrive $0xFFFF  }
0x73: {  	_ =	shalt  }

</sc_bundles>
